<compile_context>
chip_gen: v7x
topology: tpu7x:2x2x1
jax: 0.10.2.dev20260603
libtpu: 0.0.44.dev20260713+nightly
codegen_flags: <defaults>
</compile_context>

<pallas_src>
import functools

import jax
import jax.numpy as jnp
from jax import lax
from jax.experimental import pallas as pl
from jax.experimental.pallas import tpu as pltpu
from jax.experimental.pallas import tpu_sc as plsc

N = 10000
D_IN = 128
D_H = 128
D_OUT = 64
E = 320000

NC = 2
NS = 16
L = 16
NW = NC * NS

NPAD = 10112
RPT = NPAD // NS
NPADD = 10240
RPTD = NPADD // NS
CHD = 64
NCHUNKD = 160
CH = 32
EPW = 10240
NCHUNK = EPW // CH
EPAD = EPW * NW
HROWS = 10240
HHALF = HROWS // 2
NB = 2
NID = 4
NCHUNKA = EPAD // (NS * CH)

_MESH = plsc.VectorSubcoreMesh(core_axis_name="c", subcore_axis_name="s")


@functools.partial(
    pl.kernel,
    out_type=jax.ShapeDtypeStruct((NC, 2, NPADD), jnp.float32),
    mesh=_MESH,
    scratch_types=[
        pltpu.VMEM((NCHUNKD, 2 * CHD), jnp.int32),
        pltpu.VMEM((CHD,), jnp.float32),
        pltpu.VMEM_SHARED((NPADD,), jnp.float32),
        pltpu.VMEM_SHARED((NPADD,), jnp.float32),
    ],
)
def _deg_call(edges_hbm, zeros_hbm, out_hbm, eidx, ones_v, acc_s, acc_d):
    cid = lax.axis_index("c")
    sid = lax.axis_index("s")
    w = cid * NS + sid
    pltpu.sync_copy(zeros_hbm, acc_s.at[pl.ds(sid * RPTD, RPTD)])
    pltpu.sync_copy(zeros_hbm, acc_d.at[pl.ds(sid * RPTD, RPTD)])
    pltpu.sync_copy(edges_hbm.at[w], eidx)
    for i in range(CHD // L):
        ones_v[pl.ds(i * L, L)] = jnp.ones((L,), jnp.float32)
    plsc.subcore_barrier()

    def chunk(j, carry):
        pltpu.sync_copy(ones_v, acc_s.at[eidx.at[j, pl.ds(0, CHD)]], add=True)
        pltpu.sync_copy(ones_v, acc_d.at[eidx.at[j, pl.ds(CHD, CHD)]], add=True)
        return carry

    lax.fori_loop(0, NCHUNKD, chunk, 0)
    plsc.subcore_barrier()
    pltpu.sync_copy(acc_s.at[pl.ds(sid * RPTD, RPTD)],
                    out_hbm.at[cid, 0, pl.ds(sid * RPTD, RPTD)])
    pltpu.sync_copy(acc_d.at[pl.ds(sid * RPTD, RPTD)],
                    out_hbm.at[cid, 1, pl.ds(sid * RPTD, RPTD)])


def _make_agg(d):
    @functools.partial(
        pl.kernel,
        out_type=jax.ShapeDtypeStruct((NC, NPAD, d), jnp.float32),
        mesh=_MESH,
        scratch_types=[
            [pltpu.VMEM((1, CH), jnp.int32) for _ in range(NID)],
            [pltpu.VMEM((1, CH), jnp.int32) for _ in range(NID)],
            [pltpu.VMEM((CH, d), jnp.float32) for _ in range(NB)],
            pltpu.VMEM_SHARED((HHALF, d), jnp.float32),
            pltpu.VMEM_SHARED((NPAD, d), jnp.float32),
            [pltpu.SemaphoreType.DMA for _ in range(NID)],
            [pltpu.SemaphoreType.DMA for _ in range(NB)],
        ],
    )
    def agg(h_hbm, src_hbm, dst_hbm, zeros_hbm, out_hbm, sbufs, dbufs, rows, tab, acc, isems, gsems):
        cid = lax.axis_index("c")
        sid = lax.axis_index("s")
        base = jnp.zeros((L,), jnp.int32) + cid * HHALF
        pltpu.sync_copy(zeros_hbm, acc.at[pl.ds(sid * RPT, RPT)])
        spt = HHALF // NS
        pltpu.sync_copy(h_hbm.at[pl.ds(cid * HHALF + sid * spt, spt)],
                        tab.at[pl.ds(sid * spt, spt)])
        plsc.subcore_barrier()

        def fire_idx(j, b):
            pltpu.async_copy(src_hbm.at[cid, sid, j], sbufs[b], isems[b])
            pltpu.async_copy(dst_hbm.at[cid, sid, j], dbufs[b], isems[b])

        def remap(b):
            ib = ibufs[b]
            for k in range(CH // L):
                sv = ib[0, pl.ds(k * L, L)]
                dv = ib[0, pl.ds(CH + k * L, L)]
                t = sv - base
                oob = (t < 0) | (t >= HHALF)
                ib[0, pl.ds(k * L, L)] = jnp.where(oob, sv & 4095, t)
                ib[0, pl.ds(CH + k * L, L)] = jnp.where(oob, N + (dv & 63), dv)

        def launch_gather(b, r):
            pltpu.async_copy(tab.at[sbufs[b].at[0]], rows[r], gsems[r])

        def wait_gather(b, r):
            pltpu.make_async_copy(tab.at[sbufs[b].at[0]], rows[r], gsems[r]).wait()

        def wait_idx(j, b):
            pltpu.make_async_copy(src_hbm.at[cid, sid, j], sbufs[b], isems[b]).wait()
            pltpu.make_async_copy(dst_hbm.at[cid, sid, j], dbufs[b], isems[b]).wait()

        for k in range(NID - 1):
            fire_idx(k, k)
        wait_idx(0, 0)
        wait_idx(1, 1)
        launch_gather(0, 0)

        def step(m, carry):
            for u in range(NID):
                j = m * NID + u
                jf = j + NID - 1

                @pl.when(jf < NCHUNKA)
                def _():
                    fire_idx(jf, (u + NID - 1) % NID)

                jr = j + 2

                @pl.when(jr < NCHUNKA)
                def _():
                    wait_idx(jr, (u + 2) % NID)

                jl = j + 1

                @pl.when(jl < NCHUNKA)
                def _():
                    launch_gather((u + 1) % NID, (u + 1) % NB)

                wait_gather(u, u % NB)
                pltpu.sync_copy(rows[u % NB],
                                acc.at[dbufs[u].at[0]], add=True)
            return carry

        lax.fori_loop(0, NCHUNKA // NID, step, 0)
        plsc.subcore_barrier()
        pltpu.sync_copy(acc.at[pl.ds(sid * RPT, RPT)],
                        out_hbm.at[cid, pl.ds(sid * RPT, RPT)])

    return agg


_agg_h = _make_agg(D_H)


def _norm_body(c_ref, o_ref):
    s = c_ref[0] + c_ref[1]
    o_ref[...] = lax.rsqrt(jnp.maximum(s, 1.0))


def _norm_call(counts):
    return pl.pallas_call(
        _norm_body,
        out_shape=jax.ShapeDtypeStruct((2, NPADD), jnp.float32),
    )(counts)


RB = 2000


def _mm1_body(x_ref, w_ref, ns_ref, o_ref):
    o_ref[...] = jnp.dot(x_ref[...], w_ref[...],
                         preferred_element_type=jnp.float32) * ns_ref[...]


def _mm1_call(x, w1, norm_src):
    return pl.pallas_call(
        _mm1_body,
        grid=(N // RB,),
        in_specs=[
            pl.BlockSpec((RB, D_IN), lambda i: (i, 0)),
            pl.BlockSpec((D_IN, D_H), lambda i: (0, 0)),
            pl.BlockSpec((RB, 1), lambda i: (i, 0)),
        ],
        out_specs=pl.BlockSpec((RB, D_H), lambda i: (i, 0)),
        out_shape=jax.ShapeDtypeStruct((N, D_H), jnp.float32),
    )(x, w1, norm_src)


def _mid_body(p_ref, nd_ref, ns_ref, b1_ref, o_ref):
    h = p_ref[0] + p_ref[1]
    h = jnp.maximum(h * nd_ref[...] + b1_ref[...], 0.0)
    o_ref[...] = h * ns_ref[...]


def _mid_call(p, norm_dst, norm_src, b1):
    return pl.pallas_call(
        _mid_body,
        grid=(N // RB,),
        in_specs=[
            pl.BlockSpec((2, RB, D_H), lambda i: (0, i, 0)),
            pl.BlockSpec((RB, 1), lambda i: (i, 0)),
            pl.BlockSpec((RB, 1), lambda i: (i, 0)),
            pl.BlockSpec((1, D_H), lambda i: (0, 0)),
        ],
        out_specs=pl.BlockSpec((RB, D_H), lambda i: (i, 0)),
        out_shape=jax.ShapeDtypeStruct((N, D_H), jnp.float32),
    )(p, norm_dst, norm_src, b1)


def _fin_body(q_ref, nd_ref, w2_ref, b2_ref, o_ref):
    t = (q_ref[0] + q_ref[1]) * nd_ref[...]
    z = jnp.dot(t, w2_ref[...], preferred_element_type=jnp.float32) + b2_ref[...]
    m = jnp.max(z, axis=1, keepdims=True)
    zs = z - m
    o_ref[...] = zs - jnp.log(jnp.sum(jnp.exp(zs), axis=1, keepdims=True))


def _fin_call(q, norm_dst, w2, b2):
    return pl.pallas_call(
        _fin_body,
        grid=(N // RB,),
        in_specs=[
            pl.BlockSpec((2, RB, D_H), lambda i: (0, i, 0)),
            pl.BlockSpec((RB, 1), lambda i: (i, 0)),
            pl.BlockSpec((D_H, D_OUT), lambda i: (0, 0)),
            pl.BlockSpec((1, D_OUT), lambda i: (0, 0)),
        ],
        out_specs=pl.BlockSpec((RB, D_OUT), lambda i: (i, 0)),
        out_shape=jax.ShapeDtypeStruct((N, D_OUT), jnp.float32),
    )(q, norm_dst, w2, b2)


def kernel(in_feat, edge_index, W1, b1, W2, b2):
    src = edge_index[0].astype(jnp.int32)
    dst = edge_index[1].astype(jnp.int32)
    pad = jnp.full((EPAD - E,), N, dtype=jnp.int32)
    src_p = jnp.concatenate([src, pad])
    dst_p = jnp.concatenate([dst, pad])
    edges_deg = jnp.concatenate(
        [src_p.reshape(NW, NCHUNKD, CHD), dst_p.reshape(NW, NCHUNKD, CHD)], axis=-1)
    cores = []
    for c in range(NC):
        t = src_p - c * HHALF
        oob = (t < 0) | (t >= HHALF)
        s_r = jnp.where(oob, src_p & 4095, t)
        d_r = jnp.where(oob, N + (dst_p & 63), dst_p)
        cores.append((s_r.reshape(NS, NCHUNKA, 1, CH), d_r.reshape(NS, NCHUNKA, 1, CH)))
    src_agg = jnp.stack([c[0] for c in cores])
    dst_agg = jnp.stack([c[1] for c in cores])
    zeros1 = jnp.zeros((RPTD,), jnp.float32)
    zeros_h = jnp.zeros((RPT, D_H), jnp.float32)

    counts = _deg_call(edges_deg, zeros1)
    norms = _norm_call(counts)
    norm_src = norms[0, :N].reshape(N, 1)
    norm_dst = norms[1, :N].reshape(N, 1)

    hs = _mm1_call(in_feat, W1, norm_src)
    hs_pad = jnp.concatenate([hs, jnp.zeros((HROWS - N, D_H), jnp.float32)])
    p1 = _agg_h(hs_pad, src_agg, dst_agg, zeros_h)
    p1 = p1[:, :N]

    g2 = _mid_call(p1, norm_dst, norm_src, b1.reshape(1, D_H))
    g2_pad = jnp.concatenate([g2, jnp.zeros((HROWS - N, D_H), jnp.float32)])
    p2 = _agg_h(g2_pad, src_agg, dst_agg, zeros_h)
    p2 = p2[:, :N]

    return _fin_call(p2, norm_dst, W2, b2.reshape(1, D_OUT))

# --- scband reference (transcript-rebuilt; emitter-appended) ---
"""Pipeline reference for scband-gcn-74818330296984 (READ-ONLY COPY).

The authoritative reference and input builder live on the scoring server;
editing this copy changes nothing except your own understanding.
"""

import jax, jax.numpy as jnp
import numpy as np

N = 10000
E = 320000
D_IN = 128
D_H = 128
D_OUT = 64


def setup_inputs(seed: int = 0) -> dict:
    key = jax.random.key(seed)
    k1, k2, k3, k4 = jax.random.split(key, 4)
    in_feat = jax.random.normal(k1, (N, D_IN), dtype=jnp.float32)
    edge_index = jax.random.randint(k2, (2, E), 0, N)
    # Xavier-uniform init per reset_parameters (gain=1.0)
    lim1 = float(np.sqrt(6.0 / (D_IN + D_H)))
    lim2 = float(np.sqrt(6.0 / (D_H + D_OUT)))
    W1 = jax.random.uniform(k3, (D_IN, D_H), minval=-lim1, maxval=lim1, dtype=jnp.float32)
    W2 = jax.random.uniform(k4, (D_H, D_OUT), minval=-lim2, maxval=lim2, dtype=jnp.float32)
    b1 = jnp.zeros((D_H,), dtype=jnp.float32)
    b2 = jnp.zeros((D_OUT,), dtype=jnp.float32)
    return {"in_feat": in_feat, "edge_index": edge_index, "W1": W1, "b1": b1, "W2": W2, "b2": b2}


def _graph_conv(x, src, dst, W, b, n):
    # DGL GraphConv with norm='both': D_out^{-1/2} applied to src feats,
    # sum-aggregate over edges, D_in^{-1/2} applied to dst, then bias.
    out_deg = jnp.bincount(src, length=n).astype(x.dtype)
    in_deg = jnp.bincount(dst, length=n).astype(x.dtype)
    norm_src = jax.lax.rsqrt(jnp.clip(out_deg, 1.0, None))
    norm_dst = jax.lax.rsqrt(jnp.clip(in_deg, 1.0, None))
    h = x * norm_src[:, None]
    h = h @ W
    m = jnp.take(h, src, axis=0)
    agg = jax.ops.segment_sum(m, dst, num_segments=n)
    return agg * norm_dst[:, None] + b


def reference(in_feat, edge_index, W1, b1, W2, b2):
    src = edge_index[0]
    dst = edge_index[1]
    n = in_feat.shape[0]
    h = _graph_conv(in_feat, src, dst, W1, b1, n)
    h = jax.nn.relu(h)
    h = _graph_conv(h, src, dst, W2, b2, n)
    return jax.nn.log_softmax(h, axis=1)

if __name__ == "__main__":
    import jax
    _d = setup_inputs()
    print(jax.jit(kernel)(*tuple(_d.values())))

</pallas_src>

<mosaic_0001>
#map = affine_map<(d0, d1) -> (0, 0, 0)>
#map1 = affine_map<(d0, d1) -> (0)>
module attributes {stable_mosaic.version = 14 : i64} {
  func.func @_deg_call(%arg0: i32, %arg1: i32, %arg2: memref<32x160x128xi32, #tpu.memory_space<hbm>>, %arg3: memref<640xf32, #tpu.memory_space<hbm>>, %arg4: memref<2x2x10240xf32, #tpu.memory_space<hbm>>, %arg5: memref<160x128xi32, #tpu.memory_space<vmem>>, %arg6: memref<64xf32, #tpu.memory_space<vmem>>, %arg7: memref<10240xf32, #tpu.memory_space<vmem_shared>>, %arg8: memref<10240xf32, #tpu.memory_space<vmem_shared>>) attributes {dimension_semantics = [#tpu.dimension_semantics<core_parallel>, #tpu.dimension_semantics<subcore_parallel>], iteration_bounds = array<i64: 2, 16>, scalar_prefetch = 0 : i64, scratch_operands = 4 : i64, tpu.core_type = #tpu.core_type<sc_vector_subcore>, window_params = [{transform_indices = #map}, {transform_indices = #map1}, {transform_indices = #map}]} {
    %mul3A = arith.constant 16 : i32
    %mul3A_0 = arith.muli %arg0, %mul3A : i32
    %add3A = arith.addi %mul3A_0, %arg1 : i32
    %mul3A_1 = arith.constant 640 : i32
    %mul3A_2 = arith.muli %arg1, %mul3A_1 : i32
    "tpu.region"() ({
      %run_scoped3A_42 = tpu.sem_alloc : memref<!tpu.dma_semaphore, #tpu.memory_space<semaphore_mem>>
      %dma_start3A = tpu.memref_slice %arg7[%mul3A_2] : memref<10240xf32, #tpu.memory_space<vmem_shared>> -> memref<640xf32, #tpu.memory_space<vmem_shared>>
      tpu.enqueue_dma source(%arg3 : memref<640xf32, #tpu.memory_space<hbm>>) target(%dma_start3A : memref<640xf32, #tpu.memory_space<vmem_shared>>) target_semaphore(%run_scoped3A_42 : memref<!tpu.dma_semaphore, #tpu.memory_space<semaphore_mem>>)
      %dma_wait3A = tpu.memref_slice %arg7[%mul3A_2] : memref<10240xf32, #tpu.memory_space<vmem_shared>> -> memref<640xf32, #tpu.memory_space<vmem_shared>>
      tpu.wait_dma2 semaphore(%run_scoped3A_42 : memref<!tpu.dma_semaphore, #tpu.memory_space<semaphore_mem>>) src(%arg3 : memref<640xf32, #tpu.memory_space<hbm>>) dst(%dma_wait3A : memref<640xf32, #tpu.memory_space<vmem_shared>>)
      tpu.yield
    }) : () -> ()
    %mul3A_3 = arith.constant 640 : i32
    %mul3A_4 = arith.muli %arg1, %mul3A_3 : i32
    "tpu.region"() ({
      %run_scoped3A_42 = tpu.sem_alloc : memref<!tpu.dma_semaphore, #tpu.memory_space<semaphore_mem>>
      %dma_start3A = tpu.memref_slice %arg8[%mul3A_4] : memref<10240xf32, #tpu.memory_space<vmem_shared>> -> memref<640xf32, #tpu.memory_space<vmem_shared>>
      tpu.enqueue_dma source(%arg3 : memref<640xf32, #tpu.memory_space<hbm>>) target(%dma_start3A : memref<640xf32, #tpu.memory_space<vmem_shared>>) target_semaphore(%run_scoped3A_42 : memref<!tpu.dma_semaphore, #tpu.memory_space<semaphore_mem>>)
      %dma_wait3A = tpu.memref_slice %arg8[%mul3A_4] : memref<10240xf32, #tpu.memory_space<vmem_shared>> -> memref<640xf32, #tpu.memory_space<vmem_shared>>
      tpu.wait_dma2 semaphore(%run_scoped3A_42 : memref<!tpu.dma_semaphore, #tpu.memory_space<semaphore_mem>>) src(%arg3 : memref<640xf32, #tpu.memory_space<hbm>>) dst(%dma_wait3A : memref<640xf32, #tpu.memory_space<vmem_shared>>)
      tpu.yield
    }) : () -> ()
    "tpu.region"() ({
      %run_scoped3A_42 = tpu.sem_alloc : memref<!tpu.dma_semaphore, #tpu.memory_space<semaphore_mem>>
      %dma_start3A = arith.constant 0 : i32
      %dma_start3A_43 = arith.constant 0 : i32
      %dma_start3A_44 = tpu.memref_slice %arg2[%add3A, %dma_start3A, %dma_start3A_43] : memref<32x160x128xi32, #tpu.memory_space<hbm>> -> memref<1x160x128xi32, #tpu.memory_space<hbm>>
      %dma_start3A_45 = tpu.memref_squeeze %dma_start3A_44 : memref<1x160x128xi32, #tpu.memory_space<hbm>> -> memref<160x128xi32, #tpu.memory_space<hbm>>
      %dma_start3A_46 = arith.constant 0 : i32
      %dma_start3A_47 = arith.constant 0 : i32
      %dma_start3A_48 = tpu.memref_slice %arg2[%add3A, %dma_start3A_46, %dma_start3A_47] : memref<32x160x128xi32, #tpu.memory_space<hbm>> -> memref<1x160x128xi32, #tpu.memory_space<hbm>>
      %dma_start3A_49 = tpu.memref_squeeze %dma_start3A_48 : memref<1x160x128xi32, #tpu.memory_space<hbm>> -> memref<160x128xi32, #tpu.memory_space<hbm>>
      tpu.enqueue_dma source(%dma_start3A_49 : memref<160x128xi32, #tpu.memory_space<hbm>>) target(%arg5 : memref<160x128xi32, #tpu.memory_space<vmem>>) target_semaphore(%run_scoped3A_42 : memref<!tpu.dma_semaphore, #tpu.memory_space<semaphore_mem>>)
      %dma_wait3A = arith.constant 0 : i32
      %dma_wait3A_50 = arith.constant 0 : i32
      %dma_wait3A_51 = tpu.memref_slice %arg2[%add3A, %dma_wait3A, %dma_wait3A_50] : memref<32x160x128xi32, #tpu.memory_space<hbm>> -> memref<1x160x128xi32, #tpu.memory_space<hbm>>
      %dma_wait3A_52 = tpu.memref_squeeze %dma_wait3A_51 : memref<1x160x128xi32, #tpu.memory_space<hbm>> -> memref<160x128xi32, #tpu.memory_space<hbm>>
      %dma_wait3A_53 = arith.constant 0 : i32
      %dma_wait3A_54 = arith.constant 0 : i32
      %dma_wait3A_55 = tpu.memref_slice %arg2[%add3A, %dma_wait3A_53, %dma_wait3A_54] : memref<32x160x128xi32, #tpu.memory_space<hbm>> -> memref<1x160x128xi32, #tpu.memory_space<hbm>>
      %dma_wait3A_56 = tpu.memref_squeeze %dma_wait3A_55 : memref<1x160x128xi32, #tpu.memory_space<hbm>> -> memref<160x128xi32, #tpu.memory_space<hbm>>
      tpu.wait_dma2 semaphore(%run_scoped3A_42 : memref<!tpu.dma_semaphore, #tpu.memory_space<semaphore_mem>>) src(%dma_wait3A_56 : memref<160x128xi32, #tpu.memory_space<hbm>>) dst(%arg5 : memref<160x128xi32, #tpu.memory_space<vmem>>)
      tpu.yield
    }) : () -> ()
    %broadcast_in_dim3A = arith.constant 1.000000e+00 : f32
    %broadcast_in_dim3A_5 = vector.broadcast %broadcast_in_dim3A : f32 to vector<16xf32>
    %swap3A = arith.constant 0 : index
    %swap3A_6 = tpu.vector_load %arg6[%swap3A] {strides = array<i32>} : memref<64xf32, #tpu.memory_space<vmem>>, vector<16xf32>,
    %swap3A_7 = vector.shape_cast %swap3A_6 : vector<16xf32> to vector<16xf32>
    %swap3A_8 = vector.shape_cast %broadcast_in_dim3A_5 : vector<16xf32> to vector<16xf32>
    tpu.vector_store %arg6[%swap3A], %swap3A_8 {strides = array<i32>} : memref<64xf32, #tpu.memory_space<vmem>>, vector<16xf32>,
    %broadcast_in_dim3A_9 = arith.constant 1.000000e+00 : f32
    %broadcast_in_dim3A_10 = vector.broadcast %broadcast_in_dim3A_9 : f32 to vector<16xf32>
    %swap3A_11 = arith.constant 16 : index
    %swap3A_12 = tpu.vector_load %arg6[%swap3A_11] {strides = array<i32>} : memref<64xf32, #tpu.memory_space<vmem>>, vector<16xf32>,
    %swap3A_13 = vector.shape_cast %swap3A_12 : vector<16xf32> to vector<16xf32>
    %swap3A_14 = vector.shape_cast %broadcast_in_dim3A_10 : vector<16xf32> to vector<16xf32>
    tpu.vector_store %arg6[%swap3A_11], %swap3A_14 {strides = array<i32>} : memref<64xf32, #tpu.memory_space<vmem>>, vector<16xf32>,
    %broadcast_in_dim3A_15 = arith.constant 1.000000e+00 : f32
    %broadcast_in_dim3A_16 = vector.broadcast %broadcast_in_dim3A_15 : f32 to vector<16xf32>
    %swap3A_17 = arith.constant 32 : index
    %swap3A_18 = tpu.vector_load %arg6[%swap3A_17] {strides = array<i32>} : memref<64xf32, #tpu.memory_space<vmem>>, vector<16xf32>,
    %swap3A_19 = vector.shape_cast %swap3A_18 : vector<16xf32> to vector<16xf32>
    %swap3A_20 = vector.shape_cast %broadcast_in_dim3A_16 : vector<16xf32> to vector<16xf32>
    tpu.vector_store %arg6[%swap3A_17], %swap3A_20 {strides = array<i32>} : memref<64xf32, #tpu.memory_space<vmem>>, vector<16xf32>,
    %broadcast_in_dim3A_21 = arith.constant 1.000000e+00 : f32
    %broadcast_in_dim3A_22 = vector.broadcast %broadcast_in_dim3A_21 : f32 to vector<16xf32>
    %swap3A_23 = arith.constant 48 : index
    %swap3A_24 = tpu.vector_load %arg6[%swap3A_23] {strides = array<i32>} : memref<64xf32, #tpu.memory_space<vmem>>, vector<16xf32>,
    %swap3A_25 = vector.shape_cast %swap3A_24 : vector<16xf32> to vector<16xf32>
    %swap3A_26 = vector.shape_cast %broadcast_in_dim3A_22 : vector<16xf32> to vector<16xf32>
    tpu.vector_store %arg6[%swap3A_23], %swap3A_26 {strides = array<i32>} : memref<64xf32, #tpu.memory_space<vmem>>, vector<16xf32>,
    %barrier3A = arith.constant 0 : index
    tpu.barrier barrier_id(%barrier3A)
    %scan3A = arith.constant 0 : i32
    %scan3A_27 = arith.constant 0 : i32
    %scan3A_28 = arith.constant 160 : i32
    %scan3A_29 = arith.addi %scan3A_27, %scan3A_28 : i32
    %scan3A_30 = arith.constant 1 : i32
    scf.for %scan3A_42 = %scan3A_27 to %scan3A_29 step %scan3A_30  : i32 {
      "tpu.region"() ({
        %run_scoped3A_43 = tpu.sem_alloc : memref<!tpu.dma_semaphore, #tpu.memory_space<semaphore_mem>>
        %dma_start3A = arith.constant 0 : i32
        %dma_start3A_44 = tpu.memref_slice %arg5[%scan3A_42, %dma_start3A] : memref<160x128xi32, #tpu.memory_space<vmem>> -> memref<1x64xi32, #tpu.memory_space<vmem>>
        %dma_start3A_45 = tpu.memref_squeeze %dma_start3A_44 : memref<1x64xi32, #tpu.memory_space<vmem>> -> memref<64xi32, #tpu.memory_space<vmem>>
        %dma_start3A_46 = arith.constant 0 : i32
        %dma_start3A_47 = tpu.memref_slice %arg7[%dma_start3A_46] : memref<10240xf32, #tpu.memory_space<vmem_shared>> -> memref<10240xf32, #tpu.memory_space<vmem_shared>>
        tpu.enqueue_indirect_dma source(%arg6 : memref<64xf32, #tpu.memory_space<vmem>>) target(%dma_start3A_47 : memref<10240xf32, #tpu.memory_space<vmem_shared>>) offsets(%dma_start3A_45 : memref<64xi32, #tpu.memory_space<vmem>>) semaphore(%run_scoped3A_43 : memref<!tpu.dma_semaphore, #tpu.memory_space<semaphore_mem>>) {add = true}
        %dma_wait3A = arith.constant 0 : i32
        %dma_wait3A_48 = tpu.memref_slice %arg5[%scan3A_42, %dma_wait3A] : memref<160x128xi32, #tpu.memory_space<vmem>> -> memref<1x64xi32, #tpu.memory_space<vmem>>
        %dma_wait3A_49 = tpu.memref_squeeze %dma_wait3A_48 : memref<1x64xi32, #tpu.memory_space<vmem>> -> memref<64xi32, #tpu.memory_space<vmem>>
        %dma_wait3A_50 = arith.constant 0 : i32
        %dma_wait3A_51 = tpu.memref_slice %arg7[%dma_wait3A_50] : memref<10240xf32, #tpu.memory_space<vmem_shared>> -> memref<10240xf32, #tpu.memory_space<vmem_shared>>
        tpu.wait_indirect_dma semaphore(%run_scoped3A_43 : memref<!tpu.dma_semaphore, #tpu.memory_space<semaphore_mem>>) src(%arg6 : memref<64xf32, #tpu.memory_space<vmem>>) dst(%dma_wait3A_51 : memref<10240xf32, #tpu.memory_space<vmem_shared>>)
        tpu.yield
      }) : () -> ()
      "tpu.region"() ({
        %run_scoped3A_43 = tpu.sem_alloc : memref<!tpu.dma_semaphore, #tpu.memory_space<semaphore_mem>>
        %dma_start3A = arith.constant 64 : i32
        %dma_start3A_44 = tpu.memref_slice %arg5[%scan3A_42, %dma_start3A] : memref<160x128xi32, #tpu.memory_space<vmem>> -> memref<1x64xi32, #tpu.memory_space<vmem>>
        %dma_start3A_45 = tpu.memref_squeeze %dma_start3A_44 : memref<1x64xi32, #tpu.memory_space<vmem>> -> memref<64xi32, #tpu.memory_space<vmem>>
        %dma_start3A_46 = arith.constant 0 : i32
        %dma_start3A_47 = tpu.memref_slice %arg8[%dma_start3A_46] : memref<10240xf32, #tpu.memory_space<vmem_shared>> -> memref<10240xf32, #tpu.memory_space<vmem_shared>>
        tpu.enqueue_indirect_dma source(%arg6 : memref<64xf32, #tpu.memory_space<vmem>>) target(%dma_start3A_47 : memref<10240xf32, #tpu.memory_space<vmem_shared>>) offsets(%dma_start3A_45 : memref<64xi32, #tpu.memory_space<vmem>>) semaphore(%run_scoped3A_43 : memref<!tpu.dma_semaphore, #tpu.memory_space<semaphore_mem>>) {add = true}
        %dma_wait3A = arith.constant 64 : i32
        %dma_wait3A_48 = tpu.memref_slice %arg5[%scan3A_42, %dma_wait3A] : memref<160x128xi32, #tpu.memory_space<vmem>> -> memref<1x64xi32, #tpu.memory_space<vmem>>
        %dma_wait3A_49 = tpu.memref_squeeze %dma_wait3A_48 : memref<1x64xi32, #tpu.memory_space<vmem>> -> memref<64xi32, #tpu.memory_space<vmem>>
        %dma_wait3A_50 = arith.constant 0 : i32
        %dma_wait3A_51 = tpu.memref_slice %arg8[%dma_wait3A_50] : memref<10240xf32, #tpu.memory_space<vmem_shared>> -> memref<10240xf32, #tpu.memory_space<vmem_shared>>
        tpu.wait_indirect_dma semaphore(%run_scoped3A_43 : memref<!tpu.dma_semaphore, #tpu.memory_space<semaphore_mem>>) src(%arg6 : memref<64xf32, #tpu.memory_space<vmem>>) dst(%dma_wait3A_51 : memref<10240xf32, #tpu.memory_space<vmem_shared>>)
        tpu.yield
      }) : () -> ()
    }
    %scan3A_31 = arith.constant 160 : i32
    %barrier3A_32 = arith.constant 0 : index
    tpu.barrier barrier_id(%barrier3A_32)
    %mul3A_33 = arith.constant 640 : i32
    %mul3A_34 = arith.muli %arg1, %mul3A_33 : i32
    %mul3A_35 = arith.constant 640 : i32
    %mul3A_36 = arith.muli %arg1, %mul3A_35 : i32
    %run_scoped3A = arith.constant 0 : i32
    "tpu.region"() ({
      %run_scoped3A_42 = tpu.sem_alloc : memref<!tpu.dma_semaphore, #tpu.memory_space<semaphore_mem>>
      %dma_start3A = tpu.memref_slice %arg4[%arg0, %run_scoped3A, %mul3A_36] : memref<2x2x10240xf32, #tpu.memory_space<hbm>> -> memref<1x1x640xf32, #tpu.memory_space<hbm>>
      %dma_start3A_43 = tpu.memref_squeeze %dma_start3A : memref<1x1x640xf32, #tpu.memory_space<hbm>> -> memref<640xf32, #tpu.memory_space<hbm>>
      %dma_start3A_44 = tpu.memref_slice %arg7[%mul3A_34] : memref<10240xf32, #tpu.memory_space<vmem_shared>> -> memref<640xf32, #tpu.memory_space<vmem_shared>>
      tpu.enqueue_dma source(%dma_start3A_44 : memref<640xf32, #tpu.memory_space<vmem_shared>>) target(%dma_start3A_43 : memref<640xf32, #tpu.memory_space<hbm>>) target_semaphore(%run_scoped3A_42 : memref<!tpu.dma_semaphore, #tpu.memory_space<semaphore_mem>>)
      %dma_wait3A = tpu.memref_slice %arg4[%arg0, %run_scoped3A, %mul3A_36] : memref<2x2x10240xf32, #tpu.memory_space<hbm>> -> memref<1x1x640xf32, #tpu.memory_space<hbm>>
      %dma_wait3A_45 = tpu.memref_squeeze %dma_wait3A : memref<1x1x640xf32, #tpu.memory_space<hbm>> -> memref<640xf32, #tpu.memory_space<hbm>>
      %dma_wait3A_46 = tpu.memref_slice %arg7[%mul3A_34] : memref<10240xf32, #tpu.memory_space<vmem_shared>> -> memref<640xf32, #tpu.memory_space<vmem_shared>>
      tpu.wait_dma2 semaphore(%run_scoped3A_42 : memref<!tpu.dma_semaphore, #tpu.memory_space<semaphore_mem>>) src(%dma_wait3A_46 : memref<640xf32, #tpu.memory_space<vmem_shared>>) dst(%dma_wait3A_45 : memref<640xf32, #tpu.memory_space<hbm>>)
      tpu.yield
    }) : () -> ()
    %mul3A_37 = arith.constant 640 : i32
    %mul3A_38 = arith.muli %arg1, %mul3A_37 : i32
    %mul3A_39 = arith.constant 640 : i32
    %mul3A_40 = arith.muli %arg1, %mul3A_39 : i32
    %run_scoped3A_41 = arith.constant 1 : i32
    "tpu.region"() ({
      %run_scoped3A_42 = tpu.sem_alloc : memref<!tpu.dma_semaphore, #tpu.memory_space<semaphore_mem>>
      %dma_start3A = tpu.memref_slice %arg4[%arg0, %run_scoped3A_41, %mul3A_40] : memref<2x2x10240xf32, #tpu.memory_space<hbm>> -> memref<1x1x640xf32, #tpu.memory_space<hbm>>
      %dma_start3A_43 = tpu.memref_squeeze %dma_start3A : memref<1x1x640xf32, #tpu.memory_space<hbm>> -> memref<640xf32, #tpu.memory_space<hbm>>
      %dma_start3A_44 = tpu.memref_slice %arg8[%mul3A_38] : memref<10240xf32, #tpu.memory_space<vmem_shared>> -> memref<640xf32, #tpu.memory_space<vmem_shared>>
      tpu.enqueue_dma source(%dma_start3A_44 : memref<640xf32, #tpu.memory_space<vmem_shared>>) target(%dma_start3A_43 : memref<640xf32, #tpu.memory_space<hbm>>) target_semaphore(%run_scoped3A_42 : memref<!tpu.dma_semaphore, #tpu.memory_space<semaphore_mem>>)
      %dma_wait3A = tpu.memref_slice %arg4[%arg0, %run_scoped3A_41, %mul3A_40] : memref<2x2x10240xf32, #tpu.memory_space<hbm>> -> memref<1x1x640xf32, #tpu.memory_space<hbm>>
      %dma_wait3A_45 = tpu.memref_squeeze %dma_wait3A : memref<1x1x640xf32, #tpu.memory_space<hbm>> -> memref<640xf32, #tpu.memory_space<hbm>>
      %dma_wait3A_46 = tpu.memref_slice %arg8[%mul3A_38] : memref<10240xf32, #tpu.memory_space<vmem_shared>> -> memref<640xf32, #tpu.memory_space<vmem_shared>>
      tpu.wait_dma2 semaphore(%run_scoped3A_42 : memref<!tpu.dma_semaphore, #tpu.memory_space<semaphore_mem>>) src(%dma_wait3A_46 : memref<640xf32, #tpu.memory_space<vmem_shared>>) dst(%dma_wait3A_45 : memref<640xf32, #tpu.memory_space<hbm>>)
      tpu.yield
    }) : () -> ()
    return
  }
}

#map = affine_map<(d0, d1) -> (0, 0)>
#map1 = affine_map<(d0, d1) -> (0, 0, 0, 0, 0)>
#map2 = affine_map<(d0, d1) -> (0, 0, 0)>
module attributes {stable_mosaic.version = 14 : i64} {
  func.func @agg(%arg0: i32, %arg1: i32, %arg2: memref<10240x128xf32, #tpu.memory_space<hbm>>, %arg3: memref<2x16x640x1x32xi32, #tpu.memory_space<hbm>>, %arg4: memref<2x16x640x1x32xi32, #tpu.memory_space<hbm>>, %arg5: memref<632x128xf32, #tpu.memory_space<hbm>>, %arg6: memref<2x10112x128xf32, #tpu.memory_space<hbm>>, %arg7: memref<1x32xi32, #tpu.memory_space<vmem>>, %arg8: memref<1x32xi32, #tpu.memory_space<vmem>>, %arg9: memref<1x32xi32, #tpu.memory_space<vmem>>, %arg10: memref<1x32xi32, #tpu.memory_space<vmem>>, %arg11: memref<1x32xi32, #tpu.memory_space<vmem>>, %arg12: memref<1x32xi32, #tpu.memory_space<vmem>>, %arg13: memref<1x32xi32, #tpu.memory_space<vmem>>, %arg14: memref<1x32xi32, #tpu.memory_space<vmem>>, %arg15: memref<32x128xf32, #tpu.memory_space<vmem>>, %arg16: memref<32x128xf32, #tpu.memory_space<vmem>>, %arg17: memref<5120x128xf32, #tpu.memory_space<vmem_shared>>, %arg18: memref<10112x128xf32, #tpu.memory_space<vmem_shared>>, %arg19: memref<!tpu.dma_semaphore, #tpu.memory_space<semaphore_mem>>, %arg20: memref<!tpu.dma_semaphore, #tpu.memory_space<semaphore_mem>>, %arg21: memref<!tpu.dma_semaphore, #tpu.memory_space<semaphore_mem>>, %arg22: memref<!tpu.dma_semaphore, #tpu.memory_space<semaphore_mem>>, %arg23: memref<!tpu.dma_semaphore, #tpu.memory_space<semaphore_mem>>, %arg24: memref<!tpu.dma_semaphore, #tpu.memory_space<semaphore_mem>>) attributes {dimension_semantics = [#tpu.dimension_semantics<core_parallel>, #tpu.dimension_semantics<subcore_parallel>], iteration_bounds = array<i64: 2, 16>, scalar_prefetch = 0 : i64, scratch_operands = 18 : i64, tpu.core_type = #tpu.core_type<sc_vector_subcore>, window_params = [{transform_indices = #map}, {transform_indices = #map1}, {transform_indices = #map1}, {transform_indices = #map}, {transform_indices = #map2}]} {
    %broadcast_in_dim3A = arith.constant 0 : i32
    %broadcast_in_dim3A_0 = vector.broadcast %broadcast_in_dim3A : i32 to vector<16xi32>
    %mul3A = arith.constant 5120 : i32
    %mul3A_1 = arith.muli %arg0, %mul3A : i32
    %add3A = vector.broadcast %mul3A_1 : i32 to vector<16xi32>
    %add3A_2 = arith.addi %broadcast_in_dim3A_0, %add3A : vector<16xi32>
    %mul3A_3 = arith.constant 632 : i32
    %mul3A_4 = arith.muli %arg1, %mul3A_3 : i32
    "tpu.region"() ({
      %run_scoped3A = tpu.sem_alloc : memref<!tpu.dma_semaphore, #tpu.memory_space<semaphore_mem>>
      %dma_start3A_117 = arith.constant 0 : i32
      %dma_start3A_118 = tpu.memref_slice %arg18[%mul3A_4, %dma_start3A_117] : memref<10112x128xf32, #tpu.memory_space<vmem_shared>> -> memref<632x128xf32, #tpu.memory_space<vmem_shared>>
      tpu.enqueue_dma source(%arg5 : memref<632x128xf32, #tpu.memory_space<hbm>>) target(%dma_start3A_118 : memref<632x128xf32, #tpu.memory_space<vmem_shared>>) target_semaphore(%run_scoped3A : memref<!tpu.dma_semaphore, #tpu.memory_space<semaphore_mem>>)
      %dma_wait3A_119 = arith.constant 0 : i32
      %dma_wait3A_120 = tpu.memref_slice %arg18[%mul3A_4, %dma_wait3A_119] : memref<10112x128xf32, #tpu.memory_space<vmem_shared>> -> memref<632x128xf32, #tpu.memory_space<vmem_shared>>
      tpu.wait_dma2 semaphore(%run_scoped3A : memref<!tpu.dma_semaphore, #tpu.memory_space<semaphore_mem>>) src(%arg5 : memref<632x128xf32, #tpu.memory_space<hbm>>) dst(%dma_wait3A_120 : memref<632x128xf32, #tpu.memory_space<vmem_shared>>)
      tpu.yield
    }) : () -> ()
    %mul3A_5 = arith.constant 5120 : i32
    %mul3A_6 = arith.muli %arg0, %mul3A_5 : i32
    %mul3A_7 = arith.constant 320 : i32
    %mul3A_8 = arith.muli %arg1, %mul3A_7 : i32
    %add3A_9 = arith.addi %mul3A_6, %mul3A_8 : i32
    %mul3A_10 = arith.constant 320 : i32
    %mul3A_11 = arith.muli %arg1, %mul3A_10 : i32
    "tpu.region"() ({
      %run_scoped3A = tpu.sem_alloc : memref<!tpu.dma_semaphore, #tpu.memory_space<semaphore_mem>>
      %dma_start3A_117 = arith.constant 0 : i32
      %dma_start3A_118 = tpu.memref_slice %arg17[%mul3A_11, %dma_start3A_117] : memref<5120x128xf32, #tpu.memory_space<vmem_shared>> -> memref<320x128xf32, #tpu.memory_space<vmem_shared>>
      %dma_start3A_119 = arith.constant 0 : i32
      %dma_start3A_120 = tpu.memref_slice %arg2[%add3A_9, %dma_start3A_119] : memref<10240x128xf32, #tpu.memory_space<hbm>> -> memref<320x128xf32, #tpu.memory_space<hbm>>
      tpu.enqueue_dma source(%dma_start3A_120 : memref<320x128xf32, #tpu.memory_space<hbm>>) target(%dma_start3A_118 : memref<320x128xf32, #tpu.memory_space<vmem_shared>>) target_semaphore(%run_scoped3A : memref<!tpu.dma_semaphore, #tpu.memory_space<semaphore_mem>>)
      %dma_wait3A_121 = arith.constant 0 : i32
      %dma_wait3A_122 = tpu.memref_slice %arg17[%mul3A_11, %dma_wait3A_121] : memref<5120x128xf32, #tpu.memory_space<vmem_shared>> -> memref<320x128xf32, #tpu.memory_space<vmem_shared>>
      %dma_wait3A_123 = arith.constant 0 : i32
      %dma_wait3A_124 = tpu.memref_slice %arg2[%add3A_9, %dma_wait3A_123] : memref<10240x128xf32, #tpu.memory_space<hbm>> -> memref<320x128xf32, #tpu.memory_space<hbm>>
      tpu.wait_dma2 semaphore(%run_scoped3A : memref<!tpu.dma_semaphore, #tpu.memory_space<semaphore_mem>>) src(%dma_wait3A_124 : memref<320x128xf32, #tpu.memory_space<hbm>>) dst(%dma_wait3A_122 : memref<320x128xf32, #tpu.memory_space<vmem_shared>>)
      tpu.yield
    }) : () -> ()
    %barrier3A = arith.constant 0 : index
    tpu.barrier barrier_id(%barrier3A)
    %dma_start3A = arith.constant 0 : i32
    %dma_start3A_12 = arith.constant 0 : i32
    %dma_start3A_13 = arith.constant 0 : i32
    %dma_start3A_14 = tpu.memref_slice %arg3[%arg0, %arg1, %dma_start3A, %dma_start3A_12, %dma_start3A_13] : memref<2x16x640x1x32xi32, #tpu.memory_space<hbm>> -> memref<1x1x1x1x32xi32, #tpu.memory_space<hbm>>
    %dma_start3A_15 = tpu.memref_squeeze %dma_start3A_14 : memref<1x1x1x1x32xi32, #tpu.memory_space<hbm>> -> memref<1x32xi32, #tpu.memory_space<hbm>>
    %dma_start3A_16 = arith.constant 0 : i32
    %dma_start3A_17 = arith.constant 0 : i32
    %dma_start3A_18 = tpu.memref_slice %arg3[%arg0, %arg1, %dma_start3A, %dma_start3A_16, %dma_start3A_17] : memref<2x16x640x1x32xi32, #tpu.memory_space<hbm>> -> memref<1x1x1x1x32xi32, #tpu.memory_space<hbm>>
    %dma_start3A_19 = tpu.memref_squeeze %dma_start3A_18 : memref<1x1x1x1x32xi32, #tpu.memory_space<hbm>> -> memref<1x32xi32, #tpu.memory_space<hbm>>
    tpu.enqueue_dma source(%dma_start3A_19 : memref<1x32xi32, #tpu.memory_space<hbm>>) target(%arg7 : memref<1x32xi32, #tpu.memory_space<vmem>>) target_semaphore(%arg19 : memref<!tpu.dma_semaphore, #tpu.memory_space<semaphore_mem>>)
    %dma_start3A_20 = arith.constant 0 : i32
    %dma_start3A_21 = arith.constant 0 : i32
    %dma_start3A_22 = arith.constant 0 : i32
    %dma_start3A_23 = tpu.memref_slice %arg4[%arg0, %arg1, %dma_start3A_20, %dma_start3A_21, %dma_start3A_22] : memref<2x16x640x1x32xi32, #tpu.memory_space<hbm>> -> memref<1x1x1x1x32xi32, #tpu.memory_space<hbm>>
    %dma_start3A_24 = tpu.memref_squeeze %dma_start3A_23 : memref<1x1x1x1x32xi32, #tpu.memory_space<hbm>> -> memref<1x32xi32, #tpu.memory_space<hbm>>
    %dma_start3A_25 = arith.constant 0 : i32
    %dma_start3A_26 = arith.constant 0 : i32
    %dma_start3A_27 = tpu.memref_slice %arg4[%arg0, %arg1, %dma_start3A_20, %dma_start3A_25, %dma_start3A_26] : memref<2x16x640x1x32xi32, #tpu.memory_space<hbm>> -> memref<1x1x1x1x32xi32, #tpu.memory_space<hbm>>
    %dma_start3A_28 = tpu.memref_squeeze %dma_start3A_27 : memref<1x1x1x1x32xi32, #tpu.memory_space<hbm>> -> memref<1x32xi32, #tpu.memory_space<hbm>>
    tpu.enqueue_dma source(%dma_start3A_28 : memref<1x32xi32, #tpu.memory_space<hbm>>) target(%arg11 : memref<1x32xi32, #tpu.memory_space<vmem>>) target_semaphore(%arg19 : memref<!tpu.dma_semaphore, #tpu.memory_space<semaphore_mem>>)
    %dma_start3A_29 = arith.constant 1 : i32
    %dma_start3A_30 = arith.constant 0 : i32
    %dma_start3A_31 = arith.constant 0 : i32
    %dma_start3A_32 = tpu.memref_slice %arg3[%arg0, %arg1, %dma_start3A_29, %dma_start3A_30, %dma_start3A_31] : memref<2x16x640x1x32xi32, #tpu.memory_space<hbm>> -> memref<1x1x1x1x32xi32, #tpu.memory_space<hbm>>
    %dma_start3A_33 = tpu.memref_squeeze %dma_start3A_32 : memref<1x1x1x1x32xi32, #tpu.memory_space<hbm>> -> memref<1x32xi32, #tpu.memory_space<hbm>>
    %dma_start3A_34 = arith.constant 0 : i32
    %dma_start3A_35 = arith.constant 0 : i32
    %dma_start3A_36 = tpu.memref_slice %arg3[%arg0, %arg1, %dma_start3A_29, %dma_start3A_34, %dma_start3A_35] : memref<2x16x640x1x32xi32, #tpu.memory_space<hbm>> -> memref<1x1x1x1x32xi32, #tpu.memory_space<hbm>>
    %dma_start3A_37 = tpu.memref_squeeze %dma_start3A_36 : memref<1x1x1x1x32xi32, #tpu.memory_space<hbm>> -> memref<1x32xi32, #tpu.memory_space<hbm>>
    tpu.enqueue_dma source(%dma_start3A_37 : memref<1x32xi32, #tpu.memory_space<hbm>>) target(%arg8 : memref<1x32xi32, #tpu.memory_space<vmem>>) target_semaphore(%arg20 : memref<!tpu.dma_semaphore, #tpu.memory_space<semaphore_mem>>)
    %dma_start3A_38 = arith.constant 1 : i32
    %dma_start3A_39 = arith.constant 0 : i32
    %dma_start3A_40 = arith.constant 0 : i32
    %dma_start3A_41 = tpu.memref_slice %arg4[%arg0, %arg1, %dma_start3A_38, %dma_start3A_39, %dma_start3A_40] : memref<2x16x640x1x32xi32, #tpu.memory_space<hbm>> -> memref<1x1x1x1x32xi32, #tpu.memory_space<hbm>>
    %dma_start3A_42 = tpu.memref_squeeze %dma_start3A_41 : memref<1x1x1x1x32xi32, #tpu.memory_space<hbm>> -> memref<1x32xi32, #tpu.memory_space<hbm>>
    %dma_start3A_43 = arith.constant 0 : i32
    %dma_start3A_44 = arith.constant 0 : i32
    %dma_start3A_45 = tpu.memref_slice %arg4[%arg0, %arg1, %dma_start3A_38, %dma_start3A_43, %dma_start3A_44] : memref<2x16x640x1x32xi32, #tpu.memory_space<hbm>> -> memref<1x1x1x1x32xi32, #tpu.memory_space<hbm>>
    %dma_start3A_46 = tpu.memref_squeeze %dma_start3A_45 : memref<1x1x1x1x32xi32, #tpu.memory_space<hbm>> -> memref<1x32xi32, #tpu.memory_space<hbm>>
    tpu.enqueue_dma source(%dma_start3A_46 : memref<1x32xi32, #tpu.memory_space<hbm>>) target(%arg12 : memref<1x32xi32, #tpu.memory_space<vmem>>) target_semaphore(%arg20 : memref<!tpu.dma_semaphore, #tpu.memory_space<semaphore_mem>>)
    %dma_start3A_47 = arith.constant 2 : i32
    %dma_start3A_48 = arith.constant 0 : i32
    %dma_start3A_49 = arith.constant 0 : i32
    %dma_start3A_50 = tpu.memref_slice %arg3[%arg0, %arg1, %dma_start3A_47, %dma_start3A_48, %dma_start3A_49] : memref<2x16x640x1x32xi32, #tpu.memory_space<hbm>> -> memref<1x1x1x1x32xi32, #tpu.memory_space<hbm>>
    %dma_start3A_51 = tpu.memref_squeeze %dma_start3A_50 : memref<1x1x1x1x32xi32, #tpu.memory_space<hbm>> -> memref<1x32xi32, #tpu.memory_space<hbm>>
    %dma_start3A_52 = arith.constant 0 : i32
    %dma_start3A_53 = arith.constant 0 : i32
    %dma_start3A_54 = tpu.memref_slice %arg3[%arg0, %arg1, %dma_start3A_47, %dma_start3A_52, %dma_start3A_53] : memref<2x16x640x1x32xi32, #tpu.memory_space<hbm>> -> memref<1x1x1x1x32xi32, #tpu.memory_space<hbm>>
    %dma_start3A_55 = tpu.memref_squeeze %dma_start3A_54 : memref<1x1x1x1x32xi32, #tpu.memory_space<hbm>> -> memref<1x32xi32, #tpu.memory_space<hbm>>
    tpu.enqueue_dma source(%dma_start3A_55 : memref<1x32xi32, #tpu.memory_space<hbm>>) target(%arg9 : memref<1x32xi32, #tpu.memory_space<vmem>>) target_semaphore(%arg21 : memref<!tpu.dma_semaphore, #tpu.memory_space<semaphore_mem>>)
    %dma_start3A_56 = arith.constant 2 : i32
    %dma_start3A_57 = arith.constant 0 : i32
    %dma_start3A_58 = arith.constant 0 : i32
    %dma_start3A_59 = tpu.memref_slice %arg4[%arg0, %arg1, %dma_start3A_56, %dma_start3A_57, %dma_start3A_58] : memref<2x16x640x1x32xi32, #tpu.memory_space<hbm>> -> memref<1x1x1x1x32xi32, #tpu.memory_space<hbm>>
    %dma_start3A_60 = tpu.memref_squeeze %dma_start3A_59 : memref<1x1x1x1x32xi32, #tpu.memory_space<hbm>> -> memref<1x32xi32, #tpu.memory_space<hbm>>
    %dma_start3A_61 = arith.constant 0 : i32
    %dma_start3A_62 = arith.constant 0 : i32
    %dma_start3A_63 = tpu.memref_slice %arg4[%arg0, %arg1, %dma_start3A_56, %dma_start3A_61, %dma_start3A_62] : memref<2x16x640x1x32xi32, #tpu.memory_space<hbm>> -> memref<1x1x1x1x32xi32, #tpu.memory_space<hbm>>
    %dma_start3A_64 = tpu.memref_squeeze %dma_start3A_63 : memref<1x1x1x1x32xi32, #tpu.memory_space<hbm>> -> memref<1x32xi32, #tpu.memory_space<hbm>>
    tpu.enqueue_dma source(%dma_start3A_64 : memref<1x32xi32, #tpu.memory_space<hbm>>) target(%arg13 : memref<1x32xi32, #tpu.memory_space<vmem>>) target_semaphore(%arg21 : memref<!tpu.dma_semaphore, #tpu.memory_space<semaphore_mem>>)
    %dma_wait3A = arith.constant 0 : i32
    %dma_wait3A_65 = arith.constant 0 : i32
    %dma_wait3A_66 = arith.constant 0 : i32
    %dma_wait3A_67 = tpu.memref_slice %arg3[%arg0, %arg1, %dma_wait3A, %dma_wait3A_65, %dma_wait3A_66] : memref<2x16x640x1x32xi32, #tpu.memory_space<hbm>> -> memref<1x1x1x1x32xi32, #tpu.memory_space<hbm>>
    %dma_wait3A_68 = tpu.memref_squeeze %dma_wait3A_67 : memref<1x1x1x1x32xi32, #tpu.memory_space<hbm>> -> memref<1x32xi32, #tpu.memory_space<hbm>>
    %dma_wait3A_69 = arith.constant 0 : i32
    %dma_wait3A_70 = arith.constant 0 : i32
    %dma_wait3A_71 = tpu.memref_slice %arg3[%arg0, %arg1, %dma_wait3A, %dma_wait3A_69, %dma_wait3A_70] : memref<2x16x640x1x32xi32, #tpu.memory_space<hbm>> -> memref<1x1x1x1x32xi32, #tpu.memory_space<hbm>>
    %dma_wait3A_72 = tpu.memref_squeeze %dma_wait3A_71 : memref<1x1x1x1x32xi32, #tpu.memory_space<hbm>> -> memref<1x32xi32, #tpu.memory_space<hbm>>
    tpu.wait_dma2 semaphore(%arg19 : memref<!tpu.dma_semaphore, #tpu.memory_space<semaphore_mem>>) src(%dma_wait3A_72 : memref<1x32xi32, #tpu.memory_space<hbm>>) dst(%arg7 : memref<1x32xi32, #tpu.memory_space<vmem>>)
    %dma_wait3A_73 = arith.constant 0 : i32
    %dma_wait3A_74 = arith.constant 0 : i32
    %dma_wait3A_75 = arith.constant 0 : i32
    %dma_wait3A_76 = tpu.memref_slice %arg4[%arg0, %arg1, %dma_wait3A_73, %dma_wait3A_74, %dma_wait3A_75] : memref<2x16x640x1x32xi32, #tpu.memory_space<hbm>> -> memref<1x1x1x1x32xi32, #tpu.memory_space<hbm>>
    %dma_wait3A_77 = tpu.memref_squeeze %dma_wait3A_76 : memref<1x1x1x1x32xi32, #tpu.memory_space<hbm>> -> memref<1x32xi32, #tpu.memory_space<hbm>>
    %dma_wait3A_78 = arith.constant 0 : i32
    %dma_wait3A_79 = arith.constant 0 : i32
    %dma_wait3A_80 = tpu.memref_slice %arg4[%arg0, %arg1, %dma_wait3A_73, %dma_wait3A_78, %dma_wait3A_79] : memref<2x16x640x1x32xi32, #tpu.memory_space<hbm>> -> memref<1x1x1x1x32xi32, #tpu.memory_space<hbm>>
    %dma_wait3A_81 = tpu.memref_squeeze %dma_wait3A_80 : memref<1x1x1x1x32xi32, #tpu.memory_space<hbm>> -> memref<1x32xi32, #tpu.memory_space<hbm>>
    tpu.wait_dma2 semaphore(%arg19 : memref<!tpu.dma_semaphore, #tpu.memory_space<semaphore_mem>>) src(%dma_wait3A_81 : memref<1x32xi32, #tpu.memory_space<hbm>>) dst(%arg11 : memref<1x32xi32, #tpu.memory_space<vmem>>)
    %dma_wait3A_82 = arith.constant 1 : i32
    %dma_wait3A_83 = arith.constant 0 : i32
    %dma_wait3A_84 = arith.constant 0 : i32
    %dma_wait3A_85 = tpu.memref_slice %arg3[%arg0, %arg1, %dma_wait3A_82, %dma_wait3A_83, %dma_wait3A_84] : memref<2x16x640x1x32xi32, #tpu.memory_space<hbm>> -> memref<1x1x1x1x32xi32, #tpu.memory_space<hbm>>
    %dma_wait3A_86 = tpu.memref_squeeze %dma_wait3A_85 : memref<1x1x1x1x32xi32, #tpu.memory_space<hbm>> -> memref<1x32xi32, #tpu.memory_space<hbm>>
    %dma_wait3A_87 = arith.constant 0 : i32
    %dma_wait3A_88 = arith.constant 0 : i32
    %dma_wait3A_89 = tpu.memref_slice %arg3[%arg0, %arg1, %dma_wait3A_82, %dma_wait3A_87, %dma_wait3A_88] : memref<2x16x640x1x32xi32, #tpu.memory_space<hbm>> -> memref<1x1x1x1x32xi32, #tpu.memory_space<hbm>>
    %dma_wait3A_90 = tpu.memref_squeeze %dma_wait3A_89 : memref<1x1x1x1x32xi32, #tpu.memory_space<hbm>> -> memref<1x32xi32, #tpu.memory_space<hbm>>
    tpu.wait_dma2 semaphore(%arg20 : memref<!tpu.dma_semaphore, #tpu.memory_space<semaphore_mem>>) src(%dma_wait3A_90 : memref<1x32xi32, #tpu.memory_space<hbm>>) dst(%arg8 : memref<1x32xi32, #tpu.memory_space<vmem>>)
    %dma_wait3A_91 = arith.constant 1 : i32
    %dma_wait3A_92 = arith.constant 0 : i32
    %dma_wait3A_93 = arith.constant 0 : i32
    %dma_wait3A_94 = tpu.memref_slice %arg4[%arg0, %arg1, %dma_wait3A_91, %dma_wait3A_92, %dma_wait3A_93] : memref<2x16x640x1x32xi32, #tpu.memory_space<hbm>> -> memref<1x1x1x1x32xi32, #tpu.memory_space<hbm>>
    %dma_wait3A_95 = tpu.memref_squeeze %dma_wait3A_94 : memref<1x1x1x1x32xi32, #tpu.memory_space<hbm>> -> memref<1x32xi32, #tpu.memory_space<hbm>>
    %dma_wait3A_96 = arith.constant 0 : i32
    %dma_wait3A_97 = arith.constant 0 : i32
    %dma_wait3A_98 = tpu.memref_slice %arg4[%arg0, %arg1, %dma_wait3A_91, %dma_wait3A_96, %dma_wait3A_97] : memref<2x16x640x1x32xi32, #tpu.memory_space<hbm>> -> memref<1x1x1x1x32xi32, #tpu.memory_space<hbm>>
    %dma_wait3A_99 = tpu.memref_squeeze %dma_wait3A_98 : memref<1x1x1x1x32xi32, #tpu.memory_space<hbm>> -> memref<1x32xi32, #tpu.memory_space<hbm>>
    tpu.wait_dma2 semaphore(%arg20 : memref<!tpu.dma_semaphore, #tpu.memory_space<semaphore_mem>>) src(%dma_wait3A_99 : memref<1x32xi32, #tpu.memory_space<hbm>>) dst(%arg12 : memref<1x32xi32, #tpu.memory_space<vmem>>)
    %dma_start3A_100 = arith.constant 0 : i32
    %dma_start3A_101 = arith.constant 0 : i32
    %dma_start3A_102 = tpu.memref_slice %arg7[%dma_start3A_100, %dma_start3A_101] : memref<1x32xi32, #tpu.memory_space<vmem>> -> memref<1x32xi32, #tpu.memory_space<vmem>>
    %dma_start3A_103 = tpu.memref_squeeze %dma_start3A_102 : memref<1x32xi32, #tpu.memory_space<vmem>> -> memref<32xi32, #tpu.memory_space<vmem>>
    %dma_start3A_104 = arith.constant 0 : i32
    %dma_start3A_105 = arith.constant 0 : i32
    %dma_start3A_106 = tpu.memref_slice %arg17[%dma_start3A_104, %dma_start3A_105] : memref<5120x128xf32, #tpu.memory_space<vmem_shared>> -> memref<5120x128xf32, #tpu.memory_space<vmem_shared>>
    tpu.enqueue_indirect_dma source(%dma_start3A_106 : memref<5120x128xf32, #tpu.memory_space<vmem_shared>>) target(%arg15 : memref<32x128xf32, #tpu.memory_space<vmem>>) offsets(%dma_start3A_103 : memref<32xi32, #tpu.memory_space<vmem>>) semaphore(%arg23 : memref<!tpu.dma_semaphore, #tpu.memory_space<semaphore_mem>>)
    %scan3A = arith.constant 0 : i32
    %scan3A_107 = arith.constant 0 : i32
    %scan3A_108 = arith.constant 160 : i32
    %scan3A_109 = arith.addi %scan3A_107, %scan3A_108 : i32
    %scan3A_110 = arith.constant 1 : i32
    scf.for %scan3A_117 = %scan3A_107 to %scan3A_109 step %scan3A_110  : i32 {
      %mul3A_118 = arith.constant 4 : i32
      %mul3A_119 = arith.muli %scan3A_117, %mul3A_118 : i32
      %add3A_120 = arith.constant 0 : i32
      %add3A_121 = arith.addi %mul3A_119, %add3A_120 : i32
      %add3A_122 = arith.constant 4 : i32
      %add3A_123 = arith.addi %add3A_121, %add3A_122 : i32
      %sub3A = arith.constant 1 : i32
      %sub3A_124 = arith.subi %add3A_123, %sub3A : i32
      %lt3A = arith.constant 640 : i32
      %lt3A_125 = arith.cmpi slt, %sub3A_124, %lt3A : i32
      %convert_element_type3A = arith.extui %lt3A_125 : i1 to i32
      %cond3A = arith.constant 0 : i32
      %cond3A_126 = arith.cmpi ne, %convert_element_type3A, %cond3A : i32
      scf.if %cond3A_126 {
        %dma_start3A_253 = arith.constant 0 : i32
        %dma_start3A_254 = arith.constant 0 : i32
        %dma_start3A_255 = tpu.memref_slice %arg3[%arg0, %arg1, %sub3A_124, %dma_start3A_253, %dma_start3A_254] : memref<2x16x640x1x32xi32, #tpu.memory_space<hbm>> -> memref<1x1x1x1x32xi32, #tpu.memory_space<hbm>>
        %dma_start3A_256 = tpu.memref_squeeze %dma_start3A_255 : memref<1x1x1x1x32xi32, #tpu.memory_space<hbm>> -> memref<1x32xi32, #tpu.memory_space<hbm>>
        %dma_start3A_257 = arith.constant 0 : i32
        %dma_start3A_258 = arith.constant 0 : i32
        %dma_start3A_259 = tpu.memref_slice %arg3[%arg0, %arg1, %sub3A_124, %dma_start3A_257, %dma_start3A_258] : memref<2x16x640x1x32xi32, #tpu.memory_space<hbm>> -> memref<1x1x1x1x32xi32, #tpu.memory_space<hbm>>
        %dma_start3A_260 = tpu.memref_squeeze %dma_start3A_259 : memref<1x1x1x1x32xi32, #tpu.memory_space<hbm>> -> memref<1x32xi32, #tpu.memory_space<hbm>>
        tpu.enqueue_dma source(%dma_start3A_260 : memref<1x32xi32, #tpu.memory_space<hbm>>) target(%arg10 : memref<1x32xi32, #tpu.memory_space<vmem>>) target_semaphore(%arg22 : memref<!tpu.dma_semaphore, #tpu.memory_space<semaphore_mem>>)
        %dma_start3A_261 = arith.constant 0 : i32
        %dma_start3A_262 = arith.constant 0 : i32
        %dma_start3A_263 = tpu.memref_slice %arg4[%arg0, %arg1, %sub3A_124, %dma_start3A_261, %dma_start3A_262] : memref<2x16x640x1x32xi32, #tpu.memory_space<hbm>> -> memref<1x1x1x1x32xi32, #tpu.memory_space<hbm>>
        %dma_start3A_264 = tpu.memref_squeeze %dma_start3A_263 : memref<1x1x1x1x32xi32, #tpu.memory_space<hbm>> -> memref<1x32xi32, #tpu.memory_space<hbm>>
        %dma_start3A_265 = arith.constant 0 : i32
        %dma_start3A_266 = arith.constant 0 : i32
        %dma_start3A_267 = tpu.memref_slice %arg4[%arg0, %arg1, %sub3A_124, %dma_start3A_265, %dma_start3A_266] : memref<2x16x640x1x32xi32, #tpu.memory_space<hbm>> -> memref<1x1x1x1x32xi32, #tpu.memory_space<hbm>>
        %dma_start3A_268 = tpu.memref_squeeze %dma_start3A_267 : memref<1x1x1x1x32xi32, #tpu.memory_space<hbm>> -> memref<1x32xi32, #tpu.memory_space<hbm>>
        tpu.enqueue_dma source(%dma_start3A_268 : memref<1x32xi32, #tpu.memory_space<hbm>>) target(%arg14 : memref<1x32xi32, #tpu.memory_space<vmem>>) target_semaphore(%arg22 : memref<!tpu.dma_semaphore, #tpu.memory_space<semaphore_mem>>)
      } else {
      }
      %add3A_127 = arith.constant 2 : i32
      %add3A_128 = arith.addi %add3A_121, %add3A_127 : i32
      %lt3A_129 = arith.constant 640 : i32
      %lt3A_130 = arith.cmpi slt, %add3A_128, %lt3A_129 : i32
      %convert_element_type3A_131 = arith.extui %lt3A_130 : i1 to i32
      %cond3A_132 = arith.constant 0 : i32
      %cond3A_133 = arith.cmpi ne, %convert_element_type3A_131, %cond3A_132 : i32
      scf.if %cond3A_133 {
        %dma_wait3A_253 = arith.constant 0 : i32
        %dma_wait3A_254 = arith.constant 0 : i32
        %dma_wait3A_255 = tpu.memref_slice %arg3[%arg0, %arg1, %add3A_128, %dma_wait3A_253, %dma_wait3A_254] : memref<2x16x640x1x32xi32, #tpu.memory_space<hbm>> -> memref<1x1x1x1x32xi32, #tpu.memory_space<hbm>>
        %dma_wait3A_256 = tpu.memref_squeeze %dma_wait3A_255 : memref<1x1x1x1x32xi32, #tpu.memory_space<hbm>> -> memref<1x32xi32, #tpu.memory_space<hbm>>
        %dma_wait3A_257 = arith.constant 0 : i32
        %dma_wait3A_258 = arith.constant 0 : i32
        %dma_wait3A_259 = tpu.memref_slice %arg3[%arg0, %arg1, %add3A_128, %dma_wait3A_257, %dma_wait3A_258] : memref<2x16x640x1x32xi32, #tpu.memory_space<hbm>> -> memref<1x1x1x1x32xi32, #tpu.memory_space<hbm>>
        %dma_wait3A_260 = tpu.memref_squeeze %dma_wait3A_259 : memref<1x1x1x1x32xi32, #tpu.memory_space<hbm>> -> memref<1x32xi32, #tpu.memory_space<hbm>>
        tpu.wait_dma2 semaphore(%arg21 : memref<!tpu.dma_semaphore, #tpu.memory_space<semaphore_mem>>) src(%dma_wait3A_260 : memref<1x32xi32, #tpu.memory_space<hbm>>) dst(%arg9 : memref<1x32xi32, #tpu.memory_space<vmem>>)
        %dma_wait3A_261 = arith.constant 0 : i32
        %dma_wait3A_262 = arith.constant 0 : i32
        %dma_wait3A_263 = tpu.memref_slice %arg4[%arg0, %arg1, %add3A_128, %dma_wait3A_261, %dma_wait3A_262] : memref<2x16x640x1x32xi32, #tpu.memory_space<hbm>> -> memref<1x1x1x1x32xi32, #tpu.memory_space<hbm>>
        %dma_wait3A_264 = tpu.memref_squeeze %dma_wait3A_263 : memref<1x1x1x1x32xi32, #tpu.memory_space<hbm>> -> memref<1x32xi32, #tpu.memory_space<hbm>>
        %dma_wait3A_265 = arith.constant 0 : i32
        %dma_wait3A_266 = arith.constant 0 : i32
        %dma_wait3A_267 = tpu.memref_slice %arg4[%arg0, %arg1, %add3A_128, %dma_wait3A_265, %dma_wait3A_266] : memref<2x16x640x1x32xi32, #tpu.memory_space<hbm>> -> memref<1x1x1x1x32xi32, #tpu.memory_space<hbm>>
        %dma_wait3A_268 = tpu.memref_squeeze %dma_wait3A_267 : memref<1x1x1x1x32xi32, #tpu.memory_space<hbm>> -> memref<1x32xi32, #tpu.memory_space<hbm>>
        tpu.wait_dma2 semaphore(%arg21 : memref<!tpu.dma_semaphore, #tpu.memory_space<semaphore_mem>>) src(%dma_wait3A_268 : memref<1x32xi32, #tpu.memory_space<hbm>>) dst(%arg13 : memref<1x32xi32, #tpu.memory_space<vmem>>)
      } else {
      }
      %add3A_134 = arith.constant 1 : i32
      %add3A_135 = arith.addi %add3A_121, %add3A_134 : i32
      %lt3A_136 = arith.constant 640 : i32
      %lt3A_137 = arith.cmpi slt, %add3A_135, %lt3A_136 : i32
      %convert_element_type3A_138 = arith.extui %lt3A_137 : i1 to i32
      %cond3A_139 = arith.constant 0 : i32
      %cond3A_140 = arith.cmpi ne, %convert_element_type3A_138, %cond3A_139 : i32
      scf.if %cond3A_140 {
        %dma_start3A_253 = arith.constant 0 : i32
        %dma_start3A_254 = arith.constant 0 : i32
        %dma_start3A_255 = tpu.memref_slice %arg8[%dma_start3A_253, %dma_start3A_254] : memref<1x32xi32, #tpu.memory_space<vmem>> -> memref<1x32xi32, #tpu.memory_space<vmem>>
        %dma_start3A_256 = tpu.memref_squeeze %dma_start3A_255 : memref<1x32xi32, #tpu.memory_space<vmem>> -> memref<32xi32, #tpu.memory_space<vmem>>
        %dma_start3A_257 = arith.constant 0 : i32
        %dma_start3A_258 = arith.constant 0 : i32
        %dma_start3A_259 = tpu.memref_slice %arg17[%dma_start3A_257, %dma_start3A_258] : memref<5120x128xf32, #tpu.memory_space<vmem_shared>> -> memref<5120x128xf32, #tpu.memory_space<vmem_shared>>
        tpu.enqueue_indirect_dma source(%dma_start3A_259 : memref<5120x128xf32, #tpu.memory_space<vmem_shared>>) target(%arg16 : memref<32x128xf32, #tpu.memory_space<vmem>>) offsets(%dma_start3A_256 : memref<32xi32, #tpu.memory_space<vmem>>) semaphore(%arg24 : memref<!tpu.dma_semaphore, #tpu.memory_space<semaphore_mem>>)
      } else {
      }
      %dma_wait3A_141 = arith.constant 0 : i32
      %dma_wait3A_142 = arith.constant 0 : i32
      %dma_wait3A_143 = tpu.memref_slice %arg7[%dma_wait3A_141, %dma_wait3A_142] : memref<1x32xi32, #tpu.memory_space<vmem>> -> memref<1x32xi32, #tpu.memory_space<vmem>>
      %dma_wait3A_144 = tpu.memref_squeeze %dma_wait3A_143 : memref<1x32xi32, #tpu.memory_space<vmem>> -> memref<32xi32, #tpu.memory_space<vmem>>
      %dma_wait3A_145 = arith.constant 0 : i32
      %dma_wait3A_146 = arith.constant 0 : i32
      %dma_wait3A_147 = tpu.memref_slice %arg17[%dma_wait3A_145, %dma_wait3A_146] : memref<5120x128xf32, #tpu.memory_space<vmem_shared>> -> memref<5120x128xf32, #tpu.memory_space<vmem_shared>>
      tpu.wait_indirect_dma semaphore(%arg23 : memref<!tpu.dma_semaphore, #tpu.memory_space<semaphore_mem>>) src(%dma_wait3A_147 : memref<5120x128xf32, #tpu.memory_space<vmem_shared>>) dst(%arg15 : memref<32x128xf32, #tpu.memory_space<vmem>>)
      %run_scoped3A = arith.constant 0 : i32
      "tpu.region"() ({
        %run_scoped3A_253 = tpu.sem_alloc : memref<!tpu.dma_semaphore, #tpu.memory_space<semaphore_mem>>
        %dma_start3A_254 = arith.constant 0 : i32
        %dma_start3A_255 = tpu.memref_slice %arg11[%run_scoped3A, %dma_start3A_254] : memref<1x32xi32, #tpu.memory_space<vmem>> -> memref<1x32xi32, #tpu.memory_space<vmem>>
        %dma_start3A_256 = tpu.memref_squeeze %dma_start3A_255 : memref<1x32xi32, #tpu.memory_space<vmem>> -> memref<32xi32, #tpu.memory_space<vmem>>
        %dma_start3A_257 = arith.constant 0 : i32
        %dma_start3A_258 = arith.constant 0 : i32
        %dma_start3A_259 = tpu.memref_slice %arg18[%dma_start3A_257, %dma_start3A_258] : memref<10112x128xf32, #tpu.memory_space<vmem_shared>> -> memref<10112x128xf32, #tpu.memory_space<vmem_shared>>
        tpu.enqueue_indirect_dma source(%arg15 : memref<32x128xf32, #tpu.memory_space<vmem>>) target(%dma_start3A_259 : memref<10112x128xf32, #tpu.memory_space<vmem_shared>>) offsets(%dma_start3A_256 : memref<32xi32, #tpu.memory_space<vmem>>) semaphore(%run_scoped3A_253 : memref<!tpu.dma_semaphore, #tpu.memory_space<semaphore_mem>>) {add = true}
        %dma_wait3A_260 = arith.constant 0 : i32
        %dma_wait3A_261 = tpu.memref_slice %arg11[%run_scoped3A, %dma_wait3A_260] : memref<1x32xi32, #tpu.memory_space<vmem>> -> memref<1x32xi32, #tpu.memory_space<vmem>>
        %dma_wait3A_262 = tpu.memref_squeeze %dma_wait3A_261 : memref<1x32xi32, #tpu.memory_space<vmem>> -> memref<32xi32, #tpu.memory_space<vmem>>
        %dma_wait3A_263 = arith.constant 0 : i32
        %dma_wait3A_264 = arith.constant 0 : i32
        %dma_wait3A_265 = tpu.memref_slice %arg18[%dma_wait3A_263, %dma_wait3A_264] : memref<10112x128xf32, #tpu.memory_space<vmem_shared>> -> memref<10112x128xf32, #tpu.memory_space<vmem_shared>>
        tpu.wait_indirect_dma semaphore(%run_scoped3A_253 : memref<!tpu.dma_semaphore, #tpu.memory_space<semaphore_mem>>) src(%arg15 : memref<32x128xf32, #tpu.memory_space<vmem>>) dst(%dma_wait3A_265 : memref<10112x128xf32, #tpu.memory_space<vmem_shared>>)
        tpu.yield
      }) : () -> ()
      %mul3A_148 = arith.constant 4 : i32
      %mul3A_149 = arith.muli %scan3A_117, %mul3A_148 : i32
      %add3A_150 = arith.constant 1 : i32
      %add3A_151 = arith.addi %mul3A_149, %add3A_150 : i32
      %add3A_152 = arith.constant 4 : i32
      %add3A_153 = arith.addi %add3A_151, %add3A_152 : i32
      %sub3A_154 = arith.constant 1 : i32
      %sub3A_155 = arith.subi %add3A_153, %sub3A_154 : i32
      %lt3A_156 = arith.constant 640 : i32
      %lt3A_157 = arith.cmpi slt, %sub3A_155, %lt3A_156 : i32
      %convert_element_type3A_158 = arith.extui %lt3A_157 : i1 to i32
      %cond3A_159 = arith.constant 0 : i32
      %cond3A_160 = arith.cmpi ne, %convert_element_type3A_158, %cond3A_159 : i32
      scf.if %cond3A_160 {
        %dma_start3A_253 = arith.constant 0 : i32
        %dma_start3A_254 = arith.constant 0 : i32
        %dma_start3A_255 = tpu.memref_slice %arg3[%arg0, %arg1, %sub3A_155, %dma_start3A_253, %dma_start3A_254] : memref<2x16x640x1x32xi32, #tpu.memory_space<hbm>> -> memref<1x1x1x1x32xi32, #tpu.memory_space<hbm>>
        %dma_start3A_256 = tpu.memref_squeeze %dma_start3A_255 : memref<1x1x1x1x32xi32, #tpu.memory_space<hbm>> -> memref<1x32xi32, #tpu.memory_space<hbm>>
        %dma_start3A_257 = arith.constant 0 : i32
        %dma_start3A_258 = arith.constant 0 : i32
        %dma_start3A_259 = tpu.memref_slice %arg3[%arg0, %arg1, %sub3A_155, %dma_start3A_257, %dma_start3A_258] : memref<2x16x640x1x32xi32, #tpu.memory_space<hbm>> -> memref<1x1x1x1x32xi32, #tpu.memory_space<hbm>>
        %dma_start3A_260 = tpu.memref_squeeze %dma_start3A_259 : memref<1x1x1x1x32xi32, #tpu.memory_space<hbm>> -> memref<1x32xi32, #tpu.memory_space<hbm>>
        tpu.enqueue_dma source(%dma_start3A_260 : memref<1x32xi32, #tpu.memory_space<hbm>>) target(%arg7 : memref<1x32xi32, #tpu.memory_space<vmem>>) target_semaphore(%arg19 : memref<!tpu.dma_semaphore, #tpu.memory_space<semaphore_mem>>)
        %dma_start3A_261 = arith.constant 0 : i32
        %dma_start3A_262 = arith.constant 0 : i32
        %dma_start3A_263 = tpu.memref_slice %arg4[%arg0, %arg1, %sub3A_155, %dma_start3A_261, %dma_start3A_262] : memref<2x16x640x1x32xi32, #tpu.memory_space<hbm>> -> memref<1x1x1x1x32xi32, #tpu.memory_space<hbm>>
        %dma_start3A_264 = tpu.memref_squeeze %dma_start3A_263 : memref<1x1x1x1x32xi32, #tpu.memory_space<hbm>> -> memref<1x32xi32, #tpu.memory_space<hbm>>
        %dma_start3A_265 = arith.constant 0 : i32
        %dma_start3A_266 = arith.constant 0 : i32
        %dma_start3A_267 = tpu.memref_slice %arg4[%arg0, %arg1, %sub3A_155, %dma_start3A_265, %dma_start3A_266] : memref<2x16x640x1x32xi32, #tpu.memory_space<hbm>> -> memref<1x1x1x1x32xi32, #tpu.memory_space<hbm>>
        %dma_start3A_268 = tpu.memref_squeeze %dma_start3A_267 : memref<1x1x1x1x32xi32, #tpu.memory_space<hbm>> -> memref<1x32xi32, #tpu.memory_space<hbm>>
        tpu.enqueue_dma source(%dma_start3A_268 : memref<1x32xi32, #tpu.memory_space<hbm>>) target(%arg11 : memref<1x32xi32, #tpu.memory_space<vmem>>) target_semaphore(%arg19 : memref<!tpu.dma_semaphore, #tpu.memory_space<semaphore_mem>>)
      } else {
      }
      %add3A_161 = arith.constant 2 : i32
      %add3A_162 = arith.addi %add3A_151, %add3A_161 : i32
      %lt3A_163 = arith.constant 640 : i32
      %lt3A_164 = arith.cmpi slt, %add3A_162, %lt3A_163 : i32
      %convert_element_type3A_165 = arith.extui %lt3A_164 : i1 to i32
      %cond3A_166 = arith.constant 0 : i32
      %cond3A_167 = arith.cmpi ne, %convert_element_type3A_165, %cond3A_166 : i32
      scf.if %cond3A_167 {
        %dma_wait3A_253 = arith.constant 0 : i32
        %dma_wait3A_254 = arith.constant 0 : i32
        %dma_wait3A_255 = tpu.memref_slice %arg3[%arg0, %arg1, %add3A_162, %dma_wait3A_253, %dma_wait3A_254] : memref<2x16x640x1x32xi32, #tpu.memory_space<hbm>> -> memref<1x1x1x1x32xi32, #tpu.memory_space<hbm>>
        %dma_wait3A_256 = tpu.memref_squeeze %dma_wait3A_255 : memref<1x1x1x1x32xi32, #tpu.memory_space<hbm>> -> memref<1x32xi32, #tpu.memory_space<hbm>>
        %dma_wait3A_257 = arith.constant 0 : i32
        %dma_wait3A_258 = arith.constant 0 : i32
        %dma_wait3A_259 = tpu.memref_slice %arg3[%arg0, %arg1, %add3A_162, %dma_wait3A_257, %dma_wait3A_258] : memref<2x16x640x1x32xi32, #tpu.memory_space<hbm>> -> memref<1x1x1x1x32xi32, #tpu.memory_space<hbm>>
        %dma_wait3A_260 = tpu.memref_squeeze %dma_wait3A_259 : memref<1x1x1x1x32xi32, #tpu.memory_space<hbm>> -> memref<1x32xi32, #tpu.memory_space<hbm>>
        tpu.wait_dma2 semaphore(%arg22 : memref<!tpu.dma_semaphore, #tpu.memory_space<semaphore_mem>>) src(%dma_wait3A_260 : memref<1x32xi32, #tpu.memory_space<hbm>>) dst(%arg10 : memref<1x32xi32, #tpu.memory_space<vmem>>)
        %dma_wait3A_261 = arith.constant 0 : i32
        %dma_wait3A_262 = arith.constant 0 : i32
        %dma_wait3A_263 = tpu.memref_slice %arg4[%arg0, %arg1, %add3A_162, %dma_wait3A_261, %dma_wait3A_262] : memref<2x16x640x1x32xi32, #tpu.memory_space<hbm>> -> memref<1x1x1x1x32xi32, #tpu.memory_space<hbm>>
        %dma_wait3A_264 = tpu.memref_squeeze %dma_wait3A_263 : memref<1x1x1x1x32xi32, #tpu.memory_space<hbm>> -> memref<1x32xi32, #tpu.memory_space<hbm>>
        %dma_wait3A_265 = arith.constant 0 : i32
        %dma_wait3A_266 = arith.constant 0 : i32
        %dma_wait3A_267 = tpu.memref_slice %arg4[%arg0, %arg1, %add3A_162, %dma_wait3A_265, %dma_wait3A_266] : memref<2x16x640x1x32xi32, #tpu.memory_space<hbm>> -> memref<1x1x1x1x32xi32, #tpu.memory_space<hbm>>
        %dma_wait3A_268 = tpu.memref_squeeze %dma_wait3A_267 : memref<1x1x1x1x32xi32, #tpu.memory_space<hbm>> -> memref<1x32xi32, #tpu.memory_space<hbm>>
        tpu.wait_dma2 semaphore(%arg22 : memref<!tpu.dma_semaphore, #tpu.memory_space<semaphore_mem>>) src(%dma_wait3A_268 : memref<1x32xi32, #tpu.memory_space<hbm>>) dst(%arg14 : memref<1x32xi32, #tpu.memory_space<vmem>>)
      } else {
      }
      %add3A_168 = arith.constant 1 : i32
      %add3A_169 = arith.addi %add3A_151, %add3A_168 : i32
      %lt3A_170 = arith.constant 640 : i32
      %lt3A_171 = arith.cmpi slt, %add3A_169, %lt3A_170 : i32
      %convert_element_type3A_172 = arith.extui %lt3A_171 : i1 to i32
      %cond3A_173 = arith.constant 0 : i32
      %cond3A_174 = arith.cmpi ne, %convert_element_type3A_172, %cond3A_173 : i32
      scf.if %cond3A_174 {
        %dma_start3A_253 = arith.constant 0 : i32
        %dma_start3A_254 = arith.constant 0 : i32
        %dma_start3A_255 = tpu.memref_slice %arg9[%dma_start3A_253, %dma_start3A_254] : memref<1x32xi32, #tpu.memory_space<vmem>> -> memref<1x32xi32, #tpu.memory_space<vmem>>
        %dma_start3A_256 = tpu.memref_squeeze %dma_start3A_255 : memref<1x32xi32, #tpu.memory_space<vmem>> -> memref<32xi32, #tpu.memory_space<vmem>>
        %dma_start3A_257 = arith.constant 0 : i32
        %dma_start3A_258 = arith.constant 0 : i32
        %dma_start3A_259 = tpu.memref_slice %arg17[%dma_start3A_257, %dma_start3A_258] : memref<5120x128xf32, #tpu.memory_space<vmem_shared>> -> memref<5120x128xf32, #tpu.memory_space<vmem_shared>>
        tpu.enqueue_indirect_dma source(%dma_start3A_259 : memref<5120x128xf32, #tpu.memory_space<vmem_shared>>) target(%arg15 : memref<32x128xf32, #tpu.memory_space<vmem>>) offsets(%dma_start3A_256 : memref<32xi32, #tpu.memory_space<vmem>>) semaphore(%arg23 : memref<!tpu.dma_semaphore, #tpu.memory_space<semaphore_mem>>)
      } else {
      }
      %dma_wait3A_175 = arith.constant 0 : i32
      %dma_wait3A_176 = arith.constant 0 : i32
      %dma_wait3A_177 = tpu.memref_slice %arg8[%dma_wait3A_175, %dma_wait3A_176] : memref<1x32xi32, #tpu.memory_space<vmem>> -> memref<1x32xi32, #tpu.memory_space<vmem>>
      %dma_wait3A_178 = tpu.memref_squeeze %dma_wait3A_177 : memref<1x32xi32, #tpu.memory_space<vmem>> -> memref<32xi32, #tpu.memory_space<vmem>>
      %dma_wait3A_179 = arith.constant 0 : i32
      %dma_wait3A_180 = arith.constant 0 : i32
      %dma_wait3A_181 = tpu.memref_slice %arg17[%dma_wait3A_179, %dma_wait3A_180] : memref<5120x128xf32, #tpu.memory_space<vmem_shared>> -> memref<5120x128xf32, #tpu.memory_space<vmem_shared>>
      tpu.wait_indirect_dma semaphore(%arg24 : memref<!tpu.dma_semaphore, #tpu.memory_space<semaphore_mem>>) src(%dma_wait3A_181 : memref<5120x128xf32, #tpu.memory_space<vmem_shared>>) dst(%arg16 : memref<32x128xf32, #tpu.memory_space<vmem>>)
      %run_scoped3A_182 = arith.constant 0 : i32
      "tpu.region"() ({
        %run_scoped3A_253 = tpu.sem_alloc : memref<!tpu.dma_semaphore, #tpu.memory_space<semaphore_mem>>
        %dma_start3A_254 = arith.constant 0 : i32
        %dma_start3A_255 = tpu.memref_slice %arg12[%run_scoped3A_182, %dma_start3A_254] : memref<1x32xi32, #tpu.memory_space<vmem>> -> memref<1x32xi32, #tpu.memory_space<vmem>>
        %dma_start3A_256 = tpu.memref_squeeze %dma_start3A_255 : memref<1x32xi32, #tpu.memory_space<vmem>> -> memref<32xi32, #tpu.memory_space<vmem>>
        %dma_start3A_257 = arith.constant 0 : i32
        %dma_start3A_258 = arith.constant 0 : i32
        %dma_start3A_259 = tpu.memref_slice %arg18[%dma_start3A_257, %dma_start3A_258] : memref<10112x128xf32, #tpu.memory_space<vmem_shared>> -> memref<10112x128xf32, #tpu.memory_space<vmem_shared>>
        tpu.enqueue_indirect_dma source(%arg16 : memref<32x128xf32, #tpu.memory_space<vmem>>) target(%dma_start3A_259 : memref<10112x128xf32, #tpu.memory_space<vmem_shared>>) offsets(%dma_start3A_256 : memref<32xi32, #tpu.memory_space<vmem>>) semaphore(%run_scoped3A_253 : memref<!tpu.dma_semaphore, #tpu.memory_space<semaphore_mem>>) {add = true}
        %dma_wait3A_260 = arith.constant 0 : i32
        %dma_wait3A_261 = tpu.memref_slice %arg12[%run_scoped3A_182, %dma_wait3A_260] : memref<1x32xi32, #tpu.memory_space<vmem>> -> memref<1x32xi32, #tpu.memory_space<vmem>>
        %dma_wait3A_262 = tpu.memref_squeeze %dma_wait3A_261 : memref<1x32xi32, #tpu.memory_space<vmem>> -> memref<32xi32, #tpu.memory_space<vmem>>
        %dma_wait3A_263 = arith.constant 0 : i32
        %dma_wait3A_264 = arith.constant 0 : i32
        %dma_wait3A_265 = tpu.memref_slice %arg18[%dma_wait3A_263, %dma_wait3A_264] : memref<10112x128xf32, #tpu.memory_space<vmem_shared>> -> memref<10112x128xf32, #tpu.memory_space<vmem_shared>>
        tpu.wait_indirect_dma semaphore(%run_scoped3A_253 : memref<!tpu.dma_semaphore, #tpu.memory_space<semaphore_mem>>) src(%arg16 : memref<32x128xf32, #tpu.memory_space<vmem>>) dst(%dma_wait3A_265 : memref<10112x128xf32, #tpu.memory_space<vmem_shared>>)
        tpu.yield
      }) : () -> ()
      %mul3A_183 = arith.constant 4 : i32
      %mul3A_184 = arith.muli %scan3A_117, %mul3A_183 : i32
      %add3A_185 = arith.constant 2 : i32
      %add3A_186 = arith.addi %mul3A_184, %add3A_185 : i32
      %add3A_187 = arith.constant 4 : i32
      %add3A_188 = arith.addi %add3A_186, %add3A_187 : i32
      %sub3A_189 = arith.constant 1 : i32
      %sub3A_190 = arith.subi %add3A_188, %sub3A_189 : i32
      %lt3A_191 = arith.constant 640 : i32
      %lt3A_192 = arith.cmpi slt, %sub3A_190, %lt3A_191 : i32
      %convert_element_type3A_193 = arith.extui %lt3A_192 : i1 to i32
      %cond3A_194 = arith.constant 0 : i32
      %cond3A_195 = arith.cmpi ne, %convert_element_type3A_193, %cond3A_194 : i32
      scf.if %cond3A_195 {
        %dma_start3A_253 = arith.constant 0 : i32
        %dma_start3A_254 = arith.constant 0 : i32
        %dma_start3A_255 = tpu.memref_slice %arg3[%arg0, %arg1, %sub3A_190, %dma_start3A_253, %dma_start3A_254] : memref<2x16x640x1x32xi32, #tpu.memory_space<hbm>> -> memref<1x1x1x1x32xi32, #tpu.memory_space<hbm>>
        %dma_start3A_256 = tpu.memref_squeeze %dma_start3A_255 : memref<1x1x1x1x32xi32, #tpu.memory_space<hbm>> -> memref<1x32xi32, #tpu.memory_space<hbm>>
        %dma_start3A_257 = arith.constant 0 : i32
        %dma_start3A_258 = arith.constant 0 : i32
        %dma_start3A_259 = tpu.memref_slice %arg3[%arg0, %arg1, %sub3A_190, %dma_start3A_257, %dma_start3A_258] : memref<2x16x640x1x32xi32, #tpu.memory_space<hbm>> -> memref<1x1x1x1x32xi32, #tpu.memory_space<hbm>>
        %dma_start3A_260 = tpu.memref_squeeze %dma_start3A_259 : memref<1x1x1x1x32xi32, #tpu.memory_space<hbm>> -> memref<1x32xi32, #tpu.memory_space<hbm>>
        tpu.enqueue_dma source(%dma_start3A_260 : memref<1x32xi32, #tpu.memory_space<hbm>>) target(%arg8 : memref<1x32xi32, #tpu.memory_space<vmem>>) target_semaphore(%arg20 : memref<!tpu.dma_semaphore, #tpu.memory_space<semaphore_mem>>)
        %dma_start3A_261 = arith.constant 0 : i32
        %dma_start3A_262 = arith.constant 0 : i32
        %dma_start3A_263 = tpu.memref_slice %arg4[%arg0, %arg1, %sub3A_190, %dma_start3A_261, %dma_start3A_262] : memref<2x16x640x1x32xi32, #tpu.memory_space<hbm>> -> memref<1x1x1x1x32xi32, #tpu.memory_space<hbm>>
        %dma_start3A_264 = tpu.memref_squeeze %dma_start3A_263 : memref<1x1x1x1x32xi32, #tpu.memory_space<hbm>> -> memref<1x32xi32, #tpu.memory_space<hbm>>
        %dma_start3A_265 = arith.constant 0 : i32
        %dma_start3A_266 = arith.constant 0 : i32
        %dma_start3A_267 = tpu.memref_slice %arg4[%arg0, %arg1, %sub3A_190, %dma_start3A_265, %dma_start3A_266] : memref<2x16x640x1x32xi32, #tpu.memory_space<hbm>> -> memref<1x1x1x1x32xi32, #tpu.memory_space<hbm>>
        %dma_start3A_268 = tpu.memref_squeeze %dma_start3A_267 : memref<1x1x1x1x32xi32, #tpu.memory_space<hbm>> -> memref<1x32xi32, #tpu.memory_space<hbm>>
        tpu.enqueue_dma source(%dma_start3A_268 : memref<1x32xi32, #tpu.memory_space<hbm>>) target(%arg12 : memref<1x32xi32, #tpu.memory_space<vmem>>) target_semaphore(%arg20 : memref<!tpu.dma_semaphore, #tpu.memory_space<semaphore_mem>>)
      } else {
      }
      %add3A_196 = arith.constant 2 : i32
      %add3A_197 = arith.addi %add3A_186, %add3A_196 : i32
      %lt3A_198 = arith.constant 640 : i32
      %lt3A_199 = arith.cmpi slt, %add3A_197, %lt3A_198 : i32
      %convert_element_type3A_200 = arith.extui %lt3A_199 : i1 to i32
      %cond3A_201 = arith.constant 0 : i32
      %cond3A_202 = arith.cmpi ne, %convert_element_type3A_200, %cond3A_201 : i32
      scf.if %cond3A_202 {
        %dma_wait3A_253 = arith.constant 0 : i32
        %dma_wait3A_254 = arith.constant 0 : i32
        %dma_wait3A_255 = tpu.memref_slice %arg3[%arg0, %arg1, %add3A_197, %dma_wait3A_253, %dma_wait3A_254] : memref<2x16x640x1x32xi32, #tpu.memory_space<hbm>> -> memref<1x1x1x1x32xi32, #tpu.memory_space<hbm>>
        %dma_wait3A_256 = tpu.memref_squeeze %dma_wait3A_255 : memref<1x1x1x1x32xi32, #tpu.memory_space<hbm>> -> memref<1x32xi32, #tpu.memory_space<hbm>>
        %dma_wait3A_257 = arith.constant 0 : i32
        %dma_wait3A_258 = arith.constant 0 : i32
        %dma_wait3A_259 = tpu.memref_slice %arg3[%arg0, %arg1, %add3A_197, %dma_wait3A_257, %dma_wait3A_258] : memref<2x16x640x1x32xi32, #tpu.memory_space<hbm>> -> memref<1x1x1x1x32xi32, #tpu.memory_space<hbm>>
        %dma_wait3A_260 = tpu.memref_squeeze %dma_wait3A_259 : memref<1x1x1x1x32xi32, #tpu.memory_space<hbm>> -> memref<1x32xi32, #tpu.memory_space<hbm>>
        tpu.wait_dma2 semaphore(%arg19 : memref<!tpu.dma_semaphore, #tpu.memory_space<semaphore_mem>>) src(%dma_wait3A_260 : memref<1x32xi32, #tpu.memory_space<hbm>>) dst(%arg7 : memref<1x32xi32, #tpu.memory_space<vmem>>)
        %dma_wait3A_261 = arith.constant 0 : i32
        %dma_wait3A_262 = arith.constant 0 : i32
        %dma_wait3A_263 = tpu.memref_slice %arg4[%arg0, %arg1, %add3A_197, %dma_wait3A_261, %dma_wait3A_262] : memref<2x16x640x1x32xi32, #tpu.memory_space<hbm>> -> memref<1x1x1x1x32xi32, #tpu.memory_space<hbm>>
        %dma_wait3A_264 = tpu.memref_squeeze %dma_wait3A_263 : memref<1x1x1x1x32xi32, #tpu.memory_space<hbm>> -> memref<1x32xi32, #tpu.memory_space<hbm>>
        %dma_wait3A_265 = arith.constant 0 : i32
        %dma_wait3A_266 = arith.constant 0 : i32
        %dma_wait3A_267 = tpu.memref_slice %arg4[%arg0, %arg1, %add3A_197, %dma_wait3A_265, %dma_wait3A_266] : memref<2x16x640x1x32xi32, #tpu.memory_space<hbm>> -> memref<1x1x1x1x32xi32, #tpu.memory_space<hbm>>
        %dma_wait3A_268 = tpu.memref_squeeze %dma_wait3A_267 : memref<1x1x1x1x32xi32, #tpu.memory_space<hbm>> -> memref<1x32xi32, #tpu.memory_space<hbm>>
        tpu.wait_dma2 semaphore(%arg19 : memref<!tpu.dma_semaphore, #tpu.memory_space<semaphore_mem>>) src(%dma_wait3A_268 : memref<1x32xi32, #tpu.memory_space<hbm>>) dst(%arg11 : memref<1x32xi32, #tpu.memory_space<vmem>>)
      } else {
      }
      %add3A_203 = arith.constant 1 : i32
      %add3A_204 = arith.addi %add3A_186, %add3A_203 : i32
      %lt3A_205 = arith.constant 640 : i32
      %lt3A_206 = arith.cmpi slt, %add3A_204, %lt3A_205 : i32
      %convert_element_type3A_207 = arith.extui %lt3A_206 : i1 to i32
      %cond3A_208 = arith.constant 0 : i32
      %cond3A_209 = arith.cmpi ne, %convert_element_type3A_207, %cond3A_208 : i32
      scf.if %cond3A_209 {
        %dma_start3A_253 = arith.constant 0 : i32
        %dma_start3A_254 = arith.constant 0 : i32
        %dma_start3A_255 = tpu.memref_slice %arg10[%dma_start3A_253, %dma_start3A_254] : memref<1x32xi32, #tpu.memory_space<vmem>> -> memref<1x32xi32, #tpu.memory_space<vmem>>
        %dma_start3A_256 = tpu.memref_squeeze %dma_start3A_255 : memref<1x32xi32, #tpu.memory_space<vmem>> -> memref<32xi32, #tpu.memory_space<vmem>>
        %dma_start3A_257 = arith.constant 0 : i32
        %dma_start3A_258 = arith.constant 0 : i32
        %dma_start3A_259 = tpu.memref_slice %arg17[%dma_start3A_257, %dma_start3A_258] : memref<5120x128xf32, #tpu.memory_space<vmem_shared>> -> memref<5120x128xf32, #tpu.memory_space<vmem_shared>>
        tpu.enqueue_indirect_dma source(%dma_start3A_259 : memref<5120x128xf32, #tpu.memory_space<vmem_shared>>) target(%arg16 : memref<32x128xf32, #tpu.memory_space<vmem>>) offsets(%dma_start3A_256 : memref<32xi32, #tpu.memory_space<vmem>>) semaphore(%arg24 : memref<!tpu.dma_semaphore, #tpu.memory_space<semaphore_mem>>)
      } else {
      }
      %dma_wait3A_210 = arith.constant 0 : i32
      %dma_wait3A_211 = arith.constant 0 : i32
      %dma_wait3A_212 = tpu.memref_slice %arg9[%dma_wait3A_210, %dma_wait3A_211] : memref<1x32xi32, #tpu.memory_space<vmem>> -> memref<1x32xi32, #tpu.memory_space<vmem>>
      %dma_wait3A_213 = tpu.memref_squeeze %dma_wait3A_212 : memref<1x32xi32, #tpu.memory_space<vmem>> -> memref<32xi32, #tpu.memory_space<vmem>>
      %dma_wait3A_214 = arith.constant 0 : i32
      %dma_wait3A_215 = arith.constant 0 : i32
      %dma_wait3A_216 = tpu.memref_slice %arg17[%dma_wait3A_214, %dma_wait3A_215] : memref<5120x128xf32, #tpu.memory_space<vmem_shared>> -> memref<5120x128xf32, #tpu.memory_space<vmem_shared>>
      tpu.wait_indirect_dma semaphore(%arg23 : memref<!tpu.dma_semaphore, #tpu.memory_space<semaphore_mem>>) src(%dma_wait3A_216 : memref<5120x128xf32, #tpu.memory_space<vmem_shared>>) dst(%arg15 : memref<32x128xf32, #tpu.memory_space<vmem>>)
      %run_scoped3A_217 = arith.constant 0 : i32
      "tpu.region"() ({
        %run_scoped3A_253 = tpu.sem_alloc : memref<!tpu.dma_semaphore, #tpu.memory_space<semaphore_mem>>
        %dma_start3A_254 = arith.constant 0 : i32
        %dma_start3A_255 = tpu.memref_slice %arg13[%run_scoped3A_217, %dma_start3A_254] : memref<1x32xi32, #tpu.memory_space<vmem>> -> memref<1x32xi32, #tpu.memory_space<vmem>>
        %dma_start3A_256 = tpu.memref_squeeze %dma_start3A_255 : memref<1x32xi32, #tpu.memory_space<vmem>> -> memref<32xi32, #tpu.memory_space<vmem>>
        %dma_start3A_257 = arith.constant 0 : i32
        %dma_start3A_258 = arith.constant 0 : i32
        %dma_start3A_259 = tpu.memref_slice %arg18[%dma_start3A_257, %dma_start3A_258] : memref<10112x128xf32, #tpu.memory_space<vmem_shared>> -> memref<10112x128xf32, #tpu.memory_space<vmem_shared>>
        tpu.enqueue_indirect_dma source(%arg15 : memref<32x128xf32, #tpu.memory_space<vmem>>) target(%dma_start3A_259 : memref<10112x128xf32, #tpu.memory_space<vmem_shared>>) offsets(%dma_start3A_256 : memref<32xi32, #tpu.memory_space<vmem>>) semaphore(%run_scoped3A_253 : memref<!tpu.dma_semaphore, #tpu.memory_space<semaphore_mem>>) {add = true}
        %dma_wait3A_260 = arith.constant 0 : i32
        %dma_wait3A_261 = tpu.memref_slice %arg13[%run_scoped3A_217, %dma_wait3A_260] : memref<1x32xi32, #tpu.memory_space<vmem>> -> memref<1x32xi32, #tpu.memory_space<vmem>>
        %dma_wait3A_262 = tpu.memref_squeeze %dma_wait3A_261 : memref<1x32xi32, #tpu.memory_space<vmem>> -> memref<32xi32, #tpu.memory_space<vmem>>
        %dma_wait3A_263 = arith.constant 0 : i32
        %dma_wait3A_264 = arith.constant 0 : i32
        %dma_wait3A_265 = tpu.memref_slice %arg18[%dma_wait3A_263, %dma_wait3A_264] : memref<10112x128xf32, #tpu.memory_space<vmem_shared>> -> memref<10112x128xf32, #tpu.memory_space<vmem_shared>>
        tpu.wait_indirect_dma semaphore(%run_scoped3A_253 : memref<!tpu.dma_semaphore, #tpu.memory_space<semaphore_mem>>) src(%arg15 : memref<32x128xf32, #tpu.memory_space<vmem>>) dst(%dma_wait3A_265 : memref<10112x128xf32, #tpu.memory_space<vmem_shared>>)
        tpu.yield
      }) : () -> ()
      %mul3A_218 = arith.constant 4 : i32
      %mul3A_219 = arith.muli %scan3A_117, %mul3A_218 : i32
      %add3A_220 = arith.constant 3 : i32
      %add3A_221 = arith.addi %mul3A_219, %add3A_220 : i32
      %add3A_222 = arith.constant 4 : i32
      %add3A_223 = arith.addi %add3A_221, %add3A_222 : i32
      %sub3A_224 = arith.constant 1 : i32
      %sub3A_225 = arith.subi %add3A_223, %sub3A_224 : i32
      %lt3A_226 = arith.constant 640 : i32
      %lt3A_227 = arith.cmpi slt, %sub3A_225, %lt3A_226 : i32
      %convert_element_type3A_228 = arith.extui %lt3A_227 : i1 to i32
      %cond3A_229 = arith.constant 0 : i32
      %cond3A_230 = arith.cmpi ne, %convert_element_type3A_228, %cond3A_229 : i32
      scf.if %cond3A_230 {
        %dma_start3A_253 = arith.constant 0 : i32
        %dma_start3A_254 = arith.constant 0 : i32
        %dma_start3A_255 = tpu.memref_slice %arg3[%arg0, %arg1, %sub3A_225, %dma_start3A_253, %dma_start3A_254] : memref<2x16x640x1x32xi32, #tpu.memory_space<hbm>> -> memref<1x1x1x1x32xi32, #tpu.memory_space<hbm>>
        %dma_start3A_256 = tpu.memref_squeeze %dma_start3A_255 : memref<1x1x1x1x32xi32, #tpu.memory_space<hbm>> -> memref<1x32xi32, #tpu.memory_space<hbm>>
        %dma_start3A_257 = arith.constant 0 : i32
        %dma_start3A_258 = arith.constant 0 : i32
        %dma_start3A_259 = tpu.memref_slice %arg3[%arg0, %arg1, %sub3A_225, %dma_start3A_257, %dma_start3A_258] : memref<2x16x640x1x32xi32, #tpu.memory_space<hbm>> -> memref<1x1x1x1x32xi32, #tpu.memory_space<hbm>>
        %dma_start3A_260 = tpu.memref_squeeze %dma_start3A_259 : memref<1x1x1x1x32xi32, #tpu.memory_space<hbm>> -> memref<1x32xi32, #tpu.memory_space<hbm>>
        tpu.enqueue_dma source(%dma_start3A_260 : memref<1x32xi32, #tpu.memory_space<hbm>>) target(%arg9 : memref<1x32xi32, #tpu.memory_space<vmem>>) target_semaphore(%arg21 : memref<!tpu.dma_semaphore, #tpu.memory_space<semaphore_mem>>)
        %dma_start3A_261 = arith.constant 0 : i32
        %dma_start3A_262 = arith.constant 0 : i32
        %dma_start3A_263 = tpu.memref_slice %arg4[%arg0, %arg1, %sub3A_225, %dma_start3A_261, %dma_start3A_262] : memref<2x16x640x1x32xi32, #tpu.memory_space<hbm>> -> memref<1x1x1x1x32xi32, #tpu.memory_space<hbm>>
        %dma_start3A_264 = tpu.memref_squeeze %dma_start3A_263 : memref<1x1x1x1x32xi32, #tpu.memory_space<hbm>> -> memref<1x32xi32, #tpu.memory_space<hbm>>
        %dma_start3A_265 = arith.constant 0 : i32
        %dma_start3A_266 = arith.constant 0 : i32
        %dma_start3A_267 = tpu.memref_slice %arg4[%arg0, %arg1, %sub3A_225, %dma_start3A_265, %dma_start3A_266] : memref<2x16x640x1x32xi32, #tpu.memory_space<hbm>> -> memref<1x1x1x1x32xi32, #tpu.memory_space<hbm>>
        %dma_start3A_268 = tpu.memref_squeeze %dma_start3A_267 : memref<1x1x1x1x32xi32, #tpu.memory_space<hbm>> -> memref<1x32xi32, #tpu.memory_space<hbm>>
        tpu.enqueue_dma source(%dma_start3A_268 : memref<1x32xi32, #tpu.memory_space<hbm>>) target(%arg13 : memref<1x32xi32, #tpu.memory_space<vmem>>) target_semaphore(%arg21 : memref<!tpu.dma_semaphore, #tpu.memory_space<semaphore_mem>>)
      } else {
      }
      %add3A_231 = arith.constant 2 : i32
      %add3A_232 = arith.addi %add3A_221, %add3A_231 : i32
      %lt3A_233 = arith.constant 640 : i32
      %lt3A_234 = arith.cmpi slt, %add3A_232, %lt3A_233 : i32
      %convert_element_type3A_235 = arith.extui %lt3A_234 : i1 to i32
      %cond3A_236 = arith.constant 0 : i32
      %cond3A_237 = arith.cmpi ne, %convert_element_type3A_235, %cond3A_236 : i32
      scf.if %cond3A_237 {
        %dma_wait3A_253 = arith.constant 0 : i32
        %dma_wait3A_254 = arith.constant 0 : i32
        %dma_wait3A_255 = tpu.memref_slice %arg3[%arg0, %arg1, %add3A_232, %dma_wait3A_253, %dma_wait3A_254] : memref<2x16x640x1x32xi32, #tpu.memory_space<hbm>> -> memref<1x1x1x1x32xi32, #tpu.memory_space<hbm>>
        %dma_wait3A_256 = tpu.memref_squeeze %dma_wait3A_255 : memref<1x1x1x1x32xi32, #tpu.memory_space<hbm>> -> memref<1x32xi32, #tpu.memory_space<hbm>>
        %dma_wait3A_257 = arith.constant 0 : i32
        %dma_wait3A_258 = arith.constant 0 : i32
        %dma_wait3A_259 = tpu.memref_slice %arg3[%arg0, %arg1, %add3A_232, %dma_wait3A_257, %dma_wait3A_258] : memref<2x16x640x1x32xi32, #tpu.memory_space<hbm>> -> memref<1x1x1x1x32xi32, #tpu.memory_space<hbm>>
        %dma_wait3A_260 = tpu.memref_squeeze %dma_wait3A_259 : memref<1x1x1x1x32xi32, #tpu.memory_space<hbm>> -> memref<1x32xi32, #tpu.memory_space<hbm>>
        tpu.wait_dma2 semaphore(%arg20 : memref<!tpu.dma_semaphore, #tpu.memory_space<semaphore_mem>>) src(%dma_wait3A_260 : memref<1x32xi32, #tpu.memory_space<hbm>>) dst(%arg8 : memref<1x32xi32, #tpu.memory_space<vmem>>)
        %dma_wait3A_261 = arith.constant 0 : i32
        %dma_wait3A_262 = arith.constant 0 : i32
        %dma_wait3A_263 = tpu.memref_slice %arg4[%arg0, %arg1, %add3A_232, %dma_wait3A_261, %dma_wait3A_262] : memref<2x16x640x1x32xi32, #tpu.memory_space<hbm>> -> memref<1x1x1x1x32xi32, #tpu.memory_space<hbm>>
        %dma_wait3A_264 = tpu.memref_squeeze %dma_wait3A_263 : memref<1x1x1x1x32xi32, #tpu.memory_space<hbm>> -> memref<1x32xi32, #tpu.memory_space<hbm>>
        %dma_wait3A_265 = arith.constant 0 : i32
        %dma_wait3A_266 = arith.constant 0 : i32
        %dma_wait3A_267 = tpu.memref_slice %arg4[%arg0, %arg1, %add3A_232, %dma_wait3A_265, %dma_wait3A_266] : memref<2x16x640x1x32xi32, #tpu.memory_space<hbm>> -> memref<1x1x1x1x32xi32, #tpu.memory_space<hbm>>
        %dma_wait3A_268 = tpu.memref_squeeze %dma_wait3A_267 : memref<1x1x1x1x32xi32, #tpu.memory_space<hbm>> -> memref<1x32xi32, #tpu.memory_space<hbm>>
        tpu.wait_dma2 semaphore(%arg20 : memref<!tpu.dma_semaphore, #tpu.memory_space<semaphore_mem>>) src(%dma_wait3A_268 : memref<1x32xi32, #tpu.memory_space<hbm>>) dst(%arg12 : memref<1x32xi32, #tpu.memory_space<vmem>>)
      } else {
      }
      %add3A_238 = arith.constant 1 : i32
      %add3A_239 = arith.addi %add3A_221, %add3A_238 : i32
      %lt3A_240 = arith.constant 640 : i32
      %lt3A_241 = arith.cmpi slt, %add3A_239, %lt3A_240 : i32
      %convert_element_type3A_242 = arith.extui %lt3A_241 : i1 to i32
      %cond3A_243 = arith.constant 0 : i32
      %cond3A_244 = arith.cmpi ne, %convert_element_type3A_242, %cond3A_243 : i32
      scf.if %cond3A_244 {
        %dma_start3A_253 = arith.constant 0 : i32
        %dma_start3A_254 = arith.constant 0 : i32
        %dma_start3A_255 = tpu.memref_slice %arg7[%dma_start3A_253, %dma_start3A_254] : memref<1x32xi32, #tpu.memory_space<vmem>> -> memref<1x32xi32, #tpu.memory_space<vmem>>
        %dma_start3A_256 = tpu.memref_squeeze %dma_start3A_255 : memref<1x32xi32, #tpu.memory_space<vmem>> -> memref<32xi32, #tpu.memory_space<vmem>>
        %dma_start3A_257 = arith.constant 0 : i32
        %dma_start3A_258 = arith.constant 0 : i32
        %dma_start3A_259 = tpu.memref_slice %arg17[%dma_start3A_257, %dma_start3A_258] : memref<5120x128xf32, #tpu.memory_space<vmem_shared>> -> memref<5120x128xf32, #tpu.memory_space<vmem_shared>>
        tpu.enqueue_indirect_dma source(%dma_start3A_259 : memref<5120x128xf32, #tpu.memory_space<vmem_shared>>) target(%arg15 : memref<32x128xf32, #tpu.memory_space<vmem>>) offsets(%dma_start3A_256 : memref<32xi32, #tpu.memory_space<vmem>>) semaphore(%arg23 : memref<!tpu.dma_semaphore, #tpu.memory_space<semaphore_mem>>)
      } else {
      }
      %dma_wait3A_245 = arith.constant 0 : i32
      %dma_wait3A_246 = arith.constant 0 : i32
      %dma_wait3A_247 = tpu.memref_slice %arg10[%dma_wait3A_245, %dma_wait3A_246] : memref<1x32xi32, #tpu.memory_space<vmem>> -> memref<1x32xi32, #tpu.memory_space<vmem>>
      %dma_wait3A_248 = tpu.memref_squeeze %dma_wait3A_247 : memref<1x32xi32, #tpu.memory_space<vmem>> -> memref<32xi32, #tpu.memory_space<vmem>>
      %dma_wait3A_249 = arith.constant 0 : i32
      %dma_wait3A_250 = arith.constant 0 : i32
      %dma_wait3A_251 = tpu.memref_slice %arg17[%dma_wait3A_249, %dma_wait3A_250] : memref<5120x128xf32, #tpu.memory_space<vmem_shared>> -> memref<5120x128xf32, #tpu.memory_space<vmem_shared>>
      tpu.wait_indirect_dma semaphore(%arg24 : memref<!tpu.dma_semaphore, #tpu.memory_space<semaphore_mem>>) src(%dma_wait3A_251 : memref<5120x128xf32, #tpu.memory_space<vmem_shared>>) dst(%arg16 : memref<32x128xf32, #tpu.memory_space<vmem>>)
      %run_scoped3A_252 = arith.constant 0 : i32
      "tpu.region"() ({
        %run_scoped3A_253 = tpu.sem_alloc : memref<!tpu.dma_semaphore, #tpu.memory_space<semaphore_mem>>
        %dma_start3A_254 = arith.constant 0 : i32
        %dma_start3A_255 = tpu.memref_slice %arg14[%run_scoped3A_252, %dma_start3A_254] : memref<1x32xi32, #tpu.memory_space<vmem>> -> memref<1x32xi32, #tpu.memory_space<vmem>>
        %dma_start3A_256 = tpu.memref_squeeze %dma_start3A_255 : memref<1x32xi32, #tpu.memory_space<vmem>> -> memref<32xi32, #tpu.memory_space<vmem>>
        %dma_start3A_257 = arith.constant 0 : i32
        %dma_start3A_258 = arith.constant 0 : i32
        %dma_start3A_259 = tpu.memref_slice %arg18[%dma_start3A_257, %dma_start3A_258] : memref<10112x128xf32, #tpu.memory_space<vmem_shared>> -> memref<10112x128xf32, #tpu.memory_space<vmem_shared>>
        tpu.enqueue_indirect_dma source(%arg16 : memref<32x128xf32, #tpu.memory_space<vmem>>) target(%dma_start3A_259 : memref<10112x128xf32, #tpu.memory_space<vmem_shared>>) offsets(%dma_start3A_256 : memref<32xi32, #tpu.memory_space<vmem>>) semaphore(%run_scoped3A_253 : memref<!tpu.dma_semaphore, #tpu.memory_space<semaphore_mem>>) {add = true}
        %dma_wait3A_260 = arith.constant 0 : i32
        %dma_wait3A_261 = tpu.memref_slice %arg14[%run_scoped3A_252, %dma_wait3A_260] : memref<1x32xi32, #tpu.memory_space<vmem>> -> memref<1x32xi32, #tpu.memory_space<vmem>>
        %dma_wait3A_262 = tpu.memref_squeeze %dma_wait3A_261 : memref<1x32xi32, #tpu.memory_space<vmem>> -> memref<32xi32, #tpu.memory_space<vmem>>
        %dma_wait3A_263 = arith.constant 0 : i32
        %dma_wait3A_264 = arith.constant 0 : i32
        %dma_wait3A_265 = tpu.memref_slice %arg18[%dma_wait3A_263, %dma_wait3A_264] : memref<10112x128xf32, #tpu.memory_space<vmem_shared>> -> memref<10112x128xf32, #tpu.memory_space<vmem_shared>>
        tpu.wait_indirect_dma semaphore(%run_scoped3A_253 : memref<!tpu.dma_semaphore, #tpu.memory_space<semaphore_mem>>) src(%arg16 : memref<32x128xf32, #tpu.memory_space<vmem>>) dst(%dma_wait3A_265 : memref<10112x128xf32, #tpu.memory_space<vmem_shared>>)
        tpu.yield
      }) : () -> ()
    }
    %scan3A_111 = arith.constant 160 : i32
    %barrier3A_112 = arith.constant 0 : index
    tpu.barrier barrier_id(%barrier3A_112)
    %mul3A_113 = arith.constant 632 : i32
    %mul3A_114 = arith.muli %arg1, %mul3A_113 : i32
    %mul3A_115 = arith.constant 632 : i32
    %mul3A_116 = arith.muli %arg1, %mul3A_115 : i32
    "tpu.region"() ({
      %run_scoped3A = tpu.sem_alloc : memref<!tpu.dma_semaphore, #tpu.memory_space<semaphore_mem>>
      %dma_start3A_117 = arith.constant 0 : i32
      %dma_start3A_118 = tpu.memref_slice %arg6[%arg0, %mul3A_116, %dma_start3A_117] : memref<2x10112x128xf32, #tpu.memory_space<hbm>> -> memref<1x632x128xf32, #tpu.memory_space<hbm>>
      %dma_start3A_119 = tpu.memref_squeeze %dma_start3A_118 : memref<1x632x128xf32, #tpu.memory_space<hbm>> -> memref<632x128xf32, #tpu.memory_space<hbm>>
      %dma_start3A_120 = arith.constant 0 : i32
      %dma_start3A_121 = tpu.memref_slice %arg18[%mul3A_114, %dma_start3A_120] : memref<10112x128xf32, #tpu.memory_space<vmem_shared>> -> memref<632x128xf32, #tpu.memory_space<vmem_shared>>
      tpu.enqueue_dma source(%dma_start3A_121 : memref<632x128xf32, #tpu.memory_space<vmem_shared>>) target(%dma_start3A_119 : memref<632x128xf32, #tpu.memory_space<hbm>>) target_semaphore(%run_scoped3A : memref<!tpu.dma_semaphore, #tpu.memory_space<semaphore_mem>>)
      %dma_wait3A_122 = arith.constant 0 : i32
      %dma_wait3A_123 = tpu.memref_slice %arg6[%arg0, %mul3A_116, %dma_wait3A_122] : memref<2x10112x128xf32, #tpu.memory_space<hbm>> -> memref<1x632x128xf32, #tpu.memory_space<hbm>>
      %dma_wait3A_124 = tpu.memref_squeeze %dma_wait3A_123 : memref<1x632x128xf32, #tpu.memory_space<hbm>> -> memref<632x128xf32, #tpu.memory_space<hbm>>
      %dma_wait3A_125 = arith.constant 0 : i32
      %dma_wait3A_126 = tpu.memref_slice %arg18[%mul3A_114, %dma_wait3A_125] : memref<10112x128xf32, #tpu.memory_space<vmem_shared>> -> memref<632x128xf32, #tpu.memory_space<vmem_shared>>
      tpu.wait_dma2 semaphore(%run_scoped3A : memref<!tpu.dma_semaphore, #tpu.memory_space<semaphore_mem>>) src(%dma_wait3A_126 : memref<632x128xf32, #tpu.memory_space<vmem_shared>>) dst(%dma_wait3A_124 : memref<632x128xf32, #tpu.memory_space<hbm>>)
      tpu.yield
    }) : () -> ()
    return
  }
}

#map = affine_map<(d0, d1) -> (0, 0)>
#map1 = affine_map<(d0, d1) -> (0, 0, 0, 0, 0)>
#map2 = affine_map<(d0, d1) -> (0, 0, 0)>
module attributes {stable_mosaic.version = 14 : i64} {
  func.func @agg(%arg0: i32, %arg1: i32, %arg2: memref<10240x128xf32, #tpu.memory_space<hbm>>, %arg3: memref<2x16x640x1x32xi32, #tpu.memory_space<hbm>>, %arg4: memref<2x16x640x1x32xi32, #tpu.memory_space<hbm>>, %arg5: memref<632x128xf32, #tpu.memory_space<hbm>>, %arg6: memref<2x10112x128xf32, #tpu.memory_space<hbm>>, %arg7: memref<1x32xi32, #tpu.memory_space<vmem>>, %arg8: memref<1x32xi32, #tpu.memory_space<vmem>>, %arg9: memref<1x32xi32, #tpu.memory_space<vmem>>, %arg10: memref<1x32xi32, #tpu.memory_space<vmem>>, %arg11: memref<1x32xi32, #tpu.memory_space<vmem>>, %arg12: memref<1x32xi32, #tpu.memory_space<vmem>>, %arg13: memref<1x32xi32, #tpu.memory_space<vmem>>, %arg14: memref<1x32xi32, #tpu.memory_space<vmem>>, %arg15: memref<32x128xf32, #tpu.memory_space<vmem>>, %arg16: memref<32x128xf32, #tpu.memory_space<vmem>>, %arg17: memref<5120x128xf32, #tpu.memory_space<vmem_shared>>, %arg18: memref<10112x128xf32, #tpu.memory_space<vmem_shared>>, %arg19: memref<!tpu.dma_semaphore, #tpu.memory_space<semaphore_mem>>, %arg20: memref<!tpu.dma_semaphore, #tpu.memory_space<semaphore_mem>>, %arg21: memref<!tpu.dma_semaphore, #tpu.memory_space<semaphore_mem>>, %arg22: memref<!tpu.dma_semaphore, #tpu.memory_space<semaphore_mem>>, %arg23: memref<!tpu.dma_semaphore, #tpu.memory_space<semaphore_mem>>, %arg24: memref<!tpu.dma_semaphore, #tpu.memory_space<semaphore_mem>>) attributes {dimension_semantics = [#tpu.dimension_semantics<core_parallel>, #tpu.dimension_semantics<subcore_parallel>], iteration_bounds = array<i64: 2, 16>, scalar_prefetch = 0 : i64, scratch_operands = 18 : i64, tpu.core_type = #tpu.core_type<sc_vector_subcore>, window_params = [{transform_indices = #map}, {transform_indices = #map1}, {transform_indices = #map1}, {transform_indices = #map}, {transform_indices = #map2}]} {
    %broadcast_in_dim3A = arith.constant 0 : i32
    %broadcast_in_dim3A_0 = vector.broadcast %broadcast_in_dim3A : i32 to vector<16xi32>
    %mul3A = arith.constant 5120 : i32
    %mul3A_1 = arith.muli %arg0, %mul3A : i32
    %add3A = vector.broadcast %mul3A_1 : i32 to vector<16xi32>
    %add3A_2 = arith.addi %broadcast_in_dim3A_0, %add3A : vector<16xi32>
    %mul3A_3 = arith.constant 632 : i32
    %mul3A_4 = arith.muli %arg1, %mul3A_3 : i32
    "tpu.region"() ({
      %run_scoped3A = tpu.sem_alloc : memref<!tpu.dma_semaphore, #tpu.memory_space<semaphore_mem>>
      %dma_start3A_117 = arith.constant 0 : i32
      %dma_start3A_118 = tpu.memref_slice %arg18[%mul3A_4, %dma_start3A_117] : memref<10112x128xf32, #tpu.memory_space<vmem_shared>> -> memref<632x128xf32, #tpu.memory_space<vmem_shared>>
      tpu.enqueue_dma source(%arg5 : memref<632x128xf32, #tpu.memory_space<hbm>>) target(%dma_start3A_118 : memref<632x128xf32, #tpu.memory_space<vmem_shared>>) target_semaphore(%run_scoped3A : memref<!tpu.dma_semaphore, #tpu.memory_space<semaphore_mem>>)
      %dma_wait3A_119 = arith.constant 0 : i32
      %dma_wait3A_120 = tpu.memref_slice %arg18[%mul3A_4, %dma_wait3A_119] : memref<10112x128xf32, #tpu.memory_space<vmem_shared>> -> memref<632x128xf32, #tpu.memory_space<vmem_shared>>
      tpu.wait_dma2 semaphore(%run_scoped3A : memref<!tpu.dma_semaphore, #tpu.memory_space<semaphore_mem>>) src(%arg5 : memref<632x128xf32, #tpu.memory_space<hbm>>) dst(%dma_wait3A_120 : memref<632x128xf32, #tpu.memory_space<vmem_shared>>)
      tpu.yield
    }) : () -> ()
    %mul3A_5 = arith.constant 5120 : i32
    %mul3A_6 = arith.muli %arg0, %mul3A_5 : i32
    %mul3A_7 = arith.constant 320 : i32
    %mul3A_8 = arith.muli %arg1, %mul3A_7 : i32
    %add3A_9 = arith.addi %mul3A_6, %mul3A_8 : i32
    %mul3A_10 = arith.constant 320 : i32
    %mul3A_11 = arith.muli %arg1, %mul3A_10 : i32
    "tpu.region"() ({
      %run_scoped3A = tpu.sem_alloc : memref<!tpu.dma_semaphore, #tpu.memory_space<semaphore_mem>>
      %dma_start3A_117 = arith.constant 0 : i32
      %dma_start3A_118 = tpu.memref_slice %arg17[%mul3A_11, %dma_start3A_117] : memref<5120x128xf32, #tpu.memory_space<vmem_shared>> -> memref<320x128xf32, #tpu.memory_space<vmem_shared>>
      %dma_start3A_119 = arith.constant 0 : i32
      %dma_start3A_120 = tpu.memref_slice %arg2[%add3A_9, %dma_start3A_119] : memref<10240x128xf32, #tpu.memory_space<hbm>> -> memref<320x128xf32, #tpu.memory_space<hbm>>
      tpu.enqueue_dma source(%dma_start3A_120 : memref<320x128xf32, #tpu.memory_space<hbm>>) target(%dma_start3A_118 : memref<320x128xf32, #tpu.memory_space<vmem_shared>>) target_semaphore(%run_scoped3A : memref<!tpu.dma_semaphore, #tpu.memory_space<semaphore_mem>>)
      %dma_wait3A_121 = arith.constant 0 : i32
      %dma_wait3A_122 = tpu.memref_slice %arg17[%mul3A_11, %dma_wait3A_121] : memref<5120x128xf32, #tpu.memory_space<vmem_shared>> -> memref<320x128xf32, #tpu.memory_space<vmem_shared>>
      %dma_wait3A_123 = arith.constant 0 : i32
      %dma_wait3A_124 = tpu.memref_slice %arg2[%add3A_9, %dma_wait3A_123] : memref<10240x128xf32, #tpu.memory_space<hbm>> -> memref<320x128xf32, #tpu.memory_space<hbm>>
      tpu.wait_dma2 semaphore(%run_scoped3A : memref<!tpu.dma_semaphore, #tpu.memory_space<semaphore_mem>>) src(%dma_wait3A_124 : memref<320x128xf32, #tpu.memory_space<hbm>>) dst(%dma_wait3A_122 : memref<320x128xf32, #tpu.memory_space<vmem_shared>>)
      tpu.yield
    }) : () -> ()
    %barrier3A = arith.constant 0 : index
    tpu.barrier barrier_id(%barrier3A)
    %dma_start3A = arith.constant 0 : i32
    %dma_start3A_12 = arith.constant 0 : i32
    %dma_start3A_13 = arith.constant 0 : i32
    %dma_start3A_14 = tpu.memref_slice %arg3[%arg0, %arg1, %dma_start3A, %dma_start3A_12, %dma_start3A_13] : memref<2x16x640x1x32xi32, #tpu.memory_space<hbm>> -> memref<1x1x1x1x32xi32, #tpu.memory_space<hbm>>
    %dma_start3A_15 = tpu.memref_squeeze %dma_start3A_14 : memref<1x1x1x1x32xi32, #tpu.memory_space<hbm>> -> memref<1x32xi32, #tpu.memory_space<hbm>>
    %dma_start3A_16 = arith.constant 0 : i32
    %dma_start3A_17 = arith.constant 0 : i32
    %dma_start3A_18 = tpu.memref_slice %arg3[%arg0, %arg1, %dma_start3A, %dma_start3A_16, %dma_start3A_17] : memref<2x16x640x1x32xi32, #tpu.memory_space<hbm>> -> memref<1x1x1x1x32xi32, #tpu.memory_space<hbm>>
    %dma_start3A_19 = tpu.memref_squeeze %dma_start3A_18 : memref<1x1x1x1x32xi32, #tpu.memory_space<hbm>> -> memref<1x32xi32, #tpu.memory_space<hbm>>
    tpu.enqueue_dma source(%dma_start3A_19 : memref<1x32xi32, #tpu.memory_space<hbm>>) target(%arg7 : memref<1x32xi32, #tpu.memory_space<vmem>>) target_semaphore(%arg19 : memref<!tpu.dma_semaphore, #tpu.memory_space<semaphore_mem>>)
    %dma_start3A_20 = arith.constant 0 : i32
    %dma_start3A_21 = arith.constant 0 : i32
    %dma_start3A_22 = arith.constant 0 : i32
    %dma_start3A_23 = tpu.memref_slice %arg4[%arg0, %arg1, %dma_start3A_20, %dma_start3A_21, %dma_start3A_22] : memref<2x16x640x1x32xi32, #tpu.memory_space<hbm>> -> memref<1x1x1x1x32xi32, #tpu.memory_space<hbm>>
    %dma_start3A_24 = tpu.memref_squeeze %dma_start3A_23 : memref<1x1x1x1x32xi32, #tpu.memory_space<hbm>> -> memref<1x32xi32, #tpu.memory_space<hbm>>
    %dma_start3A_25 = arith.constant 0 : i32
    %dma_start3A_26 = arith.constant 0 : i32
    %dma_start3A_27 = tpu.memref_slice %arg4[%arg0, %arg1, %dma_start3A_20, %dma_start3A_25, %dma_start3A_26] : memref<2x16x640x1x32xi32, #tpu.memory_space<hbm>> -> memref<1x1x1x1x32xi32, #tpu.memory_space<hbm>>
    %dma_start3A_28 = tpu.memref_squeeze %dma_start3A_27 : memref<1x1x1x1x32xi32, #tpu.memory_space<hbm>> -> memref<1x32xi32, #tpu.memory_space<hbm>>
    tpu.enqueue_dma source(%dma_start3A_28 : memref<1x32xi32, #tpu.memory_space<hbm>>) target(%arg11 : memref<1x32xi32, #tpu.memory_space<vmem>>) target_semaphore(%arg19 : memref<!tpu.dma_semaphore, #tpu.memory_space<semaphore_mem>>)
    %dma_start3A_29 = arith.constant 1 : i32
    %dma_start3A_30 = arith.constant 0 : i32
    %dma_start3A_31 = arith.constant 0 : i32
    %dma_start3A_32 = tpu.memref_slice %arg3[%arg0, %arg1, %dma_start3A_29, %dma_start3A_30, %dma_start3A_31] : memref<2x16x640x1x32xi32, #tpu.memory_space<hbm>> -> memref<1x1x1x1x32xi32, #tpu.memory_space<hbm>>
    %dma_start3A_33 = tpu.memref_squeeze %dma_start3A_32 : memref<1x1x1x1x32xi32, #tpu.memory_space<hbm>> -> memref<1x32xi32, #tpu.memory_space<hbm>>
    %dma_start3A_34 = arith.constant 0 : i32
    %dma_start3A_35 = arith.constant 0 : i32
    %dma_start3A_36 = tpu.memref_slice %arg3[%arg0, %arg1, %dma_start3A_29, %dma_start3A_34, %dma_start3A_35] : memref<2x16x640x1x32xi32, #tpu.memory_space<hbm>> -> memref<1x1x1x1x32xi32, #tpu.memory_space<hbm>>
    %dma_start3A_37 = tpu.memref_squeeze %dma_start3A_36 : memref<1x1x1x1x32xi32, #tpu.memory_space<hbm>> -> memref<1x32xi32, #tpu.memory_space<hbm>>
    tpu.enqueue_dma source(%dma_start3A_37 : memref<1x32xi32, #tpu.memory_space<hbm>>) target(%arg8 : memref<1x32xi32, #tpu.memory_space<vmem>>) target_semaphore(%arg20 : memref<!tpu.dma_semaphore, #tpu.memory_space<semaphore_mem>>)
    %dma_start3A_38 = arith.constant 1 : i32
    %dma_start3A_39 = arith.constant 0 : i32
    %dma_start3A_40 = arith.constant 0 : i32
    %dma_start3A_41 = tpu.memref_slice %arg4[%arg0, %arg1, %dma_start3A_38, %dma_start3A_39, %dma_start3A_40] : memref<2x16x640x1x32xi32, #tpu.memory_space<hbm>> -> memref<1x1x1x1x32xi32, #tpu.memory_space<hbm>>
    %dma_start3A_42 = tpu.memref_squeeze %dma_start3A_41 : memref<1x1x1x1x32xi32, #tpu.memory_space<hbm>> -> memref<1x32xi32, #tpu.memory_space<hbm>>
    %dma_start3A_43 = arith.constant 0 : i32
    %dma_start3A_44 = arith.constant 0 : i32
    %dma_start3A_45 = tpu.memref_slice %arg4[%arg0, %arg1, %dma_start3A_38, %dma_start3A_43, %dma_start3A_44] : memref<2x16x640x1x32xi32, #tpu.memory_space<hbm>> -> memref<1x1x1x1x32xi32, #tpu.memory_space<hbm>>
    %dma_start3A_46 = tpu.memref_squeeze %dma_start3A_45 : memref<1x1x1x1x32xi32, #tpu.memory_space<hbm>> -> memref<1x32xi32, #tpu.memory_space<hbm>>
    tpu.enqueue_dma source(%dma_start3A_46 : memref<1x32xi32, #tpu.memory_space<hbm>>) target(%arg12 : memref<1x32xi32, #tpu.memory_space<vmem>>) target_semaphore(%arg20 : memref<!tpu.dma_semaphore, #tpu.memory_space<semaphore_mem>>)
    %dma_start3A_47 = arith.constant 2 : i32
    %dma_start3A_48 = arith.constant 0 : i32
    %dma_start3A_49 = arith.constant 0 : i32
    %dma_start3A_50 = tpu.memref_slice %arg3[%arg0, %arg1, %dma_start3A_47, %dma_start3A_48, %dma_start3A_49] : memref<2x16x640x1x32xi32, #tpu.memory_space<hbm>> -> memref<1x1x1x1x32xi32, #tpu.memory_space<hbm>>
    %dma_start3A_51 = tpu.memref_squeeze %dma_start3A_50 : memref<1x1x1x1x32xi32, #tpu.memory_space<hbm>> -> memref<1x32xi32, #tpu.memory_space<hbm>>
    %dma_start3A_52 = arith.constant 0 : i32
    %dma_start3A_53 = arith.constant 0 : i32
    %dma_start3A_54 = tpu.memref_slice %arg3[%arg0, %arg1, %dma_start3A_47, %dma_start3A_52, %dma_start3A_53] : memref<2x16x640x1x32xi32, #tpu.memory_space<hbm>> -> memref<1x1x1x1x32xi32, #tpu.memory_space<hbm>>
    %dma_start3A_55 = tpu.memref_squeeze %dma_start3A_54 : memref<1x1x1x1x32xi32, #tpu.memory_space<hbm>> -> memref<1x32xi32, #tpu.memory_space<hbm>>
    tpu.enqueue_dma source(%dma_start3A_55 : memref<1x32xi32, #tpu.memory_space<hbm>>) target(%arg9 : memref<1x32xi32, #tpu.memory_space<vmem>>) target_semaphore(%arg21 : memref<!tpu.dma_semaphore, #tpu.memory_space<semaphore_mem>>)
    %dma_start3A_56 = arith.constant 2 : i32
    %dma_start3A_57 = arith.constant 0 : i32
    %dma_start3A_58 = arith.constant 0 : i32
    %dma_start3A_59 = tpu.memref_slice %arg4[%arg0, %arg1, %dma_start3A_56, %dma_start3A_57, %dma_start3A_58] : memref<2x16x640x1x32xi32, #tpu.memory_space<hbm>> -> memref<1x1x1x1x32xi32, #tpu.memory_space<hbm>>
    %dma_start3A_60 = tpu.memref_squeeze %dma_start3A_59 : memref<1x1x1x1x32xi32, #tpu.memory_space<hbm>> -> memref<1x32xi32, #tpu.memory_space<hbm>>
    %dma_start3A_61 = arith.constant 0 : i32
    %dma_start3A_62 = arith.constant 0 : i32
    %dma_start3A_63 = tpu.memref_slice %arg4[%arg0, %arg1, %dma_start3A_56, %dma_start3A_61, %dma_start3A_62] : memref<2x16x640x1x32xi32, #tpu.memory_space<hbm>> -> memref<1x1x1x1x32xi32, #tpu.memory_space<hbm>>
    %dma_start3A_64 = tpu.memref_squeeze %dma_start3A_63 : memref<1x1x1x1x32xi32, #tpu.memory_space<hbm>> -> memref<1x32xi32, #tpu.memory_space<hbm>>
    tpu.enqueue_dma source(%dma_start3A_64 : memref<1x32xi32, #tpu.memory_space<hbm>>) target(%arg13 : memref<1x32xi32, #tpu.memory_space<vmem>>) target_semaphore(%arg21 : memref<!tpu.dma_semaphore, #tpu.memory_space<semaphore_mem>>)
    %dma_wait3A = arith.constant 0 : i32
    %dma_wait3A_65 = arith.constant 0 : i32
    %dma_wait3A_66 = arith.constant 0 : i32
    %dma_wait3A_67 = tpu.memref_slice %arg3[%arg0, %arg1, %dma_wait3A, %dma_wait3A_65, %dma_wait3A_66] : memref<2x16x640x1x32xi32, #tpu.memory_space<hbm>> -> memref<1x1x1x1x32xi32, #tpu.memory_space<hbm>>
    %dma_wait3A_68 = tpu.memref_squeeze %dma_wait3A_67 : memref<1x1x1x1x32xi32, #tpu.memory_space<hbm>> -> memref<1x32xi32, #tpu.memory_space<hbm>>
    %dma_wait3A_69 = arith.constant 0 : i32
    %dma_wait3A_70 = arith.constant 0 : i32
    %dma_wait3A_71 = tpu.memref_slice %arg3[%arg0, %arg1, %dma_wait3A, %dma_wait3A_69, %dma_wait3A_70] : memref<2x16x640x1x32xi32, #tpu.memory_space<hbm>> -> memref<1x1x1x1x32xi32, #tpu.memory_space<hbm>>
    %dma_wait3A_72 = tpu.memref_squeeze %dma_wait3A_71 : memref<1x1x1x1x32xi32, #tpu.memory_space<hbm>> -> memref<1x32xi32, #tpu.memory_space<hbm>>
    tpu.wait_dma2 semaphore(%arg19 : memref<!tpu.dma_semaphore, #tpu.memory_space<semaphore_mem>>) src(%dma_wait3A_72 : memref<1x32xi32, #tpu.memory_space<hbm>>) dst(%arg7 : memref<1x32xi32, #tpu.memory_space<vmem>>)
    %dma_wait3A_73 = arith.constant 0 : i32
    %dma_wait3A_74 = arith.constant 0 : i32
    %dma_wait3A_75 = arith.constant 0 : i32
    %dma_wait3A_76 = tpu.memref_slice %arg4[%arg0, %arg1, %dma_wait3A_73, %dma_wait3A_74, %dma_wait3A_75] : memref<2x16x640x1x32xi32, #tpu.memory_space<hbm>> -> memref<1x1x1x1x32xi32, #tpu.memory_space<hbm>>
    %dma_wait3A_77 = tpu.memref_squeeze %dma_wait3A_76 : memref<1x1x1x1x32xi32, #tpu.memory_space<hbm>> -> memref<1x32xi32, #tpu.memory_space<hbm>>
    %dma_wait3A_78 = arith.constant 0 : i32
    %dma_wait3A_79 = arith.constant 0 : i32
    %dma_wait3A_80 = tpu.memref_slice %arg4[%arg0, %arg1, %dma_wait3A_73, %dma_wait3A_78, %dma_wait3A_79] : memref<2x16x640x1x32xi32, #tpu.memory_space<hbm>> -> memref<1x1x1x1x32xi32, #tpu.memory_space<hbm>>
    %dma_wait3A_81 = tpu.memref_squeeze %dma_wait3A_80 : memref<1x1x1x1x32xi32, #tpu.memory_space<hbm>> -> memref<1x32xi32, #tpu.memory_space<hbm>>
    tpu.wait_dma2 semaphore(%arg19 : memref<!tpu.dma_semaphore, #tpu.memory_space<semaphore_mem>>) src(%dma_wait3A_81 : memref<1x32xi32, #tpu.memory_space<hbm>>) dst(%arg11 : memref<1x32xi32, #tpu.memory_space<vmem>>)
    %dma_wait3A_82 = arith.constant 1 : i32
    %dma_wait3A_83 = arith.constant 0 : i32
    %dma_wait3A_84 = arith.constant 0 : i32
    %dma_wait3A_85 = tpu.memref_slice %arg3[%arg0, %arg1, %dma_wait3A_82, %dma_wait3A_83, %dma_wait3A_84] : memref<2x16x640x1x32xi32, #tpu.memory_space<hbm>> -> memref<1x1x1x1x32xi32, #tpu.memory_space<hbm>>
    %dma_wait3A_86 = tpu.memref_squeeze %dma_wait3A_85 : memref<1x1x1x1x32xi32, #tpu.memory_space<hbm>> -> memref<1x32xi32, #tpu.memory_space<hbm>>
    %dma_wait3A_87 = arith.constant 0 : i32
    %dma_wait3A_88 = arith.constant 0 : i32
    %dma_wait3A_89 = tpu.memref_slice %arg3[%arg0, %arg1, %dma_wait3A_82, %dma_wait3A_87, %dma_wait3A_88] : memref<2x16x640x1x32xi32, #tpu.memory_space<hbm>> -> memref<1x1x1x1x32xi32, #tpu.memory_space<hbm>>
    %dma_wait3A_90 = tpu.memref_squeeze %dma_wait3A_89 : memref<1x1x1x1x32xi32, #tpu.memory_space<hbm>> -> memref<1x32xi32, #tpu.memory_space<hbm>>
    tpu.wait_dma2 semaphore(%arg20 : memref<!tpu.dma_semaphore, #tpu.memory_space<semaphore_mem>>) src(%dma_wait3A_90 : memref<1x32xi32, #tpu.memory_space<hbm>>) dst(%arg8 : memref<1x32xi32, #tpu.memory_space<vmem>>)
    %dma_wait3A_91 = arith.constant 1 : i32
    %dma_wait3A_92 = arith.constant 0 : i32
    %dma_wait3A_93 = arith.constant 0 : i32
    %dma_wait3A_94 = tpu.memref_slice %arg4[%arg0, %arg1, %dma_wait3A_91, %dma_wait3A_92, %dma_wait3A_93] : memref<2x16x640x1x32xi32, #tpu.memory_space<hbm>> -> memref<1x1x1x1x32xi32, #tpu.memory_space<hbm>>
    %dma_wait3A_95 = tpu.memref_squeeze %dma_wait3A_94 : memref<1x1x1x1x32xi32, #tpu.memory_space<hbm>> -> memref<1x32xi32, #tpu.memory_space<hbm>>
    %dma_wait3A_96 = arith.constant 0 : i32
    %dma_wait3A_97 = arith.constant 0 : i32
    %dma_wait3A_98 = tpu.memref_slice %arg4[%arg0, %arg1, %dma_wait3A_91, %dma_wait3A_96, %dma_wait3A_97] : memref<2x16x640x1x32xi32, #tpu.memory_space<hbm>> -> memref<1x1x1x1x32xi32, #tpu.memory_space<hbm>>
    %dma_wait3A_99 = tpu.memref_squeeze %dma_wait3A_98 : memref<1x1x1x1x32xi32, #tpu.memory_space<hbm>> -> memref<1x32xi32, #tpu.memory_space<hbm>>
    tpu.wait_dma2 semaphore(%arg20 : memref<!tpu.dma_semaphore, #tpu.memory_space<semaphore_mem>>) src(%dma_wait3A_99 : memref<1x32xi32, #tpu.memory_space<hbm>>) dst(%arg12 : memref<1x32xi32, #tpu.memory_space<vmem>>)
    %dma_start3A_100 = arith.constant 0 : i32
    %dma_start3A_101 = arith.constant 0 : i32
    %dma_start3A_102 = tpu.memref_slice %arg7[%dma_start3A_100, %dma_start3A_101] : memref<1x32xi32, #tpu.memory_space<vmem>> -> memref<1x32xi32, #tpu.memory_space<vmem>>
    %dma_start3A_103 = tpu.memref_squeeze %dma_start3A_102 : memref<1x32xi32, #tpu.memory_space<vmem>> -> memref<32xi32, #tpu.memory_space<vmem>>
    %dma_start3A_104 = arith.constant 0 : i32
    %dma_start3A_105 = arith.constant 0 : i32
    %dma_start3A_106 = tpu.memref_slice %arg17[%dma_start3A_104, %dma_start3A_105] : memref<5120x128xf32, #tpu.memory_space<vmem_shared>> -> memref<5120x128xf32, #tpu.memory_space<vmem_shared>>
    tpu.enqueue_indirect_dma source(%dma_start3A_106 : memref<5120x128xf32, #tpu.memory_space<vmem_shared>>) target(%arg15 : memref<32x128xf32, #tpu.memory_space<vmem>>) offsets(%dma_start3A_103 : memref<32xi32, #tpu.memory_space<vmem>>) semaphore(%arg23 : memref<!tpu.dma_semaphore, #tpu.memory_space<semaphore_mem>>)
    %scan3A = arith.constant 0 : i32
    %scan3A_107 = arith.constant 0 : i32
    %scan3A_108 = arith.constant 160 : i32
    %scan3A_109 = arith.addi %scan3A_107, %scan3A_108 : i32
    %scan3A_110 = arith.constant 1 : i32
    scf.for %scan3A_117 = %scan3A_107 to %scan3A_109 step %scan3A_110  : i32 {
      %mul3A_118 = arith.constant 4 : i32
      %mul3A_119 = arith.muli %scan3A_117, %mul3A_118 : i32
      %add3A_120 = arith.constant 0 : i32
      %add3A_121 = arith.addi %mul3A_119, %add3A_120 : i32
      %add3A_122 = arith.constant 4 : i32
      %add3A_123 = arith.addi %add3A_121, %add3A_122 : i32
      %sub3A = arith.constant 1 : i32
      %sub3A_124 = arith.subi %add3A_123, %sub3A : i32
      %lt3A = arith.constant 640 : i32
      %lt3A_125 = arith.cmpi slt, %sub3A_124, %lt3A : i32
      %convert_element_type3A = arith.extui %lt3A_125 : i1 to i32
      %cond3A = arith.constant 0 : i32
      %cond3A_126 = arith.cmpi ne, %convert_element_type3A, %cond3A : i32
      scf.if %cond3A_126 {
        %dma_start3A_253 = arith.constant 0 : i32
        %dma_start3A_254 = arith.constant 0 : i32
        %dma_start3A_255 = tpu.memref_slice %arg3[%arg0, %arg1, %sub3A_124, %dma_start3A_253, %dma_start3A_254] : memref<2x16x640x1x32xi32, #tpu.memory_space<hbm>> -> memref<1x1x1x1x32xi32, #tpu.memory_space<hbm>>
        %dma_start3A_256 = tpu.memref_squeeze %dma_start3A_255 : memref<1x1x1x1x32xi32, #tpu.memory_space<hbm>> -> memref<1x32xi32, #tpu.memory_space<hbm>>
        %dma_start3A_257 = arith.constant 0 : i32
        %dma_start3A_258 = arith.constant 0 : i32
        %dma_start3A_259 = tpu.memref_slice %arg3[%arg0, %arg1, %sub3A_124, %dma_start3A_257, %dma_start3A_258] : memref<2x16x640x1x32xi32, #tpu.memory_space<hbm>> -> memref<1x1x1x1x32xi32, #tpu.memory_space<hbm>>
        %dma_start3A_260 = tpu.memref_squeeze %dma_start3A_259 : memref<1x1x1x1x32xi32, #tpu.memory_space<hbm>> -> memref<1x32xi32, #tpu.memory_space<hbm>>
        tpu.enqueue_dma source(%dma_start3A_260 : memref<1x32xi32, #tpu.memory_space<hbm>>) target(%arg10 : memref<1x32xi32, #tpu.memory_space<vmem>>) target_semaphore(%arg22 : memref<!tpu.dma_semaphore, #tpu.memory_space<semaphore_mem>>)
        %dma_start3A_261 = arith.constant 0 : i32
        %dma_start3A_262 = arith.constant 0 : i32
        %dma_start3A_263 = tpu.memref_slice %arg4[%arg0, %arg1, %sub3A_124, %dma_start3A_261, %dma_start3A_262] : memref<2x16x640x1x32xi32, #tpu.memory_space<hbm>> -> memref<1x1x1x1x32xi32, #tpu.memory_space<hbm>>
        %dma_start3A_264 = tpu.memref_squeeze %dma_start3A_263 : memref<1x1x1x1x32xi32, #tpu.memory_space<hbm>> -> memref<1x32xi32, #tpu.memory_space<hbm>>
        %dma_start3A_265 = arith.constant 0 : i32
        %dma_start3A_266 = arith.constant 0 : i32
        %dma_start3A_267 = tpu.memref_slice %arg4[%arg0, %arg1, %sub3A_124, %dma_start3A_265, %dma_start3A_266] : memref<2x16x640x1x32xi32, #tpu.memory_space<hbm>> -> memref<1x1x1x1x32xi32, #tpu.memory_space<hbm>>
        %dma_start3A_268 = tpu.memref_squeeze %dma_start3A_267 : memref<1x1x1x1x32xi32, #tpu.memory_space<hbm>> -> memref<1x32xi32, #tpu.memory_space<hbm>>
        tpu.enqueue_dma source(%dma_start3A_268 : memref<1x32xi32, #tpu.memory_space<hbm>>) target(%arg14 : memref<1x32xi32, #tpu.memory_space<vmem>>) target_semaphore(%arg22 : memref<!tpu.dma_semaphore, #tpu.memory_space<semaphore_mem>>)
      } else {
      }
      %add3A_127 = arith.constant 2 : i32
      %add3A_128 = arith.addi %add3A_121, %add3A_127 : i32
      %lt3A_129 = arith.constant 640 : i32
      %lt3A_130 = arith.cmpi slt, %add3A_128, %lt3A_129 : i32
      %convert_element_type3A_131 = arith.extui %lt3A_130 : i1 to i32
      %cond3A_132 = arith.constant 0 : i32
      %cond3A_133 = arith.cmpi ne, %convert_element_type3A_131, %cond3A_132 : i32
      scf.if %cond3A_133 {
        %dma_wait3A_253 = arith.constant 0 : i32
        %dma_wait3A_254 = arith.constant 0 : i32
        %dma_wait3A_255 = tpu.memref_slice %arg3[%arg0, %arg1, %add3A_128, %dma_wait3A_253, %dma_wait3A_254] : memref<2x16x640x1x32xi32, #tpu.memory_space<hbm>> -> memref<1x1x1x1x32xi32, #tpu.memory_space<hbm>>
        %dma_wait3A_256 = tpu.memref_squeeze %dma_wait3A_255 : memref<1x1x1x1x32xi32, #tpu.memory_space<hbm>> -> memref<1x32xi32, #tpu.memory_space<hbm>>
        %dma_wait3A_257 = arith.constant 0 : i32
        %dma_wait3A_258 = arith.constant 0 : i32
        %dma_wait3A_259 = tpu.memref_slice %arg3[%arg0, %arg1, %add3A_128, %dma_wait3A_257, %dma_wait3A_258] : memref<2x16x640x1x32xi32, #tpu.memory_space<hbm>> -> memref<1x1x1x1x32xi32, #tpu.memory_space<hbm>>
        %dma_wait3A_260 = tpu.memref_squeeze %dma_wait3A_259 : memref<1x1x1x1x32xi32, #tpu.memory_space<hbm>> -> memref<1x32xi32, #tpu.memory_space<hbm>>
        tpu.wait_dma2 semaphore(%arg21 : memref<!tpu.dma_semaphore, #tpu.memory_space<semaphore_mem>>) src(%dma_wait3A_260 : memref<1x32xi32, #tpu.memory_space<hbm>>) dst(%arg9 : memref<1x32xi32, #tpu.memory_space<vmem>>)
        %dma_wait3A_261 = arith.constant 0 : i32
        %dma_wait3A_262 = arith.constant 0 : i32
        %dma_wait3A_263 = tpu.memref_slice %arg4[%arg0, %arg1, %add3A_128, %dma_wait3A_261, %dma_wait3A_262] : memref<2x16x640x1x32xi32, #tpu.memory_space<hbm>> -> memref<1x1x1x1x32xi32, #tpu.memory_space<hbm>>
        %dma_wait3A_264 = tpu.memref_squeeze %dma_wait3A_263 : memref<1x1x1x1x32xi32, #tpu.memory_space<hbm>> -> memref<1x32xi32, #tpu.memory_space<hbm>>
        %dma_wait3A_265 = arith.constant 0 : i32
        %dma_wait3A_266 = arith.constant 0 : i32
        %dma_wait3A_267 = tpu.memref_slice %arg4[%arg0, %arg1, %add3A_128, %dma_wait3A_265, %dma_wait3A_266] : memref<2x16x640x1x32xi32, #tpu.memory_space<hbm>> -> memref<1x1x1x1x32xi32, #tpu.memory_space<hbm>>
        %dma_wait3A_268 = tpu.memref_squeeze %dma_wait3A_267 : memref<1x1x1x1x32xi32, #tpu.memory_space<hbm>> -> memref<1x32xi32, #tpu.memory_space<hbm>>
        tpu.wait_dma2 semaphore(%arg21 : memref<!tpu.dma_semaphore, #tpu.memory_space<semaphore_mem>>) src(%dma_wait3A_268 : memref<1x32xi32, #tpu.memory_space<hbm>>) dst(%arg13 : memref<1x32xi32, #tpu.memory_space<vmem>>)
      } else {
      }
      %add3A_134 = arith.constant 1 : i32
      %add3A_135 = arith.addi %add3A_121, %add3A_134 : i32
      %lt3A_136 = arith.constant 640 : i32
      %lt3A_137 = arith.cmpi slt, %add3A_135, %lt3A_136 : i32
      %convert_element_type3A_138 = arith.extui %lt3A_137 : i1 to i32
      %cond3A_139 = arith.constant 0 : i32
      %cond3A_140 = arith.cmpi ne, %convert_element_type3A_138, %cond3A_139 : i32
      scf.if %cond3A_140 {
        %dma_start3A_253 = arith.constant 0 : i32
        %dma_start3A_254 = arith.constant 0 : i32
        %dma_start3A_255 = tpu.memref_slice %arg8[%dma_start3A_253, %dma_start3A_254] : memref<1x32xi32, #tpu.memory_space<vmem>> -> memref<1x32xi32, #tpu.memory_space<vmem>>
        %dma_start3A_256 = tpu.memref_squeeze %dma_start3A_255 : memref<1x32xi32, #tpu.memory_space<vmem>> -> memref<32xi32, #tpu.memory_space<vmem>>
        %dma_start3A_257 = arith.constant 0 : i32
        %dma_start3A_258 = arith.constant 0 : i32
        %dma_start3A_259 = tpu.memref_slice %arg17[%dma_start3A_257, %dma_start3A_258] : memref<5120x128xf32, #tpu.memory_space<vmem_shared>> -> memref<5120x128xf32, #tpu.memory_space<vmem_shared>>
        tpu.enqueue_indirect_dma source(%dma_start3A_259 : memref<5120x128xf32, #tpu.memory_space<vmem_shared>>) target(%arg16 : memref<32x128xf32, #tpu.memory_space<vmem>>) offsets(%dma_start3A_256 : memref<32xi32, #tpu.memory_space<vmem>>) semaphore(%arg24 : memref<!tpu.dma_semaphore, #tpu.memory_space<semaphore_mem>>)
      } else {
      }
      %dma_wait3A_141 = arith.constant 0 : i32
      %dma_wait3A_142 = arith.constant 0 : i32
      %dma_wait3A_143 = tpu.memref_slice %arg7[%dma_wait3A_141, %dma_wait3A_142] : memref<1x32xi32, #tpu.memory_space<vmem>> -> memref<1x32xi32, #tpu.memory_space<vmem>>
      %dma_wait3A_144 = tpu.memref_squeeze %dma_wait3A_143 : memref<1x32xi32, #tpu.memory_space<vmem>> -> memref<32xi32, #tpu.memory_space<vmem>>
      %dma_wait3A_145 = arith.constant 0 : i32
      %dma_wait3A_146 = arith.constant 0 : i32
      %dma_wait3A_147 = tpu.memref_slice %arg17[%dma_wait3A_145, %dma_wait3A_146] : memref<5120x128xf32, #tpu.memory_space<vmem_shared>> -> memref<5120x128xf32, #tpu.memory_space<vmem_shared>>
      tpu.wait_indirect_dma semaphore(%arg23 : memref<!tpu.dma_semaphore, #tpu.memory_space<semaphore_mem>>) src(%dma_wait3A_147 : memref<5120x128xf32, #tpu.memory_space<vmem_shared>>) dst(%arg15 : memref<32x128xf32, #tpu.memory_space<vmem>>)
      %run_scoped3A = arith.constant 0 : i32
      "tpu.region"() ({
        %run_scoped3A_253 = tpu.sem_alloc : memref<!tpu.dma_semaphore, #tpu.memory_space<semaphore_mem>>
        %dma_start3A_254 = arith.constant 0 : i32
        %dma_start3A_255 = tpu.memref_slice %arg11[%run_scoped3A, %dma_start3A_254] : memref<1x32xi32, #tpu.memory_space<vmem>> -> memref<1x32xi32, #tpu.memory_space<vmem>>
        %dma_start3A_256 = tpu.memref_squeeze %dma_start3A_255 : memref<1x32xi32, #tpu.memory_space<vmem>> -> memref<32xi32, #tpu.memory_space<vmem>>
        %dma_start3A_257 = arith.constant 0 : i32
        %dma_start3A_258 = arith.constant 0 : i32
        %dma_start3A_259 = tpu.memref_slice %arg18[%dma_start3A_257, %dma_start3A_258] : memref<10112x128xf32, #tpu.memory_space<vmem_shared>> -> memref<10112x128xf32, #tpu.memory_space<vmem_shared>>
        tpu.enqueue_indirect_dma source(%arg15 : memref<32x128xf32, #tpu.memory_space<vmem>>) target(%dma_start3A_259 : memref<10112x128xf32, #tpu.memory_space<vmem_shared>>) offsets(%dma_start3A_256 : memref<32xi32, #tpu.memory_space<vmem>>) semaphore(%run_scoped3A_253 : memref<!tpu.dma_semaphore, #tpu.memory_space<semaphore_mem>>) {add = true}
        %dma_wait3A_260 = arith.constant 0 : i32
        %dma_wait3A_261 = tpu.memref_slice %arg11[%run_scoped3A, %dma_wait3A_260] : memref<1x32xi32, #tpu.memory_space<vmem>> -> memref<1x32xi32, #tpu.memory_space<vmem>>
        %dma_wait3A_262 = tpu.memref_squeeze %dma_wait3A_261 : memref<1x32xi32, #tpu.memory_space<vmem>> -> memref<32xi32, #tpu.memory_space<vmem>>
        %dma_wait3A_263 = arith.constant 0 : i32
        %dma_wait3A_264 = arith.constant 0 : i32
        %dma_wait3A_265 = tpu.memref_slice %arg18[%dma_wait3A_263, %dma_wait3A_264] : memref<10112x128xf32, #tpu.memory_space<vmem_shared>> -> memref<10112x128xf32, #tpu.memory_space<vmem_shared>>
        tpu.wait_indirect_dma semaphore(%run_scoped3A_253 : memref<!tpu.dma_semaphore, #tpu.memory_space<semaphore_mem>>) src(%arg15 : memref<32x128xf32, #tpu.memory_space<vmem>>) dst(%dma_wait3A_265 : memref<10112x128xf32, #tpu.memory_space<vmem_shared>>)
        tpu.yield
      }) : () -> ()
      %mul3A_148 = arith.constant 4 : i32
      %mul3A_149 = arith.muli %scan3A_117, %mul3A_148 : i32
      %add3A_150 = arith.constant 1 : i32
      %add3A_151 = arith.addi %mul3A_149, %add3A_150 : i32
      %add3A_152 = arith.constant 4 : i32
      %add3A_153 = arith.addi %add3A_151, %add3A_152 : i32
      %sub3A_154 = arith.constant 1 : i32
      %sub3A_155 = arith.subi %add3A_153, %sub3A_154 : i32
      %lt3A_156 = arith.constant 640 : i32
      %lt3A_157 = arith.cmpi slt, %sub3A_155, %lt3A_156 : i32
      %convert_element_type3A_158 = arith.extui %lt3A_157 : i1 to i32
      %cond3A_159 = arith.constant 0 : i32
      %cond3A_160 = arith.cmpi ne, %convert_element_type3A_158, %cond3A_159 : i32
      scf.if %cond3A_160 {
        %dma_start3A_253 = arith.constant 0 : i32
        %dma_start3A_254 = arith.constant 0 : i32
        %dma_start3A_255 = tpu.memref_slice %arg3[%arg0, %arg1, %sub3A_155, %dma_start3A_253, %dma_start3A_254] : memref<2x16x640x1x32xi32, #tpu.memory_space<hbm>> -> memref<1x1x1x1x32xi32, #tpu.memory_space<hbm>>
        %dma_start3A_256 = tpu.memref_squeeze %dma_start3A_255 : memref<1x1x1x1x32xi32, #tpu.memory_space<hbm>> -> memref<1x32xi32, #tpu.memory_space<hbm>>
        %dma_start3A_257 = arith.constant 0 : i32
        %dma_start3A_258 = arith.constant 0 : i32
        %dma_start3A_259 = tpu.memref_slice %arg3[%arg0, %arg1, %sub3A_155, %dma_start3A_257, %dma_start3A_258] : memref<2x16x640x1x32xi32, #tpu.memory_space<hbm>> -> memref<1x1x1x1x32xi32, #tpu.memory_space<hbm>>
        %dma_start3A_260 = tpu.memref_squeeze %dma_start3A_259 : memref<1x1x1x1x32xi32, #tpu.memory_space<hbm>> -> memref<1x32xi32, #tpu.memory_space<hbm>>
        tpu.enqueue_dma source(%dma_start3A_260 : memref<1x32xi32, #tpu.memory_space<hbm>>) target(%arg7 : memref<1x32xi32, #tpu.memory_space<vmem>>) target_semaphore(%arg19 : memref<!tpu.dma_semaphore, #tpu.memory_space<semaphore_mem>>)
        %dma_start3A_261 = arith.constant 0 : i32
        %dma_start3A_262 = arith.constant 0 : i32
        %dma_start3A_263 = tpu.memref_slice %arg4[%arg0, %arg1, %sub3A_155, %dma_start3A_261, %dma_start3A_262] : memref<2x16x640x1x32xi32, #tpu.memory_space<hbm>> -> memref<1x1x1x1x32xi32, #tpu.memory_space<hbm>>
        %dma_start3A_264 = tpu.memref_squeeze %dma_start3A_263 : memref<1x1x1x1x32xi32, #tpu.memory_space<hbm>> -> memref<1x32xi32, #tpu.memory_space<hbm>>
        %dma_start3A_265 = arith.constant 0 : i32
        %dma_start3A_266 = arith.constant 0 : i32
        %dma_start3A_267 = tpu.memref_slice %arg4[%arg0, %arg1, %sub3A_155, %dma_start3A_265, %dma_start3A_266] : memref<2x16x640x1x32xi32, #tpu.memory_space<hbm>> -> memref<1x1x1x1x32xi32, #tpu.memory_space<hbm>>
        %dma_start3A_268 = tpu.memref_squeeze %dma_start3A_267 : memref<1x1x1x1x32xi32, #tpu.memory_space<hbm>> -> memref<1x32xi32, #tpu.memory_space<hbm>>
        tpu.enqueue_dma source(%dma_start3A_268 : memref<1x32xi32, #tpu.memory_space<hbm>>) target(%arg11 : memref<1x32xi32, #tpu.memory_space<vmem>>) target_semaphore(%arg19 : memref<!tpu.dma_semaphore, #tpu.memory_space<semaphore_mem>>)
      } else {
      }
      %add3A_161 = arith.constant 2 : i32
      %add3A_162 = arith.addi %add3A_151, %add3A_161 : i32
      %lt3A_163 = arith.constant 640 : i32
      %lt3A_164 = arith.cmpi slt, %add3A_162, %lt3A_163 : i32
      %convert_element_type3A_165 = arith.extui %lt3A_164 : i1 to i32
      %cond3A_166 = arith.constant 0 : i32
      %cond3A_167 = arith.cmpi ne, %convert_element_type3A_165, %cond3A_166 : i32
      scf.if %cond3A_167 {
        %dma_wait3A_253 = arith.constant 0 : i32
        %dma_wait3A_254 = arith.constant 0 : i32
        %dma_wait3A_255 = tpu.memref_slice %arg3[%arg0, %arg1, %add3A_162, %dma_wait3A_253, %dma_wait3A_254] : memref<2x16x640x1x32xi32, #tpu.memory_space<hbm>> -> memref<1x1x1x1x32xi32, #tpu.memory_space<hbm>>
        %dma_wait3A_256 = tpu.memref_squeeze %dma_wait3A_255 : memref<1x1x1x1x32xi32, #tpu.memory_space<hbm>> -> memref<1x32xi32, #tpu.memory_space<hbm>>
        %dma_wait3A_257 = arith.constant 0 : i32
        %dma_wait3A_258 = arith.constant 0 : i32
        %dma_wait3A_259 = tpu.memref_slice %arg3[%arg0, %arg1, %add3A_162, %dma_wait3A_257, %dma_wait3A_258] : memref<2x16x640x1x32xi32, #tpu.memory_space<hbm>> -> memref<1x1x1x1x32xi32, #tpu.memory_space<hbm>>
        %dma_wait3A_260 = tpu.memref_squeeze %dma_wait3A_259 : memref<1x1x1x1x32xi32, #tpu.memory_space<hbm>> -> memref<1x32xi32, #tpu.memory_space<hbm>>
        tpu.wait_dma2 semaphore(%arg22 : memref<!tpu.dma_semaphore, #tpu.memory_space<semaphore_mem>>) src(%dma_wait3A_260 : memref<1x32xi32, #tpu.memory_space<hbm>>) dst(%arg10 : memref<1x32xi32, #tpu.memory_space<vmem>>)
        %dma_wait3A_261 = arith.constant 0 : i32
        %dma_wait3A_262 = arith.constant 0 : i32
        %dma_wait3A_263 = tpu.memref_slice %arg4[%arg0, %arg1, %add3A_162, %dma_wait3A_261, %dma_wait3A_262] : memref<2x16x640x1x32xi32, #tpu.memory_space<hbm>> -> memref<1x1x1x1x32xi32, #tpu.memory_space<hbm>>
        %dma_wait3A_264 = tpu.memref_squeeze %dma_wait3A_263 : memref<1x1x1x1x32xi32, #tpu.memory_space<hbm>> -> memref<1x32xi32, #tpu.memory_space<hbm>>
        %dma_wait3A_265 = arith.constant 0 : i32
        %dma_wait3A_266 = arith.constant 0 : i32
        %dma_wait3A_267 = tpu.memref_slice %arg4[%arg0, %arg1, %add3A_162, %dma_wait3A_265, %dma_wait3A_266] : memref<2x16x640x1x32xi32, #tpu.memory_space<hbm>> -> memref<1x1x1x1x32xi32, #tpu.memory_space<hbm>>
        %dma_wait3A_268 = tpu.memref_squeeze %dma_wait3A_267 : memref<1x1x1x1x32xi32, #tpu.memory_space<hbm>> -> memref<1x32xi32, #tpu.memory_space<hbm>>
        tpu.wait_dma2 semaphore(%arg22 : memref<!tpu.dma_semaphore, #tpu.memory_space<semaphore_mem>>) src(%dma_wait3A_268 : memref<1x32xi32, #tpu.memory_space<hbm>>) dst(%arg14 : memref<1x32xi32, #tpu.memory_space<vmem>>)
      } else {
      }
      %add3A_168 = arith.constant 1 : i32
      %add3A_169 = arith.addi %add3A_151, %add3A_168 : i32
      %lt3A_170 = arith.constant 640 : i32
      %lt3A_171 = arith.cmpi slt, %add3A_169, %lt3A_170 : i32
      %convert_element_type3A_172 = arith.extui %lt3A_171 : i1 to i32
      %cond3A_173 = arith.constant 0 : i32
      %cond3A_174 = arith.cmpi ne, %convert_element_type3A_172, %cond3A_173 : i32
      scf.if %cond3A_174 {
        %dma_start3A_253 = arith.constant 0 : i32
        %dma_start3A_254 = arith.constant 0 : i32
        %dma_start3A_255 = tpu.memref_slice %arg9[%dma_start3A_253, %dma_start3A_254] : memref<1x32xi32, #tpu.memory_space<vmem>> -> memref<1x32xi32, #tpu.memory_space<vmem>>
        %dma_start3A_256 = tpu.memref_squeeze %dma_start3A_255 : memref<1x32xi32, #tpu.memory_space<vmem>> -> memref<32xi32, #tpu.memory_space<vmem>>
        %dma_start3A_257 = arith.constant 0 : i32
        %dma_start3A_258 = arith.constant 0 : i32
        %dma_start3A_259 = tpu.memref_slice %arg17[%dma_start3A_257, %dma_start3A_258] : memref<5120x128xf32, #tpu.memory_space<vmem_shared>> -> memref<5120x128xf32, #tpu.memory_space<vmem_shared>>
        tpu.enqueue_indirect_dma source(%dma_start3A_259 : memref<5120x128xf32, #tpu.memory_space<vmem_shared>>) target(%arg15 : memref<32x128xf32, #tpu.memory_space<vmem>>) offsets(%dma_start3A_256 : memref<32xi32, #tpu.memory_space<vmem>>) semaphore(%arg23 : memref<!tpu.dma_semaphore, #tpu.memory_space<semaphore_mem>>)
      } else {
      }
      %dma_wait3A_175 = arith.constant 0 : i32
      %dma_wait3A_176 = arith.constant 0 : i32
      %dma_wait3A_177 = tpu.memref_slice %arg8[%dma_wait3A_175, %dma_wait3A_176] : memref<1x32xi32, #tpu.memory_space<vmem>> -> memref<1x32xi32, #tpu.memory_space<vmem>>
      %dma_wait3A_178 = tpu.memref_squeeze %dma_wait3A_177 : memref<1x32xi32, #tpu.memory_space<vmem>> -> memref<32xi32, #tpu.memory_space<vmem>>
      %dma_wait3A_179 = arith.constant 0 : i32
      %dma_wait3A_180 = arith.constant 0 : i32
      %dma_wait3A_181 = tpu.memref_slice %arg17[%dma_wait3A_179, %dma_wait3A_180] : memref<5120x128xf32, #tpu.memory_space<vmem_shared>> -> memref<5120x128xf32, #tpu.memory_space<vmem_shared>>
      tpu.wait_indirect_dma semaphore(%arg24 : memref<!tpu.dma_semaphore, #tpu.memory_space<semaphore_mem>>) src(%dma_wait3A_181 : memref<5120x128xf32, #tpu.memory_space<vmem_shared>>) dst(%arg16 : memref<32x128xf32, #tpu.memory_space<vmem>>)
      %run_scoped3A_182 = arith.constant 0 : i32
      "tpu.region"() ({
        %run_scoped3A_253 = tpu.sem_alloc : memref<!tpu.dma_semaphore, #tpu.memory_space<semaphore_mem>>
        %dma_start3A_254 = arith.constant 0 : i32
        %dma_start3A_255 = tpu.memref_slice %arg12[%run_scoped3A_182, %dma_start3A_254] : memref<1x32xi32, #tpu.memory_space<vmem>> -> memref<1x32xi32, #tpu.memory_space<vmem>>
        %dma_start3A_256 = tpu.memref_squeeze %dma_start3A_255 : memref<1x32xi32, #tpu.memory_space<vmem>> -> memref<32xi32, #tpu.memory_space<vmem>>
        %dma_start3A_257 = arith.constant 0 : i32
        %dma_start3A_258 = arith.constant 0 : i32
        %dma_start3A_259 = tpu.memref_slice %arg18[%dma_start3A_257, %dma_start3A_258] : memref<10112x128xf32, #tpu.memory_space<vmem_shared>> -> memref<10112x128xf32, #tpu.memory_space<vmem_shared>>
        tpu.enqueue_indirect_dma source(%arg16 : memref<32x128xf32, #tpu.memory_space<vmem>>) target(%dma_start3A_259 : memref<10112x128xf32, #tpu.memory_space<vmem_shared>>) offsets(%dma_start3A_256 : memref<32xi32, #tpu.memory_space<vmem>>) semaphore(%run_scoped3A_253 : memref<!tpu.dma_semaphore, #tpu.memory_space<semaphore_mem>>) {add = true}
        %dma_wait3A_260 = arith.constant 0 : i32
        %dma_wait3A_261 = tpu.memref_slice %arg12[%run_scoped3A_182, %dma_wait3A_260] : memref<1x32xi32, #tpu.memory_space<vmem>> -> memref<1x32xi32, #tpu.memory_space<vmem>>
        %dma_wait3A_262 = tpu.memref_squeeze %dma_wait3A_261 : memref<1x32xi32, #tpu.memory_space<vmem>> -> memref<32xi32, #tpu.memory_space<vmem>>
        %dma_wait3A_263 = arith.constant 0 : i32
        %dma_wait3A_264 = arith.constant 0 : i32
        %dma_wait3A_265 = tpu.memref_slice %arg18[%dma_wait3A_263, %dma_wait3A_264] : memref<10112x128xf32, #tpu.memory_space<vmem_shared>> -> memref<10112x128xf32, #tpu.memory_space<vmem_shared>>
        tpu.wait_indirect_dma semaphore(%run_scoped3A_253 : memref<!tpu.dma_semaphore, #tpu.memory_space<semaphore_mem>>) src(%arg16 : memref<32x128xf32, #tpu.memory_space<vmem>>) dst(%dma_wait3A_265 : memref<10112x128xf32, #tpu.memory_space<vmem_shared>>)
        tpu.yield
      }) : () -> ()
      %mul3A_183 = arith.constant 4 : i32
      %mul3A_184 = arith.muli %scan3A_117, %mul3A_183 : i32
      %add3A_185 = arith.constant 2 : i32
      %add3A_186 = arith.addi %mul3A_184, %add3A_185 : i32
      %add3A_187 = arith.constant 4 : i32
      %add3A_188 = arith.addi %add3A_186, %add3A_187 : i32
      %sub3A_189 = arith.constant 1 : i32
      %sub3A_190 = arith.subi %add3A_188, %sub3A_189 : i32
      %lt3A_191 = arith.constant 640 : i32
      %lt3A_192 = arith.cmpi slt, %sub3A_190, %lt3A_191 : i32
      %convert_element_type3A_193 = arith.extui %lt3A_192 : i1 to i32
      %cond3A_194 = arith.constant 0 : i32
      %cond3A_195 = arith.cmpi ne, %convert_element_type3A_193, %cond3A_194 : i32
      scf.if %cond3A_195 {
        %dma_start3A_253 = arith.constant 0 : i32
        %dma_start3A_254 = arith.constant 0 : i32
        %dma_start3A_255 = tpu.memref_slice %arg3[%arg0, %arg1, %sub3A_190, %dma_start3A_253, %dma_start3A_254] : memref<2x16x640x1x32xi32, #tpu.memory_space<hbm>> -> memref<1x1x1x1x32xi32, #tpu.memory_space<hbm>>
        %dma_start3A_256 = tpu.memref_squeeze %dma_start3A_255 : memref<1x1x1x1x32xi32, #tpu.memory_space<hbm>> -> memref<1x32xi32, #tpu.memory_space<hbm>>
        %dma_start3A_257 = arith.constant 0 : i32
        %dma_start3A_258 = arith.constant 0 : i32
        %dma_start3A_259 = tpu.memref_slice %arg3[%arg0, %arg1, %sub3A_190, %dma_start3A_257, %dma_start3A_258] : memref<2x16x640x1x32xi32, #tpu.memory_space<hbm>> -> memref<1x1x1x1x32xi32, #tpu.memory_space<hbm>>
        %dma_start3A_260 = tpu.memref_squeeze %dma_start3A_259 : memref<1x1x1x1x32xi32, #tpu.memory_space<hbm>> -> memref<1x32xi32, #tpu.memory_space<hbm>>
        tpu.enqueue_dma source(%dma_start3A_260 : memref<1x32xi32, #tpu.memory_space<hbm>>) target(%arg8 : memref<1x32xi32, #tpu.memory_space<vmem>>) target_semaphore(%arg20 : memref<!tpu.dma_semaphore, #tpu.memory_space<semaphore_mem>>)
        %dma_start3A_261 = arith.constant 0 : i32
        %dma_start3A_262 = arith.constant 0 : i32
        %dma_start3A_263 = tpu.memref_slice %arg4[%arg0, %arg1, %sub3A_190, %dma_start3A_261, %dma_start3A_262] : memref<2x16x640x1x32xi32, #tpu.memory_space<hbm>> -> memref<1x1x1x1x32xi32, #tpu.memory_space<hbm>>
        %dma_start3A_264 = tpu.memref_squeeze %dma_start3A_263 : memref<1x1x1x1x32xi32, #tpu.memory_space<hbm>> -> memref<1x32xi32, #tpu.memory_space<hbm>>
        %dma_start3A_265 = arith.constant 0 : i32
        %dma_start3A_266 = arith.constant 0 : i32
        %dma_start3A_267 = tpu.memref_slice %arg4[%arg0, %arg1, %sub3A_190, %dma_start3A_265, %dma_start3A_266] : memref<2x16x640x1x32xi32, #tpu.memory_space<hbm>> -> memref<1x1x1x1x32xi32, #tpu.memory_space<hbm>>
        %dma_start3A_268 = tpu.memref_squeeze %dma_start3A_267 : memref<1x1x1x1x32xi32, #tpu.memory_space<hbm>> -> memref<1x32xi32, #tpu.memory_space<hbm>>
        tpu.enqueue_dma source(%dma_start3A_268 : memref<1x32xi32, #tpu.memory_space<hbm>>) target(%arg12 : memref<1x32xi32, #tpu.memory_space<vmem>>) target_semaphore(%arg20 : memref<!tpu.dma_semaphore, #tpu.memory_space<semaphore_mem>>)
      } else {
      }
      %add3A_196 = arith.constant 2 : i32
      %add3A_197 = arith.addi %add3A_186, %add3A_196 : i32
      %lt3A_198 = arith.constant 640 : i32
      %lt3A_199 = arith.cmpi slt, %add3A_197, %lt3A_198 : i32
      %convert_element_type3A_200 = arith.extui %lt3A_199 : i1 to i32
      %cond3A_201 = arith.constant 0 : i32
      %cond3A_202 = arith.cmpi ne, %convert_element_type3A_200, %cond3A_201 : i32
      scf.if %cond3A_202 {
        %dma_wait3A_253 = arith.constant 0 : i32
        %dma_wait3A_254 = arith.constant 0 : i32
        %dma_wait3A_255 = tpu.memref_slice %arg3[%arg0, %arg1, %add3A_197, %dma_wait3A_253, %dma_wait3A_254] : memref<2x16x640x1x32xi32, #tpu.memory_space<hbm>> -> memref<1x1x1x1x32xi32, #tpu.memory_space<hbm>>
        %dma_wait3A_256 = tpu.memref_squeeze %dma_wait3A_255 : memref<1x1x1x1x32xi32, #tpu.memory_space<hbm>> -> memref<1x32xi32, #tpu.memory_space<hbm>>
        %dma_wait3A_257 = arith.constant 0 : i32
        %dma_wait3A_258 = arith.constant 0 : i32
        %dma_wait3A_259 = tpu.memref_slice %arg3[%arg0, %arg1, %add3A_197, %dma_wait3A_257, %dma_wait3A_258] : memref<2x16x640x1x32xi32, #tpu.memory_space<hbm>> -> memref<1x1x1x1x32xi32, #tpu.memory_space<hbm>>
        %dma_wait3A_260 = tpu.memref_squeeze %dma_wait3A_259 : memref<1x1x1x1x32xi32, #tpu.memory_space<hbm>> -> memref<1x32xi32, #tpu.memory_space<hbm>>
        tpu.wait_dma2 semaphore(%arg19 : memref<!tpu.dma_semaphore, #tpu.memory_space<semaphore_mem>>) src(%dma_wait3A_260 : memref<1x32xi32, #tpu.memory_space<hbm>>) dst(%arg7 : memref<1x32xi32, #tpu.memory_space<vmem>>)
        %dma_wait3A_261 = arith.constant 0 : i32
        %dma_wait3A_262 = arith.constant 0 : i32
        %dma_wait3A_263 = tpu.memref_slice %arg4[%arg0, %arg1, %add3A_197, %dma_wait3A_261, %dma_wait3A_262] : memref<2x16x640x1x32xi32, #tpu.memory_space<hbm>> -> memref<1x1x1x1x32xi32, #tpu.memory_space<hbm>>
        %dma_wait3A_264 = tpu.memref_squeeze %dma_wait3A_263 : memref<1x1x1x1x32xi32, #tpu.memory_space<hbm>> -> memref<1x32xi32, #tpu.memory_space<hbm>>
        %dma_wait3A_265 = arith.constant 0 : i32
        %dma_wait3A_266 = arith.constant 0 : i32
        %dma_wait3A_267 = tpu.memref_slice %arg4[%arg0, %arg1, %add3A_197, %dma_wait3A_265, %dma_wait3A_266] : memref<2x16x640x1x32xi32, #tpu.memory_space<hbm>> -> memref<1x1x1x1x32xi32, #tpu.memory_space<hbm>>
        %dma_wait3A_268 = tpu.memref_squeeze %dma_wait3A_267 : memref<1x1x1x1x32xi32, #tpu.memory_space<hbm>> -> memref<1x32xi32, #tpu.memory_space<hbm>>
        tpu.wait_dma2 semaphore(%arg19 : memref<!tpu.dma_semaphore, #tpu.memory_space<semaphore_mem>>) src(%dma_wait3A_268 : memref<1x32xi32, #tpu.memory_space<hbm>>) dst(%arg11 : memref<1x32xi32, #tpu.memory_space<vmem>>)
      } else {
      }
      %add3A_203 = arith.constant 1 : i32
      %add3A_204 = arith.addi %add3A_186, %add3A_203 : i32
      %lt3A_205 = arith.constant 640 : i32
      %lt3A_206 = arith.cmpi slt, %add3A_204, %lt3A_205 : i32
      %convert_element_type3A_207 = arith.extui %lt3A_206 : i1 to i32
      %cond3A_208 = arith.constant 0 : i32
      %cond3A_209 = arith.cmpi ne, %convert_element_type3A_207, %cond3A_208 : i32
      scf.if %cond3A_209 {
        %dma_start3A_253 = arith.constant 0 : i32
        %dma_start3A_254 = arith.constant 0 : i32
        %dma_start3A_255 = tpu.memref_slice %arg10[%dma_start3A_253, %dma_start3A_254] : memref<1x32xi32, #tpu.memory_space<vmem>> -> memref<1x32xi32, #tpu.memory_space<vmem>>
        %dma_start3A_256 = tpu.memref_squeeze %dma_start3A_255 : memref<1x32xi32, #tpu.memory_space<vmem>> -> memref<32xi32, #tpu.memory_space<vmem>>
        %dma_start3A_257 = arith.constant 0 : i32
        %dma_start3A_258 = arith.constant 0 : i32
        %dma_start3A_259 = tpu.memref_slice %arg17[%dma_start3A_257, %dma_start3A_258] : memref<5120x128xf32, #tpu.memory_space<vmem_shared>> -> memref<5120x128xf32, #tpu.memory_space<vmem_shared>>
        tpu.enqueue_indirect_dma source(%dma_start3A_259 : memref<5120x128xf32, #tpu.memory_space<vmem_shared>>) target(%arg16 : memref<32x128xf32, #tpu.memory_space<vmem>>) offsets(%dma_start3A_256 : memref<32xi32, #tpu.memory_space<vmem>>) semaphore(%arg24 : memref<!tpu.dma_semaphore, #tpu.memory_space<semaphore_mem>>)
      } else {
      }
      %dma_wait3A_210 = arith.constant 0 : i32
      %dma_wait3A_211 = arith.constant 0 : i32
      %dma_wait3A_212 = tpu.memref_slice %arg9[%dma_wait3A_210, %dma_wait3A_211] : memref<1x32xi32, #tpu.memory_space<vmem>> -> memref<1x32xi32, #tpu.memory_space<vmem>>
      %dma_wait3A_213 = tpu.memref_squeeze %dma_wait3A_212 : memref<1x32xi32, #tpu.memory_space<vmem>> -> memref<32xi32, #tpu.memory_space<vmem>>
      %dma_wait3A_214 = arith.constant 0 : i32
      %dma_wait3A_215 = arith.constant 0 : i32
      %dma_wait3A_216 = tpu.memref_slice %arg17[%dma_wait3A_214, %dma_wait3A_215] : memref<5120x128xf32, #tpu.memory_space<vmem_shared>> -> memref<5120x128xf32, #tpu.memory_space<vmem_shared>>
      tpu.wait_indirect_dma semaphore(%arg23 : memref<!tpu.dma_semaphore, #tpu.memory_space<semaphore_mem>>) src(%dma_wait3A_216 : memref<5120x128xf32, #tpu.memory_space<vmem_shared>>) dst(%arg15 : memref<32x128xf32, #tpu.memory_space<vmem>>)
      %run_scoped3A_217 = arith.constant 0 : i32
      "tpu.region"() ({
        %run_scoped3A_253 = tpu.sem_alloc : memref<!tpu.dma_semaphore, #tpu.memory_space<semaphore_mem>>
        %dma_start3A_254 = arith.constant 0 : i32
        %dma_start3A_255 = tpu.memref_slice %arg13[%run_scoped3A_217, %dma_start3A_254] : memref<1x32xi32, #tpu.memory_space<vmem>> -> memref<1x32xi32, #tpu.memory_space<vmem>>
        %dma_start3A_256 = tpu.memref_squeeze %dma_start3A_255 : memref<1x32xi32, #tpu.memory_space<vmem>> -> memref<32xi32, #tpu.memory_space<vmem>>
        %dma_start3A_257 = arith.constant 0 : i32
        %dma_start3A_258 = arith.constant 0 : i32
        %dma_start3A_259 = tpu.memref_slice %arg18[%dma_start3A_257, %dma_start3A_258] : memref<10112x128xf32, #tpu.memory_space<vmem_shared>> -> memref<10112x128xf32, #tpu.memory_space<vmem_shared>>
        tpu.enqueue_indirect_dma source(%arg15 : memref<32x128xf32, #tpu.memory_space<vmem>>) target(%dma_start3A_259 : memref<10112x128xf32, #tpu.memory_space<vmem_shared>>) offsets(%dma_start3A_256 : memref<32xi32, #tpu.memory_space<vmem>>) semaphore(%run_scoped3A_253 : memref<!tpu.dma_semaphore, #tpu.memory_space<semaphore_mem>>) {add = true}
        %dma_wait3A_260 = arith.constant 0 : i32
        %dma_wait3A_261 = tpu.memref_slice %arg13[%run_scoped3A_217, %dma_wait3A_260] : memref<1x32xi32, #tpu.memory_space<vmem>> -> memref<1x32xi32, #tpu.memory_space<vmem>>
        %dma_wait3A_262 = tpu.memref_squeeze %dma_wait3A_261 : memref<1x32xi32, #tpu.memory_space<vmem>> -> memref<32xi32, #tpu.memory_space<vmem>>
        %dma_wait3A_263 = arith.constant 0 : i32
        %dma_wait3A_264 = arith.constant 0 : i32
        %dma_wait3A_265 = tpu.memref_slice %arg18[%dma_wait3A_263, %dma_wait3A_264] : memref<10112x128xf32, #tpu.memory_space<vmem_shared>> -> memref<10112x128xf32, #tpu.memory_space<vmem_shared>>
        tpu.wait_indirect_dma semaphore(%run_scoped3A_253 : memref<!tpu.dma_semaphore, #tpu.memory_space<semaphore_mem>>) src(%arg15 : memref<32x128xf32, #tpu.memory_space<vmem>>) dst(%dma_wait3A_265 : memref<10112x128xf32, #tpu.memory_space<vmem_shared>>)
        tpu.yield
      }) : () -> ()
      %mul3A_218 = arith.constant 4 : i32
      %mul3A_219 = arith.muli %scan3A_117, %mul3A_218 : i32
      %add3A_220 = arith.constant 3 : i32
      %add3A_221 = arith.addi %mul3A_219, %add3A_220 : i32
      %add3A_222 = arith.constant 4 : i32
      %add3A_223 = arith.addi %add3A_221, %add3A_222 : i32
      %sub3A_224 = arith.constant 1 : i32
      %sub3A_225 = arith.subi %add3A_223, %sub3A_224 : i32
      %lt3A_226 = arith.constant 640 : i32
      %lt3A_227 = arith.cmpi slt, %sub3A_225, %lt3A_226 : i32
      %convert_element_type3A_228 = arith.extui %lt3A_227 : i1 to i32
      %cond3A_229 = arith.constant 0 : i32
      %cond3A_230 = arith.cmpi ne, %convert_element_type3A_228, %cond3A_229 : i32
      scf.if %cond3A_230 {
        %dma_start3A_253 = arith.constant 0 : i32
        %dma_start3A_254 = arith.constant 0 : i32
        %dma_start3A_255 = tpu.memref_slice %arg3[%arg0, %arg1, %sub3A_225, %dma_start3A_253, %dma_start3A_254] : memref<2x16x640x1x32xi32, #tpu.memory_space<hbm>> -> memref<1x1x1x1x32xi32, #tpu.memory_space<hbm>>
        %dma_start3A_256 = tpu.memref_squeeze %dma_start3A_255 : memref<1x1x1x1x32xi32, #tpu.memory_space<hbm>> -> memref<1x32xi32, #tpu.memory_space<hbm>>
        %dma_start3A_257 = arith.constant 0 : i32
        %dma_start3A_258 = arith.constant 0 : i32
        %dma_start3A_259 = tpu.memref_slice %arg3[%arg0, %arg1, %sub3A_225, %dma_start3A_257, %dma_start3A_258] : memref<2x16x640x1x32xi32, #tpu.memory_space<hbm>> -> memref<1x1x1x1x32xi32, #tpu.memory_space<hbm>>
        %dma_start3A_260 = tpu.memref_squeeze %dma_start3A_259 : memref<1x1x1x1x32xi32, #tpu.memory_space<hbm>> -> memref<1x32xi32, #tpu.memory_space<hbm>>
        tpu.enqueue_dma source(%dma_start3A_260 : memref<1x32xi32, #tpu.memory_space<hbm>>) target(%arg9 : memref<1x32xi32, #tpu.memory_space<vmem>>) target_semaphore(%arg21 : memref<!tpu.dma_semaphore, #tpu.memory_space<semaphore_mem>>)
        %dma_start3A_261 = arith.constant 0 : i32
        %dma_start3A_262 = arith.constant 0 : i32
        %dma_start3A_263 = tpu.memref_slice %arg4[%arg0, %arg1, %sub3A_225, %dma_start3A_261, %dma_start3A_262] : memref<2x16x640x1x32xi32, #tpu.memory_space<hbm>> -> memref<1x1x1x1x32xi32, #tpu.memory_space<hbm>>
        %dma_start3A_264 = tpu.memref_squeeze %dma_start3A_263 : memref<1x1x1x1x32xi32, #tpu.memory_space<hbm>> -> memref<1x32xi32, #tpu.memory_space<hbm>>
        %dma_start3A_265 = arith.constant 0 : i32
        %dma_start3A_266 = arith.constant 0 : i32
        %dma_start3A_267 = tpu.memref_slice %arg4[%arg0, %arg1, %sub3A_225, %dma_start3A_265, %dma_start3A_266] : memref<2x16x640x1x32xi32, #tpu.memory_space<hbm>> -> memref<1x1x1x1x32xi32, #tpu.memory_space<hbm>>
        %dma_start3A_268 = tpu.memref_squeeze %dma_start3A_267 : memref<1x1x1x1x32xi32, #tpu.memory_space<hbm>> -> memref<1x32xi32, #tpu.memory_space<hbm>>
        tpu.enqueue_dma source(%dma_start3A_268 : memref<1x32xi32, #tpu.memory_space<hbm>>) target(%arg13 : memref<1x32xi32, #tpu.memory_space<vmem>>) target_semaphore(%arg21 : memref<!tpu.dma_semaphore, #tpu.memory_space<semaphore_mem>>)
      } else {
      }
      %add3A_231 = arith.constant 2 : i32
      %add3A_232 = arith.addi %add3A_221, %add3A_231 : i32
      %lt3A_233 = arith.constant 640 : i32
      %lt3A_234 = arith.cmpi slt, %add3A_232, %lt3A_233 : i32
      %convert_element_type3A_235 = arith.extui %lt3A_234 : i1 to i32
      %cond3A_236 = arith.constant 0 : i32
      %cond3A_237 = arith.cmpi ne, %convert_element_type3A_235, %cond3A_236 : i32
      scf.if %cond3A_237 {
        %dma_wait3A_253 = arith.constant 0 : i32
        %dma_wait3A_254 = arith.constant 0 : i32
        %dma_wait3A_255 = tpu.memref_slice %arg3[%arg0, %arg1, %add3A_232, %dma_wait3A_253, %dma_wait3A_254] : memref<2x16x640x1x32xi32, #tpu.memory_space<hbm>> -> memref<1x1x1x1x32xi32, #tpu.memory_space<hbm>>
        %dma_wait3A_256 = tpu.memref_squeeze %dma_wait3A_255 : memref<1x1x1x1x32xi32, #tpu.memory_space<hbm>> -> memref<1x32xi32, #tpu.memory_space<hbm>>
        %dma_wait3A_257 = arith.constant 0 : i32
        %dma_wait3A_258 = arith.constant 0 : i32
        %dma_wait3A_259 = tpu.memref_slice %arg3[%arg0, %arg1, %add3A_232, %dma_wait3A_257, %dma_wait3A_258] : memref<2x16x640x1x32xi32, #tpu.memory_space<hbm>> -> memref<1x1x1x1x32xi32, #tpu.memory_space<hbm>>
        %dma_wait3A_260 = tpu.memref_squeeze %dma_wait3A_259 : memref<1x1x1x1x32xi32, #tpu.memory_space<hbm>> -> memref<1x32xi32, #tpu.memory_space<hbm>>
        tpu.wait_dma2 semaphore(%arg20 : memref<!tpu.dma_semaphore, #tpu.memory_space<semaphore_mem>>) src(%dma_wait3A_260 : memref<1x32xi32, #tpu.memory_space<hbm>>) dst(%arg8 : memref<1x32xi32, #tpu.memory_space<vmem>>)
        %dma_wait3A_261 = arith.constant 0 : i32
        %dma_wait3A_262 = arith.constant 0 : i32
        %dma_wait3A_263 = tpu.memref_slice %arg4[%arg0, %arg1, %add3A_232, %dma_wait3A_261, %dma_wait3A_262] : memref<2x16x640x1x32xi32, #tpu.memory_space<hbm>> -> memref<1x1x1x1x32xi32, #tpu.memory_space<hbm>>
        %dma_wait3A_264 = tpu.memref_squeeze %dma_wait3A_263 : memref<1x1x1x1x32xi32, #tpu.memory_space<hbm>> -> memref<1x32xi32, #tpu.memory_space<hbm>>
        %dma_wait3A_265 = arith.constant 0 : i32
        %dma_wait3A_266 = arith.constant 0 : i32
        %dma_wait3A_267 = tpu.memref_slice %arg4[%arg0, %arg1, %add3A_232, %dma_wait3A_265, %dma_wait3A_266] : memref<2x16x640x1x32xi32, #tpu.memory_space<hbm>> -> memref<1x1x1x1x32xi32, #tpu.memory_space<hbm>>
        %dma_wait3A_268 = tpu.memref_squeeze %dma_wait3A_267 : memref<1x1x1x1x32xi32, #tpu.memory_space<hbm>> -> memref<1x32xi32, #tpu.memory_space<hbm>>
        tpu.wait_dma2 semaphore(%arg20 : memref<!tpu.dma_semaphore, #tpu.memory_space<semaphore_mem>>) src(%dma_wait3A_268 : memref<1x32xi32, #tpu.memory_space<hbm>>) dst(%arg12 : memref<1x32xi32, #tpu.memory_space<vmem>>)
      } else {
      }
      %add3A_238 = arith.constant 1 : i32
      %add3A_239 = arith.addi %add3A_221, %add3A_238 : i32
      %lt3A_240 = arith.constant 640 : i32
      %lt3A_241 = arith.cmpi slt, %add3A_239, %lt3A_240 : i32
      %convert_element_type3A_242 = arith.extui %lt3A_241 : i1 to i32
      %cond3A_243 = arith.constant 0 : i32
      %cond3A_244 = arith.cmpi ne, %convert_element_type3A_242, %cond3A_243 : i32
      scf.if %cond3A_244 {
        %dma_start3A_253 = arith.constant 0 : i32
        %dma_start3A_254 = arith.constant 0 : i32
        %dma_start3A_255 = tpu.memref_slice %arg7[%dma_start3A_253, %dma_start3A_254] : memref<1x32xi32, #tpu.memory_space<vmem>> -> memref<1x32xi32, #tpu.memory_space<vmem>>
        %dma_start3A_256 = tpu.memref_squeeze %dma_start3A_255 : memref<1x32xi32, #tpu.memory_space<vmem>> -> memref<32xi32, #tpu.memory_space<vmem>>
        %dma_start3A_257 = arith.constant 0 : i32
        %dma_start3A_258 = arith.constant 0 : i32
        %dma_start3A_259 = tpu.memref_slice %arg17[%dma_start3A_257, %dma_start3A_258] : memref<5120x128xf32, #tpu.memory_space<vmem_shared>> -> memref<5120x128xf32, #tpu.memory_space<vmem_shared>>
        tpu.enqueue_indirect_dma source(%dma_start3A_259 : memref<5120x128xf32, #tpu.memory_space<vmem_shared>>) target(%arg15 : memref<32x128xf32, #tpu.memory_space<vmem>>) offsets(%dma_start3A_256 : memref<32xi32, #tpu.memory_space<vmem>>) semaphore(%arg23 : memref<!tpu.dma_semaphore, #tpu.memory_space<semaphore_mem>>)
      } else {
      }
      %dma_wait3A_245 = arith.constant 0 : i32
      %dma_wait3A_246 = arith.constant 0 : i32
      %dma_wait3A_247 = tpu.memref_slice %arg10[%dma_wait3A_245, %dma_wait3A_246] : memref<1x32xi32, #tpu.memory_space<vmem>> -> memref<1x32xi32, #tpu.memory_space<vmem>>
      %dma_wait3A_248 = tpu.memref_squeeze %dma_wait3A_247 : memref<1x32xi32, #tpu.memory_space<vmem>> -> memref<32xi32, #tpu.memory_space<vmem>>
      %dma_wait3A_249 = arith.constant 0 : i32
      %dma_wait3A_250 = arith.constant 0 : i32
      %dma_wait3A_251 = tpu.memref_slice %arg17[%dma_wait3A_249, %dma_wait3A_250] : memref<5120x128xf32, #tpu.memory_space<vmem_shared>> -> memref<5120x128xf32, #tpu.memory_space<vmem_shared>>
      tpu.wait_indirect_dma semaphore(%arg24 : memref<!tpu.dma_semaphore, #tpu.memory_space<semaphore_mem>>) src(%dma_wait3A_251 : memref<5120x128xf32, #tpu.memory_space<vmem_shared>>) dst(%arg16 : memref<32x128xf32, #tpu.memory_space<vmem>>)
      %run_scoped3A_252 = arith.constant 0 : i32
      "tpu.region"() ({
        %run_scoped3A_253 = tpu.sem_alloc : memref<!tpu.dma_semaphore, #tpu.memory_space<semaphore_mem>>
        %dma_start3A_254 = arith.constant 0 : i32
        %dma_start3A_255 = tpu.memref_slice %arg14[%run_scoped3A_252, %dma_start3A_254] : memref<1x32xi32, #tpu.memory_space<vmem>> -> memref<1x32xi32, #tpu.memory_space<vmem>>
        %dma_start3A_256 = tpu.memref_squeeze %dma_start3A_255 : memref<1x32xi32, #tpu.memory_space<vmem>> -> memref<32xi32, #tpu.memory_space<vmem>>
        %dma_start3A_257 = arith.constant 0 : i32
        %dma_start3A_258 = arith.constant 0 : i32
        %dma_start3A_259 = tpu.memref_slice %arg18[%dma_start3A_257, %dma_start3A_258] : memref<10112x128xf32, #tpu.memory_space<vmem_shared>> -> memref<10112x128xf32, #tpu.memory_space<vmem_shared>>
        tpu.enqueue_indirect_dma source(%arg16 : memref<32x128xf32, #tpu.memory_space<vmem>>) target(%dma_start3A_259 : memref<10112x128xf32, #tpu.memory_space<vmem_shared>>) offsets(%dma_start3A_256 : memref<32xi32, #tpu.memory_space<vmem>>) semaphore(%run_scoped3A_253 : memref<!tpu.dma_semaphore, #tpu.memory_space<semaphore_mem>>) {add = true}
        %dma_wait3A_260 = arith.constant 0 : i32
        %dma_wait3A_261 = tpu.memref_slice %arg14[%run_scoped3A_252, %dma_wait3A_260] : memref<1x32xi32, #tpu.memory_space<vmem>> -> memref<1x32xi32, #tpu.memory_space<vmem>>
        %dma_wait3A_262 = tpu.memref_squeeze %dma_wait3A_261 : memref<1x32xi32, #tpu.memory_space<vmem>> -> memref<32xi32, #tpu.memory_space<vmem>>
        %dma_wait3A_263 = arith.constant 0 : i32
        %dma_wait3A_264 = arith.constant 0 : i32
        %dma_wait3A_265 = tpu.memref_slice %arg18[%dma_wait3A_263, %dma_wait3A_264] : memref<10112x128xf32, #tpu.memory_space<vmem_shared>> -> memref<10112x128xf32, #tpu.memory_space<vmem_shared>>
        tpu.wait_indirect_dma semaphore(%run_scoped3A_253 : memref<!tpu.dma_semaphore, #tpu.memory_space<semaphore_mem>>) src(%arg16 : memref<32x128xf32, #tpu.memory_space<vmem>>) dst(%dma_wait3A_265 : memref<10112x128xf32, #tpu.memory_space<vmem_shared>>)
        tpu.yield
      }) : () -> ()
    }
    %scan3A_111 = arith.constant 160 : i32
    %barrier3A_112 = arith.constant 0 : index
    tpu.barrier barrier_id(%barrier3A_112)
    %mul3A_113 = arith.constant 632 : i32
    %mul3A_114 = arith.muli %arg1, %mul3A_113 : i32
    %mul3A_115 = arith.constant 632 : i32
    %mul3A_116 = arith.muli %arg1, %mul3A_115 : i32
    "tpu.region"() ({
      %run_scoped3A = tpu.sem_alloc : memref<!tpu.dma_semaphore, #tpu.memory_space<semaphore_mem>>
      %dma_start3A_117 = arith.constant 0 : i32
      %dma_start3A_118 = tpu.memref_slice %arg6[%arg0, %mul3A_116, %dma_start3A_117] : memref<2x10112x128xf32, #tpu.memory_space<hbm>> -> memref<1x632x128xf32, #tpu.memory_space<hbm>>
      %dma_start3A_119 = tpu.memref_squeeze %dma_start3A_118 : memref<1x632x128xf32, #tpu.memory_space<hbm>> -> memref<632x128xf32, #tpu.memory_space<hbm>>
      %dma_start3A_120 = arith.constant 0 : i32
      %dma_start3A_121 = tpu.memref_slice %arg18[%mul3A_114, %dma_start3A_120] : memref<10112x128xf32, #tpu.memory_space<vmem_shared>> -> memref<632x128xf32, #tpu.memory_space<vmem_shared>>
      tpu.enqueue_dma source(%dma_start3A_121 : memref<632x128xf32, #tpu.memory_space<vmem_shared>>) target(%dma_start3A_119 : memref<632x128xf32, #tpu.memory_space<hbm>>) target_semaphore(%run_scoped3A : memref<!tpu.dma_semaphore, #tpu.memory_space<semaphore_mem>>)
      %dma_wait3A_122 = arith.constant 0 : i32
      %dma_wait3A_123 = tpu.memref_slice %arg6[%arg0, %mul3A_116, %dma_wait3A_122] : memref<2x10112x128xf32, #tpu.memory_space<hbm>> -> memref<1x632x128xf32, #tpu.memory_space<hbm>>
      %dma_wait3A_124 = tpu.memref_squeeze %dma_wait3A_123 : memref<1x632x128xf32, #tpu.memory_space<hbm>> -> memref<632x128xf32, #tpu.memory_space<hbm>>
      %dma_wait3A_125 = arith.constant 0 : i32
      %dma_wait3A_126 = tpu.memref_slice %arg18[%mul3A_114, %dma_wait3A_125] : memref<10112x128xf32, #tpu.memory_space<vmem_shared>> -> memref<632x128xf32, #tpu.memory_space<vmem_shared>>
      tpu.wait_dma2 semaphore(%run_scoped3A : memref<!tpu.dma_semaphore, #tpu.memory_space<semaphore_mem>>) src(%dma_wait3A_126 : memref<632x128xf32, #tpu.memory_space<vmem_shared>>) dst(%dma_wait3A_124 : memref<632x128xf32, #tpu.memory_space<hbm>>)
      tpu.yield
    }) : () -> ()
    return
  }
}

module attributes {stable_mosaic.version = 14 : i64} {
  func.func @_norm_body(%arg0: memref<2x2x10240xf32, #tpu.memory_space<vmem>>, %arg1: memref<2x10240xf32, #tpu.memory_space<vmem>>) attributes {dimension_semantics = [], scalar_prefetch = 0 : i64, scratch_operands = 0 : i64, tpu.core_type = #tpu.core_type<tc>} {
    %get3A = arith.constant 0 : index
    %get3A_0 = arith.constant 0 : index
    %get3A_1 = arith.constant 0 : index
    %get3A_2 = vector.load %arg0[%get3A, %get3A_0, %get3A_1] : memref<2x2x10240xf32, #tpu.memory_space<vmem>>, vector<1x2x10240xf32>
    %get3A_3 = vector.shape_cast %get3A_2 : vector<1x2x10240xf32> to vector<2x10240xf32>
    %get3A_4 = arith.constant 1 : index
    %get3A_5 = arith.constant 0 : index
    %get3A_6 = arith.constant 0 : index
    %get3A_7 = vector.load %arg0[%get3A_4, %get3A_5, %get3A_6] : memref<2x2x10240xf32, #tpu.memory_space<vmem>>, vector<1x2x10240xf32>
    %get3A_8 = vector.shape_cast %get3A_7 : vector<1x2x10240xf32> to vector<2x10240xf32>
    %add3A = arith.addf %get3A_3, %get3A_8 : vector<2x10240xf32>
    %max3A = arith.constant 1.000000e+00 : f32
    %max3A_9 = vector.broadcast %max3A : f32 to vector<2x10240xf32>
    %max3A_10 = arith.maximumf %add3A, %max3A_9 : vector<2x10240xf32>
    %rsqrt3A = math.rsqrt %max3A_10 : vector<2x10240xf32>
    %swap3A = arith.constant 0 : index
    %swap3A_11 = arith.constant 0 : index
    %swap3A_12 = vector.load %arg1[%swap3A, %swap3A_11] : memref<2x10240xf32, #tpu.memory_space<vmem>>, vector<2x10240xf32>
    tpu.vector_store %arg1[%swap3A, %swap3A_11], %rsqrt3A {strides = array<i32>} : memref<2x10240xf32, #tpu.memory_space<vmem>>, vector<2x10240xf32>,
    return
  }
}

module attributes {stable_mosaic.version = 14 : i64} {
  func.func @_mm1_body(%arg0: i32, %arg1: memref<2000x128xf32, #tpu.memory_space<vmem>>, %arg2: memref<128x128xf32, #tpu.memory_space<vmem>>, %arg3: memref<2000x1xf32, #tpu.memory_space<vmem>>, %arg4: memref<2000x128xf32, #tpu.memory_space<vmem>>) attributes {dimension_semantics = [#tpu.dimension_semantics<arbitrary>], iteration_bounds = array<i64: 5>, scalar_prefetch = 0 : i64, scratch_operands = 0 : i64, tpu.core_type = #tpu.core_type<tc>, window_params = [{transform_indices = @transform_0, window_bounds = array<i64: 2000, 128>}, {pipeline_mode = #tpu.pipeline_mode<synchronous>, transform_indices = @transform_1, window_bounds = array<i64: 128, 128>}, {transform_indices = @transform_2, window_bounds = array<i64: 2000, 1>}, {transform_indices = @transform_3, window_bounds = array<i64: 2000, 128>}]} {
    %get3A = arith.constant 0 : index
    %get3A_0 = arith.constant 0 : index
    %get3A_1 = vector.load %arg1[%get3A, %get3A_0] : memref<2000x128xf32, #tpu.memory_space<vmem>>, vector<2000x128xf32>
    %get3A_2 = arith.constant 0 : index
    %get3A_3 = arith.constant 0 : index
    %get3A_4 = vector.load %arg2[%get3A_2, %get3A_3] : memref<128x128xf32, #tpu.memory_space<vmem>>, vector<128x128xf32>
    %dot_general3A = arith.constant dense<0.000000e+00> : vector<2000x128xf32>
    %dot_general3A_5 = tpu.matmul %get3A_1, %get3A_4, %dot_general3A {dimension_numbers = #tpu.dot_dimension_numbers<[1], [0], [0], [1], [0, 0, 1, 1], [], []>, transpose_lhs_hint = false} : vector<2000x128xf32>, vector<128x128xf32>, vector<2000x128xf32> -> vector<2000x128xf32>
    %get3A_6 = arith.constant 0 : index
    %get3A_7 = arith.constant 0 : index
    %get3A_8 = vector.load %arg3[%get3A_6, %get3A_7] : memref<2000x1xf32, #tpu.memory_space<vmem>>, vector<2000x1xf32>
    %mul3A = vector.broadcast %get3A_8 : vector<2000x1xf32> to vector<2000x128xf32>
    %mul3A_9 = arith.mulf %dot_general3A_5, %mul3A : vector<2000x128xf32>
    %swap3A = arith.constant 0 : index
    %swap3A_10 = arith.constant 0 : index
    %swap3A_11 = vector.load %arg4[%swap3A, %swap3A_10] : memref<2000x128xf32, #tpu.memory_space<vmem>>, vector<2000x128xf32>
    tpu.vector_store %arg4[%swap3A, %swap3A_10], %mul3A_9 {strides = array<i32>} : memref<2000x128xf32, #tpu.memory_space<vmem>>, vector<2000x128xf32>,
    return
  }
  func.func @transform_0(%arg0: i32) -> (i32, i32) {
    %c0_i32 = arith.constant 0 : i32
    %c0_i32_0 = arith.constant 0 : i32
    return %arg0, %c0_i32 : i32, i32
  }
  func.func @transform_1(%arg0: i32) -> (i32, i32) {
    %c0_i32 = arith.constant 0 : i32
    %c0_i32_0 = arith.constant 0 : i32
    %c0_i32_1 = arith.constant 0 : i32
    return %c0_i32, %c0_i32_0 : i32, i32
  }
  func.func @transform_2(%arg0: i32) -> (i32, i32) {
    %c0_i32 = arith.constant 0 : i32
    %c0_i32_0 = arith.constant 0 : i32
    return %arg0, %c0_i32 : i32, i32
  }
  func.func @transform_3(%arg0: i32) -> (i32, i32) {
    %c0_i32 = arith.constant 0 : i32
    %c0_i32_0 = arith.constant 0 : i32
    return %arg0, %c0_i32 : i32, i32
  }
}

module attributes {stable_mosaic.version = 14 : i64} {
  func.func @_mid_body(%arg0: i32, %arg1: memref<2x2000x128xf32, #tpu.memory_space<vmem>>, %arg2: memref<2000x1xf32, #tpu.memory_space<vmem>>, %arg3: memref<2000x1xf32, #tpu.memory_space<vmem>>, %arg4: memref<1x128xf32, #tpu.memory_space<vmem>>, %arg5: memref<2000x128xf32, #tpu.memory_space<vmem>>) attributes {dimension_semantics = [#tpu.dimension_semantics<arbitrary>], iteration_bounds = array<i64: 5>, scalar_prefetch = 0 : i64, scratch_operands = 0 : i64, tpu.core_type = #tpu.core_type<tc>, window_params = [{transform_indices = @transform_0, window_bounds = array<i64: 2, 2000, 128>}, {transform_indices = @transform_1, window_bounds = array<i64: 2000, 1>}, {transform_indices = @transform_2, window_bounds = array<i64: 2000, 1>}, {pipeline_mode = #tpu.pipeline_mode<synchronous>, transform_indices = @transform_3, window_bounds = array<i64: 1, 128>}, {transform_indices = @transform_4, window_bounds = array<i64: 2000, 128>}]} {
    %get3A = arith.constant 0 : index
    %get3A_0 = arith.constant 0 : index
    %get3A_1 = arith.constant 0 : index
    %get3A_2 = vector.load %arg1[%get3A, %get3A_0, %get3A_1] : memref<2x2000x128xf32, #tpu.memory_space<vmem>>, vector<1x2000x128xf32>
    %get3A_3 = vector.shape_cast %get3A_2 : vector<1x2000x128xf32> to vector<2000x128xf32>
    %get3A_4 = arith.constant 1 : index
    %get3A_5 = arith.constant 0 : index
    %get3A_6 = arith.constant 0 : index
    %get3A_7 = vector.load %arg1[%get3A_4, %get3A_5, %get3A_6] : memref<2x2000x128xf32, #tpu.memory_space<vmem>>, vector<1x2000x128xf32>
    %get3A_8 = vector.shape_cast %get3A_7 : vector<1x2000x128xf32> to vector<2000x128xf32>
    %add3A = arith.addf %get3A_3, %get3A_8 : vector<2000x128xf32>
    %get3A_9 = arith.constant 0 : index
    %get3A_10 = arith.constant 0 : index
    %get3A_11 = vector.load %arg2[%get3A_9, %get3A_10] : memref<2000x1xf32, #tpu.memory_space<vmem>>, vector<2000x1xf32>
    %mul3A = vector.broadcast %get3A_11 : vector<2000x1xf32> to vector<2000x128xf32>
    %mul3A_12 = arith.mulf %add3A, %mul3A : vector<2000x128xf32>
    %get3A_13 = arith.constant 0 : index
    %get3A_14 = arith.constant 0 : index
    %get3A_15 = vector.load %arg4[%get3A_13, %get3A_14] : memref<1x128xf32, #tpu.memory_space<vmem>>, vector<1x128xf32>
    %add3A_16 = vector.broadcast %get3A_15 : vector<1x128xf32> to vector<2000x128xf32>
    %add3A_17 = arith.addf %mul3A_12, %add3A_16 : vector<2000x128xf32>
    %max3A = arith.constant 0.000000e+00 : f32
    %max3A_18 = vector.broadcast %max3A : f32 to vector<2000x128xf32>
    %max3A_19 = arith.maximumf %add3A_17, %max3A_18 : vector<2000x128xf32>
    %get3A_20 = arith.constant 0 : index
    %get3A_21 = arith.constant 0 : index
    %get3A_22 = vector.load %arg3[%get3A_20, %get3A_21] : memref<2000x1xf32, #tpu.memory_space<vmem>>, vector<2000x1xf32>
    %mul3A_23 = vector.broadcast %get3A_22 : vector<2000x1xf32> to vector<2000x128xf32>
    %mul3A_24 = arith.mulf %max3A_19, %mul3A_23 : vector<2000x128xf32>
    %swap3A = arith.constant 0 : index
    %swap3A_25 = arith.constant 0 : index
    %swap3A_26 = vector.load %arg5[%swap3A, %swap3A_25] : memref<2000x128xf32, #tpu.memory_space<vmem>>, vector<2000x128xf32>
    tpu.vector_store %arg5[%swap3A, %swap3A_25], %mul3A_24 {strides = array<i32>} : memref<2000x128xf32, #tpu.memory_space<vmem>>, vector<2000x128xf32>,
    return
  }
  func.func @transform_0(%arg0: i32) -> (i32, i32, i32) {
    %c0_i32 = arith.constant 0 : i32
    %c0_i32_0 = arith.constant 0 : i32
    %c0_i32_1 = arith.constant 0 : i32
    return %c0_i32, %arg0, %c0_i32_0 : i32, i32, i32
  }
  func.func @transform_1(%arg0: i32) -> (i32, i32) {
    %c0_i32 = arith.constant 0 : i32
    %c0_i32_0 = arith.constant 0 : i32
    return %arg0, %c0_i32 : i32, i32
  }
  func.func @transform_2(%arg0: i32) -> (i32, i32) {
    %c0_i32 = arith.constant 0 : i32
    %c0_i32_0 = arith.constant 0 : i32
    return %arg0, %c0_i32 : i32, i32
  }
  func.func @transform_3(%arg0: i32) -> (i32, i32) {
    %c0_i32 = arith.constant 0 : i32
    %c0_i32_0 = arith.constant 0 : i32
    %c0_i32_1 = arith.constant 0 : i32
    return %c0_i32, %c0_i32_0 : i32, i32
  }
  func.func @transform_4(%arg0: i32) -> (i32, i32) {
    %c0_i32 = arith.constant 0 : i32
    %c0_i32_0 = arith.constant 0 : i32
    return %arg0, %c0_i32 : i32, i32
  }
}

module attributes {stable_mosaic.version = 14 : i64} {
  func.func @_fin_body(%arg0: i32, %arg1: memref<2x2000x128xf32, #tpu.memory_space<vmem>>, %arg2: memref<2000x1xf32, #tpu.memory_space<vmem>>, %arg3: memref<128x64xf32, #tpu.memory_space<vmem>>, %arg4: memref<1x64xf32, #tpu.memory_space<vmem>>, %arg5: memref<2000x64xf32, #tpu.memory_space<vmem>>) attributes {dimension_semantics = [#tpu.dimension_semantics<arbitrary>], iteration_bounds = array<i64: 5>, scalar_prefetch = 0 : i64, scratch_operands = 0 : i64, tpu.core_type = #tpu.core_type<tc>, window_params = [{transform_indices = @transform_0, window_bounds = array<i64: 2, 2000, 128>}, {transform_indices = @transform_1, window_bounds = array<i64: 2000, 1>}, {pipeline_mode = #tpu.pipeline_mode<synchronous>, transform_indices = @transform_2, window_bounds = array<i64: 128, 64>}, {pipeline_mode = #tpu.pipeline_mode<synchronous>, transform_indices = @transform_3, window_bounds = array<i64: 1, 64>}, {transform_indices = @transform_4, window_bounds = array<i64: 2000, 64>}]} {
    %get3A = arith.constant 0 : index
    %get3A_0 = arith.constant 0 : index
    %get3A_1 = arith.constant 0 : index
    %get3A_2 = vector.load %arg1[%get3A, %get3A_0, %get3A_1] : memref<2x2000x128xf32, #tpu.memory_space<vmem>>, vector<1x2000x128xf32>
    %get3A_3 = vector.shape_cast %get3A_2 : vector<1x2000x128xf32> to vector<2000x128xf32>
    %get3A_4 = arith.constant 1 : index
    %get3A_5 = arith.constant 0 : index
    %get3A_6 = arith.constant 0 : index
    %get3A_7 = vector.load %arg1[%get3A_4, %get3A_5, %get3A_6] : memref<2x2000x128xf32, #tpu.memory_space<vmem>>, vector<1x2000x128xf32>
    %get3A_8 = vector.shape_cast %get3A_7 : vector<1x2000x128xf32> to vector<2000x128xf32>
    %add3A = arith.addf %get3A_3, %get3A_8 : vector<2000x128xf32>
    %get3A_9 = arith.constant 0 : index
    %get3A_10 = arith.constant 0 : index
    %get3A_11 = vector.load %arg2[%get3A_9, %get3A_10] : memref<2000x1xf32, #tpu.memory_space<vmem>>, vector<2000x1xf32>
    %mul3A = vector.broadcast %get3A_11 : vector<2000x1xf32> to vector<2000x128xf32>
    %mul3A_12 = arith.mulf %add3A, %mul3A : vector<2000x128xf32>
    %get3A_13 = arith.constant 0 : index
    %get3A_14 = arith.constant 0 : index
    %get3A_15 = vector.load %arg3[%get3A_13, %get3A_14] : memref<128x64xf32, #tpu.memory_space<vmem>>, vector<128x64xf32>
    %dot_general3A = arith.constant dense<0.000000e+00> : vector<2000x64xf32>
    %dot_general3A_16 = tpu.matmul %mul3A_12, %get3A_15, %dot_general3A {dimension_numbers = #tpu.dot_dimension_numbers<[1], [0], [0], [1], [0, 0, 1, 1], [], []>, transpose_lhs_hint = false} : vector<2000x128xf32>, vector<128x64xf32>, vector<2000x64xf32> -> vector<2000x64xf32>
    %get3A_17 = arith.constant 0 : index
    %get3A_18 = arith.constant 0 : index
    %get3A_19 = vector.load %arg4[%get3A_17, %get3A_18] : memref<1x64xf32, #tpu.memory_space<vmem>>, vector<1x64xf32>
    %add3A_20 = vector.broadcast %get3A_19 : vector<1x64xf32> to vector<2000x64xf32>
    %add3A_21 = arith.addf %dot_general3A_16, %add3A_20 : vector<2000x64xf32>
    %reduce_max3A = arith.constant dense<0xFF800000> : vector<2000xf32>
    %reduce_max3A_22 = vector.multi_reduction <maximumf>, %add3A_21, %reduce_max3A [1] : vector<2000x64xf32> to vector<2000xf32>
    %broadcast_in_dim3A = vector.shape_cast %reduce_max3A_22 : vector<2000xf32> to vector<2000x1xf32>
    %sub3A = vector.broadcast %broadcast_in_dim3A : vector<2000x1xf32> to vector<2000x64xf32>
    %sub3A_23 = arith.subf %add3A_21, %sub3A : vector<2000x64xf32>
    %exp3A = math.exp %sub3A_23 : vector<2000x64xf32>
    %reduce_sum3A = arith.constant dense<0.000000e+00> : vector<2000xf32>
    %reduce_sum3A_24 = vector.multi_reduction <add>, %exp3A, %reduce_sum3A [1] : vector<2000x64xf32> to vector<2000xf32>
    %broadcast_in_dim3A_25 = vector.shape_cast %reduce_sum3A_24 : vector<2000xf32> to vector<2000x1xf32>
    %log3A = math.log %broadcast_in_dim3A_25 : vector<2000x1xf32>
    %sub3A_26 = vector.broadcast %log3A : vector<2000x1xf32> to vector<2000x64xf32>
    %sub3A_27 = arith.subf %sub3A_23, %sub3A_26 : vector<2000x64xf32>
    %swap3A = arith.constant 0 : index
    %swap3A_28 = arith.constant 0 : index
    %swap3A_29 = vector.load %arg5[%swap3A, %swap3A_28] : memref<2000x64xf32, #tpu.memory_space<vmem>>, vector<2000x64xf32>
    tpu.vector_store %arg5[%swap3A, %swap3A_28], %sub3A_27 {strides = array<i32>} : memref<2000x64xf32, #tpu.memory_space<vmem>>, vector<2000x64xf32>,
    return
  }
  func.func @transform_0(%arg0: i32) -> (i32, i32, i32) {
    %c0_i32 = arith.constant 0 : i32
    %c0_i32_0 = arith.constant 0 : i32
    %c0_i32_1 = arith.constant 0 : i32
    return %c0_i32, %arg0, %c0_i32_0 : i32, i32, i32
  }
  func.func @transform_1(%arg0: i32) -> (i32, i32) {
    %c0_i32 = arith.constant 0 : i32
    %c0_i32_0 = arith.constant 0 : i32
    return %arg0, %c0_i32 : i32, i32
  }
  func.func @transform_2(%arg0: i32) -> (i32, i32) {
    %c0_i32 = arith.constant 0 : i32
    %c0_i32_0 = arith.constant 0 : i32
    %c0_i32_1 = arith.constant 0 : i32
    return %c0_i32, %c0_i32_0 : i32, i32
  }
  func.func @transform_3(%arg0: i32) -> (i32, i32) {
    %c0_i32 = arith.constant 0 : i32
    %c0_i32_0 = arith.constant 0 : i32
    %c0_i32_1 = arith.constant 0 : i32
    return %c0_i32, %c0_i32_0 : i32, i32
  }
  func.func @transform_4(%arg0: i32) -> (i32, i32) {
    %c0_i32 = arith.constant 0 : i32
    %c0_i32_0 = arith.constant 0 : i32
    return %arg0, %c0_i32 : i32, i32
  }
}

</mosaic_0001>

<sc_bundles>
// kernel: kernel.12.cloned.1.call-start
scs
__scs_entry_jumppad:
0x0: {  	(pc) =	sbr.rel $0x88, $3  }
0x1: {  	(tag) =	ssettag $0x0;
	lr =	simm.s32 $0x1  }
0x2: {  	[smem:$0x3F9B] =	sst lr;
	_ =	strace $0xD0000000  }
0x3: {  	_ = 	snop  }
0x4: {  	_ = 	snop  }
0x5: {  	_ = 	snop  }
0x6: {  	_ = 	snop  }
0x7: {  	_ = 	snop  }
__scs_overlays_trampoline_lowered:
0x8: {  	[smem:$0x3FAA] =	sst s0  }
0x9: {  	[smem:$0x3FAB] =	sst s1  }
0xa: {  	[smem:$0x3FAC] =	sst s2  }
0xb: {  	[smem:$0x3FAD] =	sst s3  }
0xc: {  	[smem:$0x3FAE] =	sst s4  }
0xd: {  	[smem:$0x3FAF] =	sst s5  }
0xe: {  	[smem:$0x3FB0] =	sst s6  }
0xf: {  	[smem:$0x3FB1] =	sst s7  }
0x10: {  	[smem:$0x3FB2] =	sst s8  }
0x11: {  	[smem:$0x3FB3] =	sst s9;
	s0 =	simm.s32 @!p0 $0x0  }
0x12: {  	s1 =	sld [smem:$0x3F99];
	s0 =	simm.s32 @p0 $0x1  }
0x13: {  	[smem:$0x3FB4] =	sst s0;
	s0 =	simm.s32 @!p1 $0x0  }
0x14: {  	s2 =	sld [smem:$0x3F98];
	s0 =	simm.s32 @p1 $0x1  }
0x15: {  	[smem:$0x3FB5] =	sst s0;
	s0 =	simm.s32 @!p2 $0x0  }
0x16: {  	s3 =	sld [smem:$0x3FDB];
	s0 =	simm.s32 @p2 $0x1  }
0x17: {  	s4 =	simm.s32 $0x1BF5;
	[smem:$0x3FB7] =	sst s0  }
0x18: {  	s0 =	sld [smem:$0x3F9A];
	_ =	swait.ge [sflag:s4], $0x0  }
0x19: {  	s7 =	sld [smem:$0x3F9B]  }
0x1a: {  	s8 =	sadd.s32 $0xFFFFE003, lr  }
0x1b: {  	s9 =	sadd.s32 $0xFFFFFEF7, lr;
	s5 =	simm.s32 $0xFFFFFFFF;
	p2 =	slt.u32 s8, $0xFFFFF086  }
0x1c: {  	p1 =	slt.u32 s9, $0xF7A;
	s5 =	simm.s32 @!p2 $0x0  }
0x1d: {  	s5 =	simm.s32 @p1 $0x1;
	p0 =	seq.s32 s7, s2  }
0x1e: {  	s7 =	smul.u32 @!p0 $0xF7A, s2;
	p2 =	seq.s32 @!p0 s5, $0x0  }
0x1f: {  	s9 =	smul.u32 $0xF7A, s1;
	s8 =	simm.s32 @!p0 $0x1BF5;
	p2 =	por !p2, p0  }
0x20: {  	[sflag:s8] =	ssyncset.s32 @!p0 $0xFFFFF086;
	s6 =	sadd.s32 @!p0 s3, s7;
	s7 =	simm.s32 @!p0 $0x108  }
0x21: {  	s3 =	sadd.s32 s3, s9;
	s6 =	sadd.s32 @!p0 $0x88, s6;
	s7 =	simm.s32 @p2 $0x1082  }
0x22: {  	[simem:s7], [sflag:s8] =	dma.local @!p0 [hbm:s6], $0xF7A  }
0x23: {  	s9 =	sor.u32 $0xD0000000, s2;
	s6 =	simm.s32 $0x108;
	_ =	swait.ge @!p0 [sflag:s8], $0x0  }
0x24: {  	s3 =	sadd.s32 $0x88, s3;
	s6 =	simm.s32 @!p1 $0x1082;
	[sflag:s4] =	ssyncset.s32 $0xFFFFF086  }
0x25: {  	[simem:s6], [sflag:s4] =	dma.local [hbm:s3], $0xF7A  }
0x26: {  	[smem:$0x3F9B] =	sst s1;
	(tag) =	ssettag s2;
	_ =	strace s9  }
0x27: {  	s1 =	sld [smem:$0x3FAB]  }
0x28: {  	s2 =	sld [smem:$0x3FAC]  }
0x29: {  	s4 =	sld [smem:$0x3FAE]  }
0x2a: {  	p0 =	seq.s32 s5, $0x0;
	s5 =	sld [smem:$0x3FAF]  }
0x2b: {  	s6 =	sld [smem:$0x3FB0]  }
0x2c: {  	s7 =	sld [smem:$0x3FB1]  }
0x2d: {  	s3 =	simm.s32 $0x108;
	s8 =	sld [smem:$0x3FB2]  }
0x2e: {  	s3 =	simm.s32 @!p0 $0x1082;
	s9 =	sld [smem:$0x3FB3]  }
0x2f: {  	lr =	sadd.s32 s0, s3;
	s0 =	sld [smem:$0x3FAA]  }
0x30: {  	s3 =	sld [smem:$0x3FAD]  }
0x31: {  	[smem:$0x3FB6] =	sst s10  }
0x32: {  	s10 =	sld [smem:$0x3FB4];
	_ =	sdelay $0x3  }
0x33: {  	p0 =	seq.s32 s10, $0x1;
	s10 =	sld [smem:$0x3FB6];
	_ =	sdelay $0x3  }
0x34: {  	[smem:$0x3FB6] =	sst s10  }
0x35: {  	s10 =	sld [smem:$0x3FB5];
	_ =	sdelay $0x3  }
0x36: {  	p1 =	seq.s32 s10, $0x1;
	s10 =	sld [smem:$0x3FB6];
	_ =	sdelay $0x3  }
0x37: {  	[smem:$0x3FB6] =	sst s10  }
0x38: {  	s10 =	sld [smem:$0x3FB7]  }
0x39: {  	_ = 	snop;
	(pc) =	sbr.ind lr, $3  }
0x3a: {  	_ = 	snop  }
0x3b: {  	_ = 	snop  }
0x3c: {  	p2 =	seq.s32 s10, $0x1;
	s10 =	sld [smem:$0x3FB6]  }
0x3d: {  	_ =	shalt  }
0x3e: {  	_ =	shalt  }
0x3f: {  	_ =	shalt  }
0x40: {  	_ =	shalt  }
0x41: {  	_ =	shalt  }
0x42: {  	_ =	shalt  }
0x43: {  	_ =	shalt  }
0x44: {  	_ =	shalt  }
0x45: {  	_ =	shalt  }
0x46: {  	_ =	shalt  }
0x47: {  	_ =	shalt  }
0x48: {  	_ =	shalt  }
0x49: {  	_ =	shalt  }
0x4a: {  	_ =	shalt  }
0x4b: {  	_ =	shalt  }
0x4c: {  	_ =	shalt  }
0x4d: {  	_ =	shalt  }
0x4e: {  	_ =	shalt  }
0x4f: {  	_ =	shalt  }
0x50: {  	_ =	shalt  }
0x51: {  	_ =	shalt  }
0x52: {  	_ =	shalt  }
0x53: {  	_ =	shalt  }
0x54: {  	_ =	shalt  }
0x55: {  	_ =	shalt  }
0x56: {  	_ =	shalt  }
0x57: {  	_ =	shalt  }
0x58: {  	_ =	shalt  }
0x59: {  	_ =	shalt  }
0x5a: {  	_ =	shalt  }
0x5b: {  	_ =	shalt  }
0x5c: {  	_ =	shalt  }
0x5d: {  	_ =	shalt  }
0x5e: {  	_ =	shalt  }
0x5f: {  	_ =	shalt  }
0x60: {  	_ =	shalt  }
0x61: {  	_ =	shalt  }
0x62: {  	_ =	shalt  }
0x63: {  	_ =	shalt  }
0x64: {  	_ =	shalt  }
0x65: {  	_ =	shalt  }
0x66: {  	_ =	shalt  }
0x67: {  	_ =	shalt  }
0x68: {  	_ =	shalt  }
0x69: {  	_ =	shalt  }
0x6a: {  	_ =	shalt  }
0x6b: {  	_ =	shalt  }
0x6c: {  	_ =	shalt  }
0x6d: {  	_ =	shalt  }
0x6e: {  	_ =	shalt  }
0x6f: {  	_ =	shalt  }
0x70: {  	_ =	shalt  }
0x71: {  	_ =	shalt  }
0x72: {  	_ =	shalt  }
0x73: {  	_ =	shalt  }
0x74: {  	_ =	shalt  }
0x75: {  	_ =	shalt  }
0x76: {  	_ =	shalt  }
0x77: {  	_ =	shalt  }
0x78: {  	_ =	shalt  }
0x79: {  	_ =	shalt  }
0x7a: {  	_ =	shalt  }
0x7b: {  	_ =	shalt  }
0x7c: {  	_ =	shalt  }
0x7d: {  	_ =	shalt  }
0x7e: {  	_ =	shalt  }
0x7f: {  	_ =	shalt  }
0x80: {  	_ =	shalt  }
0x81: {  	_ =	shalt  }
0x82: {  	_ =	shalt  }
0x83: {  	_ =	shalt  }
0x84: {  	_ =	shalt  }
0x85: {  	_ =	shalt  }
0x86: {  	_ =	shalt  }
0x87: {  	_ =	shalt  }
.Lfunc_end0:
.L_simem_size_0:
called_computation.1_lowered:
.L_overlay_start_0:
0x88: {  	s2 =	sld [smem:$0x3FD9]  }
0x89: {  	s3 =	sld [smem:$0x3FFE];
	_ =	sdelay $0x1  }
0x8a: {  	s1 =	srdreg.scid  }
0x8b: {  	s0 =	sand.u32 $0x1, s1  }
0x8c: {  	s17 =	sshll.u32 s0, $0xA;
	s2 =	sadd.s32 s3, s2  }
0x8d: {  	s2 =	sadd.s32 s2, s17  }
0x8e: {  	[smem:$0x3FC2] =	sst s2  }
0x8f: {  	_ = 	snop  }
0x90: {  	s2 =	sld [smem:$0x3FD0];
	(tm) =	ssettm $0x1  }
0x91: {  	s18 =	sld [smem:$0x3FFB];
	_ =	sdelay $0x3  }
0x92: {  	_ =	strace s18  }
0x93: {  	s3 =	sld [smem:$0x3FFC];
	_ =	sdelay $0x3  }
0x94: {  	_ =	strace s3  }
0x95: {  	s3 =	sld [smem:$0x3FFD];
	_ =	sdelay $0x3  }
0x96: {  	_ =	strace s3  }
0x97: {  	_ =	strace $0x8FFFFFFF  }
0x98: {  	s19 =	sld [smem:$0x3FDB];
	_ =	sdelay $0x1  }
0x99: {  	s4 =	simm.s32 $_scs_section_size  }
0x9a: {  	s5 =	simm.s32 $_size__tile_overlayer_lowered;
	s6 =	simm.s32 $_tile_overlayer_lowered  }
0x9b: {  	s22 =	simm.s32 $0x1BFF;
	s21 =	sshll.u32 s6, $0x1;
	s3 =	sadd.s32 s4, s19  }
0x9c: {  	s7 =	simm.s32 $0x0;
	s20 =	sshll.u32 s5, $0x1;
	s5 =	sadd.s32 s21, s3  }
0x9d: {  	[timem:s7], [sflag:s22] =	dma.local [hbm:s5], s20  }
0x9e: {  	_ =	swait.ge [sflag:s22], s20  }
0x9f: {  	s4 =	ssub.s32 $0x0, s20;
	[sflag:s22] =	ssyncset.done $0x0  }
0xa0: {  	[sflag:s22] =	ssyncadd.s32 s4;
	_ =	sdelay $0x1  }
0xa1: {  	s23 =	simm.s32 $0x1B8B  }
0xa2: {  	_ =	swait.ge [sflag:s23], $0x1  }
0xa3: {  	[sflag:s23] =	ssyncset.done $0x0  }
0xa4: {  	s25 =	simm.s32 $0x1B8E;
	s24 =	sld [smem:$0x3FFE];
	[sflag:s23] =	ssyncadd.s32 $0xFFFFFFFF  }
0xa5: {  	s26 =	simm.s32 $execute0_lowered;
	[smem:$0x3FD2] =	sst s25  }
0xa6: {  	s5 =	sshll.u32 s26, $0x1;
	_ =	strace $0x80000049;
	[dreg:$0x1] =	wrdreg $0xFFFFFFFF  }
0xa7: {  	s28 =	simm.s32 $_size_execute0_lowered;
	s3 =	sadd.s32 s3, s5;
	[dreg:$0x0] =	wrdreg $0x0  }
0xa8: {  	s5 =	sshll.u32 s28, $0x1;
	[dreg:$0x2] =	wrdreg s3  }
0xa9: {  	[dreg:$0x3] =	wrdreg s5  }
0xaa: {  	[dreg:$0x4] =	wrdreg $0xC0  }
0xab: {  	_ =	task [dreg:s7], $0x5FFFF  }
0xac: {  	[dreg:$0x1] =	wrdreg $0xFFFFFFFF  }
0xad: {  	[dreg:$0x0] =	wrdreg $0x60  }
0xae: {  	[dreg:$0x2] =	wrdreg s24  }
0xaf: {  	[dreg:$0x3] =	wrdreg s2  }
0xb0: {  	[dreg:$0x4] =	wrdreg $0x24000  }
0xb1: {  	[dreg:$0x5] =	wrdreg $0xC4000  }
0xb2: {  	[dreg:$0x6] =	wrdreg $0x9  }
0xb3: {  	_ =	task.clear_ibuf [dreg:s7], $0x7FFFF;
	_ =	strace $0x90000049  }
0xb4: {  	s29 =	simm.s32 $0x9;
	_ =	strace $0x8000004B  }
0xb5: {  	_ =	swait.ge [sflag:s29], $0x1  }
0xb6: {  	[sflag:s29] =	ssyncadd.s32 $0xFFFFFFFF  }
0xb7: {  	_ =	strace $0x9000004B  }
0xb8: {  	_ =	sfence  }
0xb9: {  	s30 =	sld [smem:$0x0];
	_ =	sdelay $0x2  }
0xba: {  	s31 =	sshll.u32 s1, $0xD;
	s1 =	sshrl.u32 s1, $0x2  }
0xbb: {  	s3 =	sand.u32 $0x4000, s31;
	s1 =	sadd.s32 s1, s30  }
0xbc: {  	s0 =	sor.u32 s3, s0;
	s1 =	sshll.u32 s1, $0x11  }
0xbd: {  	s0 =	sor.u32 s1, s0  }
0xbe: {  	s0 =	sadd.s32 $0x8F2B, s0  }
0xbf: {  	[sflag:s0] =	ssyncadd.remote.s32 $0x1  }
0xc0: {  	_ =	sfence.sel $0xFFFF  }
0xc1: {  	[dreg:$0x0] =	wrdreg $0xFFFFFFFF;
	(pc) =	sbr.abs _section_cstart, $3  }
0xc2: {  	[dreg:$0x1] =	wrdreg $0xFFFFFFFF  }
0xc3: {  	_ =	task.clear_ibuf [dreg:s7], $0x2FFFF;
	_ =	strace $0x9FFFFFFF  }
0xc4: {  	(tm) =	ssettm $0x7FFFFFFF  }
0xc5: {  	_ =	shalt  }
tec
execute0_lowered:
.L_overlay_start_1:
0x0: {  	(tag) =	ssettag $0x1  }
0x1: {  	s0 =	rddreg [dreg:$0x0]  }
0x2: {  	s1 =	srdreg.scid;
	s13 =	stileid.u32  }
0x3: {  	s3 =	rddreg [dreg:$0x2];
	s6 =	smul.u32 $0x1400, s13  }
0x4: {  	s4 =	rddreg [dreg:$0x3];
	s17 =	smul.u32 $0x13C00, s13  }
0x5: {  	s5 =	simm.s32 $0x0;
	s28 =	simm.s32 $0x400;
	s18 =	smul.u32 $0x4F000, s13  }
0x6: {  	s29 =	simm.s32 $0x380;
	s30 =	simm.s32 $0x3;
	s10 =	smul.u32 $0x28000, s13  }
0x7: {  	s31 =	simm.s32 $0x1400;
	s1 =	sand.u32 $0x1, s1;
	s12 =	smul.u32 $0x14000, s13  }
0x8: {  	[smem:$0x7FF] =	sst s5;
	s8 =	sadd.s32 $0x15E00, s0;
	s2 =	smul.u32 $0x14000, s1  }
0x9: {  	s9 =	sadd.s32 $0x65E00, s0;
	s20 =	sshll.u32 s13, $0x6;
	s7 =	smul.u32 $0x13C000, s1  }
0xa: {  	_ =	strace $0x8000004A;
	s19 =	ssub.s32 $0x2, s1;
	s1 =	smul.u32 $0x140000, s1  }
0xb: {  	s11 =	sshrl.u32 s19, $0x1;
	s10 =	sshrl.u32 s10, $0x2;
	s2 =	sadd.s32 s6, s2  }
0xc: {  	s6 =	sadd.s32 s17, s7;
	s7 =	sshrl.u32 s18, $0x2;
	s1 =	sadd.s32 s12, s1  }
0xd: {  	s10 =	sadd.s32 s10, s3;
	s2 =	sadd.s32 s2, s0;
	s6 =	sshrl.u32 s6, $0x3  }
0xe: {  	s7 =	sadd.s32 s7, s4;
	s21 =	sshrl.u32 s1, $0x3;
	s14 =	sor.u32 $0x300, s1  }
0xf: {  	s15 =	sor.u32 $0x280, s1;
	[dreg:$0xe] =	wrdreg s7;
	s2 =	sadd.s32 $0xB5E00, s2  }
0x10: {  	s0 =	sadd.s32 s6, s0;
	s22 =	sadd.s32 s8, s21;
	[dreg:$0xf] =	wrdreg s2  }
0x11: {  	s23 =	sadd.s32 s9, s21;
	s24 =	sor.u32 $0x10, s21;
	[dreg:$0x10] =	wrdreg s22  }
0x12: {  	s6 =	ssub.s32 s19, s11;
	[dreg:$0x11] =	wrdreg s23;
	s25 =	sadd.s32 s8, s24  }
0x13: {  	s12 =	sshrl.u32 s14, $0x3;
	s11 =	sadd.s32 s9, s24;
	[dreg:$0x12] =	wrdreg s25  }
0x14: {  	s17 =	sor.u32 $0x200, s1;
	s13 =	sadd.s32 s12, s9;
	[dreg:$0x13] =	wrdreg s11  }
0x15: {  	s15 =	sshrl.u32 s15, $0x3;
	s14 =	sadd.s32 s12, s8;
	[dreg:$0x5] =	wrdreg s13  }
0x16: {  	s1 =	sor.u32 $0x180, s1;
	s16 =	sadd.s32 s15, s9;
	[dreg:$0x6] =	wrdreg s14  }
0x17: {  	s19 =	sshrl.u32 s17, $0x3;
	s18 =	sadd.s32 s15, s8;
	[dreg:$0x7] =	wrdreg s16  }
0x18: {  	s7 =	sor.u32 $0x1C07, s20;
	s20 =	sadd.s32 s19, s9;
	[dreg:$0x8] =	wrdreg s18  }
0x19: {  	s1 =	sshrl.u32 s1, $0x3;
	s0 =	sadd.s32 $0xDDE00, s0;
	[dreg:$0x9] =	wrdreg s20  }
0x1a: {  	s2 =	sor.u32 $0x20, s21;
	s21 =	sadd.s32 s19, s8;
	[dreg:$0x16] =	wrdreg s0  }
0x1b: {  	s17 =	simm.s32 $0x7;
	s23 =	smax.u32 s6, $0x1;
	[dreg:$0xa] =	wrdreg s21  }
0x1c: {  	s22 =	sadd.s32 s1, s9;
	s24 =	sadd.s32 s1, s8;
	[dreg:$0x17] =	wrdreg s23  }
0x1d: {  	s19 =	simm.s32 $0x200;
	s1 =	simm.s32 $0x6;
	[dreg:$0xb] =	wrdreg s22  }
0x1e: {  	s26 =	sadd.s32 s8, s2;
	s2 =	sadd.s32 s9, s2;
	[dreg:$0xc] =	wrdreg s24  }
0x1f: {  	s25 =	sshrl.u32 s10, $0x3;
	s20 =	simm.s32 $0x80;
	s21 =	simm.s32 $0x280  }
0x20: {  	s22 =	simm.s32 $0x100;
	s24 =	simm.s32 $0x1;
	[dreg:$0x14] =	wrdreg s26  }
0x21: {  	s0 =	simm.s32 $0x4;
	s23 =	simm.s32 $0x0;
	[dreg:$0x15] =	wrdreg s2  }
0x22: {  	[dreg:$0x18] =	wrdreg s25;
	s26 =	simm.s32 $0x180;
	s25 =	simm.s32 $0x2  }
0x23: {  	s2 =	simm.s32 $0x5;
	[dreg:$0xd] =	wrdreg s26;
	s26 =	simm.s32 $0x20  }
.LBB2_1:
0x24: {  	s6 =	rddreg [dreg:$0xe]  }
0x25: {  	s8 =	rddreg [dreg:$0x1];
	s6 =	sshrl.u32 s6, $0x3  }
0x26: {  	[spmem:s6], [sflag:s7] =	dma.local [hbm:s8], $0x2780  }
0x27: {  	_ =	swait.ge [sflag:s17], $0x2780  }
0x28: {  	[sflag:s17] =	ssyncset.done $0x0;
	s16 =	rddreg [dreg:$0xf]  }
0x29: {  	s9 =	rddreg [dreg:$0x18];
	[sflag:s17] =	ssyncadd.s32 $0xFFFFD880  }
0x2a: {  	[spmem:s9], [sflag:s7] =	dma.local [hbm:s16], $0x1400  }
0x2b: {  	_ =	swait.ge [sflag:s17], $0x1400  }
0x2c: {  	[sflag:s17] =	ssyncset.done $0x0  }
0x2d: {  	[sflag:s17] =	ssyncadd.s32 $0xFFFFEC00  }
0x2e: {  	[bflag:$0x0] =	sbarrier.arrive $0xFFFF  }
0x2f: {  	s18 =	rddreg [dreg:$0x10]  }
0x30: {  	[tilespmem:s5], [sflag:$0x1] =	stream.linear.gather [hbm4b:s18+s5], $0x80, $0x38;
	v63 =	vld [tilespmem:$0x0]  }
0x31: {  	s9 =	rddreg [dreg:$0x11]  }
0x32: {  	[tilespmem:s19], [sflag:$0x1] =	stream.linear.gather [hbm4b:s9+s5], $0x80, $0x38;
	v63 =	vld [tilespmem:$0x0]  }
0x33: {  	s10 =	rddreg [dreg:$0x12]  }
0x34: {  	[tilespmem:s20], [sflag:$0x2] =	stream.linear.gather [hbm4b:s10+s5], $0x80, $0x38;
	v63 =	vld [tilespmem:$0x0]  }
0x35: {  	s11 =	rddreg [dreg:$0x13]  }
0x36: {  	[tilespmem:s21], [sflag:$0x2] =	stream.linear.gather [hbm4b:s11+s5], $0x80, $0x38;
	v63 =	vld [tilespmem:$0x0]  }
0x37: {  	s12 =	rddreg [dreg:$0x14]  }
0x38: {  	[tilespmem:s22], [sflag:$0x3] =	stream.linear.gather [hbm4b:s12+s5], $0x80, $0x38;
	v63 =	vld [tilespmem:$0x0]  }
0x39: {  	s14 =	simm.s32 $0x300;
	s13 =	rddreg [dreg:$0x15]  }
0x3a: {  	[tilespmem:s14], [sflag:$0x3] =	stream.linear.gather [hbm4b:s13+s5], $0x80, $0x38;
	v63 =	vld [tilespmem:$0x0]  }
0x3b: {  	_ =	swait.ge [sflag:s24], $0x80  }
0x3c: {  	[sflag:s24] =	ssyncset.done $0x0  }
0x3d: {  	[sflag:s24] =	ssyncadd.s32 $0xFFFFFF80  }
0x3e: {  	_ =	swait.ge [sflag:s24], $0x80  }
0x3f: {  	[sflag:s24] =	ssyncset.done $0x0  }
0x40: {  	[sflag:s24] =	ssyncadd.s32 $0xFFFFFF80  }
0x41: {  	_ =	swait.ge [sflag:s25], $0x80  }
0x42: {  	[sflag:s25] =	ssyncset.done $0x0  }
0x43: {  	[sflag:s25] =	ssyncadd.s32 $0xFFFFFF80  }
0x44: {  	_ =	swait.ge [sflag:s25], $0x80  }
0x45: {  	[sflag:s25] =	ssyncset.done $0x0;
	s15 =	rddreg [dreg:$0xc]  }
0x46: {  	s16 =	rddreg [dreg:$0xd];
	[sflag:s25] =	ssyncadd.s32 $0xFFFFFF80  }
0x47: {  	[tilespmem:s28], [sflag:$0x5] =	stream.indirect.gather [spmem:s3], $0x80, s5, s26, $0xb8;
	v63 =	vld [tilespmem:$0x0]  }
0x48: {  	s10 =	rddreg [dreg:$0xb];
	s8 =	sadd.s32 $0x0, s15  }
0x49: {  	[tilespmem:s16], [sflag:$0x4] =	stream.linear.gather [hbm4b:s8+s5], $0x80, $0x38;
	v63 =	vld [tilespmem:$0x0]  }
0x4a: {  	s18 =	sadd.s32 $0x0, s10  }
0x4b: {  	[tilespmem:s29], [sflag:$0x4] =	stream.linear.gather [hbm4b:s18+s5], $0x80, $0x38;
	v63 =	vld [tilespmem:$0x0]  }
0x4c: {  	_ =	swait.ge [sflag:s30], $0x80  }
0x4d: {  	[sflag:s30] =	ssyncset.done $0x0  }
0x4e: {  	[sflag:s30] =	ssyncadd.s32 $0xFFFFFF80  }
0x4f: {  	_ =	swait.ge [sflag:s30], $0x80  }
0x50: {  	[sflag:s30] =	ssyncset.done $0x0  }
0x51: {  	[sflag:s30] =	ssyncadd.s32 $0xFFFFFF80  }
0x52: {  	[tilespmem:s31], [sflag:$0x6] =	stream.indirect.gather [spmem:s3], $0x80, s20, s26, $0xb8;
	v63 =	vld [tilespmem:$0x0]  }
0x53: {  	_ =	swait.ge [sflag:s2], $0x1000  }
0x54: {  	[sflag:s2] =	ssyncset.done $0x0  }
0x55: {  	[sflag:s2] =	ssyncadd.s32 $0xFFFFF000  }
0x56: {  	[spmem:s4] =	stream.indirect.scatter.add.f32 [tilespmem:s28], [sflag:$0x7], $0x80, s19, s26, $0xb8;
	v63 =	vld [tilespmem:$0x0]  }
0x57: {  	_ =	swait.ge [sflag:s17], $0x1000  }
0x58: {  	s8 =	rddreg [dreg:$0xa]  }
0x59: {  	p0 =	por $0x0, $0x0;
	[sflag:s17] =	ssyncset.done $0x0;
	s9 =	rddreg [dreg:$0x9]  }
0x5a: {  	[sflag:s17] =	ssyncadd.s32 $0xFFFFF000;
	s10 =	sadd.s32 @!p0 $0x0, s8;
	s8 =	simm.s32 @!p0 $0x0  }
0x5b: {  	[tilespmem:s8], [sflag:$0x1] =	stream.linear.gather @!p0 [hbm4b:s10+s8], $0x80, $0x38;
	v63 =	vld [tilespmem:$0x0]  }
0x5c: {  	s9 =	sadd.s32 @!p0 $0x0, s9;
	s10 =	simm.s32 @!p0 $0x200  }
0x5d: {  	[tilespmem:s10], [sflag:$0x1] =	stream.linear.gather @!p0 [hbm4b:s9+s8], $0x80, $0x38;
	v63 =	vld [tilespmem:$0x0]  }
0x5e: {  	_ =	swait.ge [sflag:s0], $0x80  }
0x5f: {  	[sflag:s0] =	ssyncset.done $0x0  }
0x60: {  	[sflag:s0] =	ssyncadd.s32 $0xFFFFFF80  }
0x61: {  	_ =	swait.ge [sflag:s0], $0x80  }
0x62: {  	[sflag:s0] =	ssyncset.done $0x0  }
0x63: {  	[sflag:s0] =	ssyncadd.s32 $0xFFFFFF80  }
0x64: {  	[tilespmem:s28], [sflag:$0x5] =	stream.indirect.gather [spmem:s3], $0x80, s22, s26, $0xb8;
	v63 =	vld [tilespmem:$0x0]  }
0x65: {  	_ =	swait.ge [sflag:s1], $0x1000  }
0x66: {  	[sflag:s1] =	ssyncset.done $0x0  }
0x67: {  	[sflag:s1] =	ssyncadd.s32 $0xFFFFF000  }
0x68: {  	[spmem:s4] =	stream.indirect.scatter.add.f32 [tilespmem:s31], [sflag:$0x7], $0x80, s21, s26, $0xb8;
	v63 =	vld [tilespmem:$0x0]  }
0x69: {  	_ =	swait.ge [sflag:s17], $0x1000  }
0x6a: {  	s11 =	simm.s32 @p0 $0x20;
	s12 =	simm.s32 @p0 $0x180;
	[sflag:s17] =	ssyncset.done $0x0  }
0x6b: {  	s9 =	simm.s32 @p0 $0x1400;
	s10 =	simm.s32 @p0 $0x5;
	[sflag:s17] =	ssyncadd.s32 $0xFFFFF000  }
0x6c: {  	[tilespmem:s9], [sflag:$0x6] =	stream.indirect.gather @p0 [spmem:s3], $0x80, s12, s11, $0xb8;
	v63 =	vld [tilespmem:$0x0]  }
0x6d: {  	_ =	swait.ge @p0 [sflag:s10], $0x1000  }
0x6e: {  	s9 =	simm.s32 @p0 $0x7;
	[sflag:s10] =	ssyncset.done @p0 $0x0  }
0x6f: {  	s12 =	simm.s32 @p0 $0x400;
	[sflag:s10] =	ssyncadd.s32 @p0 $0xFFFFF000;
	s10 =	simm.s32 @p0 $0x300  }
0x70: {  	[spmem:s4] =	stream.indirect.scatter.add.f32 @p0 [tilespmem:s12], [sflag:$0x7], $0x80, s10, s11, $0xb8;
	v63 =	vld [tilespmem:$0x0]  }
0x71: {  	_ =	swait.ge @p0 [sflag:s9], $0x1000  }
0x72: {  	s10 =	rddreg [dreg:$0x8]  }
0x73: {  	[sflag:s9] =	ssyncset.done @p0 $0x0;
	s11 =	rddreg [dreg:$0x7]  }
0x74: {  	[sflag:s9] =	ssyncadd.s32 @p0 $0xFFFFF000;
	s9 =	sadd.s32 @!p0 $0x0, s10;
	s10 =	simm.s32 @!p0 $0x80  }
0x75: {  	[tilespmem:s10], [sflag:$0x2] =	stream.linear.gather @!p0 [hbm4b:s9+s8], $0x80, $0x38;
	v63 =	vld [tilespmem:$0x0]  }
0x76: {  	s9 =	sadd.s32 @!p0 $0x0, s11;
	s10 =	simm.s32 @!p0 $0x280;
	s11 =	simm.s32 @!p0 $0x1  }
0x77: {  	[tilespmem:s10], [sflag:$0x2] =	stream.linear.gather @!p0 [hbm4b:s9+s8], $0x80, $0x38;
	v63 =	vld [tilespmem:$0x0]  }
0x78: {  	_ =	swait.ge @!p0 [sflag:s11], $0x80  }
0x79: {  	[sflag:s11] =	ssyncset.done @!p0 $0x0  }
0x7a: {  	[sflag:s11] =	ssyncadd.s32 @!p0 $0xFFFFFF80  }
0x7b: {  	_ =	swait.ge @!p0 [sflag:s11], $0x80  }
0x7c: {  	s12 =	simm.s32 @!p0 $0x180;
	s9 =	simm.s32 @!p0 $0x1400;
	[sflag:s11] =	ssyncset.done @!p0 $0x0  }
0x7d: {  	s10 =	simm.s32 @!p0 $0x5;
	[sflag:s11] =	ssyncadd.s32 @!p0 $0xFFFFFF80;
	s11 =	simm.s32 @!p0 $0x20  }
0x7e: {  	[tilespmem:s9], [sflag:$0x6] =	stream.indirect.gather @!p0 [spmem:s3], $0x80, s12, s11, $0xb8;
	v63 =	vld [tilespmem:$0x0]  }
0x7f: {  	_ =	swait.ge @!p0 [sflag:s10], $0x1000  }
0x80: {  	s9 =	simm.s32 @!p0 $0x7;
	[sflag:s10] =	ssyncset.done @!p0 $0x0  }
0x81: {  	s12 =	simm.s32 @!p0 $0x400;
	[sflag:s10] =	ssyncadd.s32 @!p0 $0xFFFFF000;
	s10 =	simm.s32 @!p0 $0x300  }
0x82: {  	[spmem:s4] =	stream.indirect.scatter.add.f32 @!p0 [tilespmem:s12], [sflag:$0x7], $0x80, s10, s11, $0xb8;
	v63 =	vld [tilespmem:$0x0]  }
0x83: {  	_ =	swait.ge @!p0 [sflag:s9], $0x1000  }
0x84: {  	s13 =	rddreg [dreg:$0x6]  }
0x85: {  	[sflag:s9] =	ssyncset.done @!p0 $0x0;
	s14 =	rddreg [dreg:$0x5]  }
0x86: {  	[sflag:s9] =	ssyncadd.s32 @!p0 $0xFFFFF000;
	s9 =	sadd.s32 @!p0 $0x0, s13;
	s13 =	simm.s32 @!p0 $0x100  }
0x87: {  	[tilespmem:s13], [sflag:$0x3] =	stream.linear.gather @!p0 [hbm4b:s9+s8], $0x80, $0x38;
	v63 =	vld [tilespmem:$0x0]  }
0x88: {  	s9 =	sadd.s32 @!p0 $0x0, s14  }
0x89: {  	[tilespmem:s10], [sflag:$0x3] =	stream.linear.gather @!p0 [hbm4b:s9+s8], $0x80, $0x38;
	v63 =	vld [tilespmem:$0x0]  }
0x8a: {  	s9 =	simm.s32 @!p0 $0x2  }
0x8b: {  	_ =	swait.ge @!p0 [sflag:s9], $0x80  }
0x8c: {  	[sflag:s9] =	ssyncset.done @!p0 $0x0  }
0x8d: {  	[sflag:s9] =	ssyncadd.s32 @!p0 $0xFFFFFF80  }
0x8e: {  	_ =	swait.ge @!p0 [sflag:s9], $0x80  }
0x8f: {  	[sflag:s9] =	ssyncset.done @!p0 $0x0  }
0x90: {  	[sflag:s9] =	ssyncadd.s32 @!p0 $0xFFFFFF80  }
0x91: {  	[tilespmem:s12], [sflag:$0x5] =	stream.indirect.gather @!p0 [spmem:s3], $0x80, s8, s11, $0xb8;
	v63 =	vld [tilespmem:$0x0]  }
0x92: {  	_ =	swait.ge [sflag:s1], $0x1000  }
0x93: {  	[sflag:s1] =	ssyncset.done $0x0  }
0x94: {  	[sflag:s1] =	ssyncadd.s32 $0xFFFFF000  }
0x95: {  	[spmem:s4] =	stream.indirect.scatter.add.f32 [tilespmem:s31], [sflag:$0x7], $0x80, s29, s26, $0xb8;
	v63 =	vld [tilespmem:$0x0]  }
0x96: {  	s9 =	simm.s32 $0x80;
	_ =	swait.ge [sflag:s17], $0x1000  }
0x97: {  	s8 =	simm.s32 $0x40;
	s11 =	rddreg [dreg:$0xc];
	[sflag:s17] =	ssyncset.done $0x0  }
.LBB2_2:
0x98: {  	s12 =	rddreg [dreg:$0xd]  }
0x99: {  	[sflag:s17] =	ssyncadd.s32 $0xFFFFF000;
	s13 =	rddreg [dreg:$0xb];
	s11 =	sadd.s32 s8, s11  }
0x9a: {  	[tilespmem:s12], [sflag:$0x4] =	stream.linear.gather [hbm4b:s11+s5], $0x80, $0x38;
	v63 =	vld [tilespmem:$0x0]  }
0x9b: {  	s18 =	sadd.s32 s8, s13  }
0x9c: {  	[tilespmem:s29], [sflag:$0x4] =	stream.linear.gather [hbm4b:s18+s5], $0x80, $0x38;
	v63 =	vld [tilespmem:$0x0]  }
0x9d: {  	_ =	swait.ge [sflag:s30], $0x80  }
0x9e: {  	[sflag:s30] =	ssyncset.done $0x0  }
0x9f: {  	[sflag:s30] =	ssyncadd.s32 $0xFFFFFF80  }
0xa0: {  	_ =	swait.ge [sflag:s30], $0x80  }
0xa1: {  	[sflag:s30] =	ssyncset.done $0x0  }
0xa2: {  	[sflag:s30] =	ssyncadd.s32 $0xFFFFFF80  }
0xa3: {  	[tilespmem:s31], [sflag:$0x6] =	stream.indirect.gather [spmem:s3], $0x80, s20, s26, $0xb8;
	v63 =	vld [tilespmem:$0x0]  }
0xa4: {  	_ =	swait.ge [sflag:s2], $0x1000  }
0xa5: {  	[sflag:s2] =	ssyncset.done $0x0  }
0xa6: {  	[sflag:s2] =	ssyncadd.s32 $0xFFFFF000  }
0xa7: {  	[spmem:s4] =	stream.indirect.scatter.add.f32 [tilespmem:s28], [sflag:$0x7], $0x80, s19, s26, $0xb8;
	v63 =	vld [tilespmem:$0x0]  }
0xa8: {  	_ =	swait.ge [sflag:s17], $0x1000  }
0xa9: {  	s11 =	rddreg [dreg:$0xa]  }
0xaa: {  	p1 =	seq.s32 s8, $0x27C0;
	[sflag:s17] =	ssyncset.done $0x0;
	s12 =	rddreg [dreg:$0x9]  }
0xab: {  	[sflag:s17] =	ssyncadd.s32 $0xFFFFF000;
	s13 =	sadd.s32 @!p1 s8, s11;
	s11 =	simm.s32 @!p1 $0x0  }
0xac: {  	[tilespmem:s11], [sflag:$0x1] =	stream.linear.gather @!p1 [hbm4b:s13+s11], $0x80, $0x38;
	v63 =	vld [tilespmem:$0x0]  }
0xad: {  	s12 =	sadd.s32 @!p1 s8, s12;
	s13 =	simm.s32 @!p1 $0x200  }
0xae: {  	[tilespmem:s13], [sflag:$0x1] =	stream.linear.gather @!p1 [hbm4b:s12+s11], $0x80, $0x38;
	v63 =	vld [tilespmem:$0x0]  }
0xaf: {  	_ =	swait.ge [sflag:s0], $0x80  }
0xb0: {  	[sflag:s0] =	ssyncset.done $0x0  }
0xb1: {  	[sflag:s0] =	ssyncadd.s32 $0xFFFFFF80  }
0xb2: {  	_ =	swait.ge [sflag:s0], $0x80  }
0xb3: {  	[sflag:s0] =	ssyncset.done $0x0  }
0xb4: {  	[sflag:s0] =	ssyncadd.s32 $0xFFFFFF80  }
0xb5: {  	[tilespmem:s28], [sflag:$0x5] =	stream.indirect.gather [spmem:s3], $0x80, s22, s26, $0xb8;
	v63 =	vld [tilespmem:$0x0]  }
0xb6: {  	_ =	swait.ge [sflag:s1], $0x1000  }
0xb7: {  	[sflag:s1] =	ssyncset.done $0x0  }
0xb8: {  	[sflag:s1] =	ssyncadd.s32 $0xFFFFF000  }
0xb9: {  	[spmem:s4] =	stream.indirect.scatter.add.f32 [tilespmem:s31], [sflag:$0x7], $0x80, s21, s26, $0xb8;
	v63 =	vld [tilespmem:$0x0]  }
0xba: {  	_ =	swait.ge [sflag:s17], $0x1000  }
0xbb: {  	s14 =	simm.s32 @p1 $0x20;
	s15 =	simm.s32 @p1 $0x180;
	[sflag:s17] =	ssyncset.done $0x0  }
0xbc: {  	s12 =	simm.s32 @p1 $0x1400;
	s13 =	simm.s32 @p1 $0x5;
	[sflag:s17] =	ssyncadd.s32 $0xFFFFF000  }
0xbd: {  	[tilespmem:s12], [sflag:$0x6] =	stream.indirect.gather @p1 [spmem:s3], $0x80, s15, s14, $0xb8;
	v63 =	vld [tilespmem:$0x0]  }
0xbe: {  	_ =	swait.ge @p1 [sflag:s13], $0x1000  }
0xbf: {  	s12 =	simm.s32 @p1 $0x7;
	[sflag:s13] =	ssyncset.done @p1 $0x0  }
0xc0: {  	s15 =	simm.s32 @p1 $0x400;
	[sflag:s13] =	ssyncadd.s32 @p1 $0xFFFFF000;
	s13 =	simm.s32 @p1 $0x300  }
0xc1: {  	[spmem:s4] =	stream.indirect.scatter.add.f32 @p1 [tilespmem:s15], [sflag:$0x7], $0x80, s13, s14, $0xb8;
	v63 =	vld [tilespmem:$0x0]  }
0xc2: {  	_ =	swait.ge @p1 [sflag:s12], $0x1000  }
0xc3: {  	s13 =	rddreg [dreg:$0x8]  }
0xc4: {  	[sflag:s12] =	ssyncset.done @p1 $0x0;
	s14 =	rddreg [dreg:$0x7]  }
0xc5: {  	[sflag:s12] =	ssyncadd.s32 @p1 $0xFFFFF000;
	s12 =	sadd.s32 @!p1 s8, s13;
	s13 =	simm.s32 @!p1 $0x80  }
0xc6: {  	[tilespmem:s13], [sflag:$0x2] =	stream.linear.gather @!p1 [hbm4b:s12+s11], $0x80, $0x38;
	v63 =	vld [tilespmem:$0x0]  }
0xc7: {  	s12 =	sadd.s32 @!p1 s8, s14;
	s13 =	simm.s32 @!p1 $0x280;
	s14 =	simm.s32 @!p1 $0x1  }
0xc8: {  	[tilespmem:s13], [sflag:$0x2] =	stream.linear.gather @!p1 [hbm4b:s12+s11], $0x80, $0x38;
	v63 =	vld [tilespmem:$0x0]  }
0xc9: {  	_ =	swait.ge @!p1 [sflag:s14], $0x80  }
0xca: {  	[sflag:s14] =	ssyncset.done @!p1 $0x0  }
0xcb: {  	[sflag:s14] =	ssyncadd.s32 @!p1 $0xFFFFFF80  }
0xcc: {  	_ =	swait.ge @!p1 [sflag:s14], $0x80  }
0xcd: {  	s15 =	simm.s32 @!p1 $0x180;
	s12 =	simm.s32 @!p1 $0x1400;
	[sflag:s14] =	ssyncset.done @!p1 $0x0  }
0xce: {  	s13 =	simm.s32 @!p1 $0x5;
	[sflag:s14] =	ssyncadd.s32 @!p1 $0xFFFFFF80;
	s14 =	simm.s32 @!p1 $0x20  }
0xcf: {  	[tilespmem:s12], [sflag:$0x6] =	stream.indirect.gather @!p1 [spmem:s3], $0x80, s15, s14, $0xb8;
	v63 =	vld [tilespmem:$0x0]  }
0xd0: {  	_ =	swait.ge @!p1 [sflag:s13], $0x1000  }
0xd1: {  	s12 =	simm.s32 @!p1 $0x7;
	[sflag:s13] =	ssyncset.done @!p1 $0x0  }
0xd2: {  	s15 =	simm.s32 @!p1 $0x400;
	[sflag:s13] =	ssyncadd.s32 @!p1 $0xFFFFF000;
	s13 =	simm.s32 @!p1 $0x300  }
0xd3: {  	[spmem:s4] =	stream.indirect.scatter.add.f32 @!p1 [tilespmem:s15], [sflag:$0x7], $0x80, s13, s14, $0xb8;
	v63 =	vld [tilespmem:$0x0]  }
0xd4: {  	_ =	swait.ge @!p1 [sflag:s12], $0x1000  }
0xd5: {  	s16 =	rddreg [dreg:$0x6]  }
0xd6: {  	[sflag:s12] =	ssyncset.done @!p1 $0x0;
	s18 =	rddreg [dreg:$0x5]  }
0xd7: {  	[sflag:s12] =	ssyncadd.s32 @!p1 $0xFFFFF000;
	s12 =	sadd.s32 @!p1 s8, s16;
	s16 =	simm.s32 @!p1 $0x100  }
0xd8: {  	[tilespmem:s16], [sflag:$0x3] =	stream.linear.gather @!p1 [hbm4b:s12+s11], $0x80, $0x38;
	v63 =	vld [tilespmem:$0x0]  }
0xd9: {  	s12 =	sadd.s32 @!p1 s8, s18;
	s16 =	simm.s32 @!p1 $0x2  }
0xda: {  	[tilespmem:s13], [sflag:$0x3] =	stream.linear.gather @!p1 [hbm4b:s12+s11], $0x80, $0x38;
	v63 =	vld [tilespmem:$0x0]  }
0xdb: {  	_ =	swait.ge @!p1 [sflag:s16], $0x80  }
0xdc: {  	[sflag:s16] =	ssyncset.done @!p1 $0x0  }
0xdd: {  	[sflag:s16] =	ssyncadd.s32 @!p1 $0xFFFFFF80  }
0xde: {  	_ =	swait.ge @!p1 [sflag:s16], $0x80  }
0xdf: {  	[sflag:s16] =	ssyncset.done @!p1 $0x0  }
0xe0: {  	s10 =	smov.u32 s9;
	s9 =	sadd.s32 $0x40, s9;
	[sflag:s16] =	ssyncadd.s32 @!p1 $0xFFFFFF80  }
0xe1: {  	[tilespmem:s15], [sflag:$0x5] =	stream.indirect.gather @!p1 [spmem:s3], $0x80, s11, s14, $0xb8;
	v63 =	vld [tilespmem:$0x0]  }
0xe2: {  	p0 =	sne.s32 s9, $0x2800;
	_ =	swait.ge [sflag:s1], $0x1000  }
.Ltmp0:
0xe3: {  	[sflag:s1] =	ssyncset.done $0x0;
	(pc) =	sbr.rel @p0 .LBB2_2-.Ltmp0, $4  }
0xe4: {  	[sflag:s1] =	ssyncadd.s32 $0xFFFFF000  }
0xe5: {  	[spmem:s4] =	stream.indirect.scatter.add.f32 [tilespmem:s31], [sflag:$0x7], $0x80, s29, s26, $0xb8;
	v63 =	vld [tilespmem:$0x0]  }
0xe6: {  	_ =	swait.ge [sflag:s17], $0x1000  }
0xe7: {  	s8 =	smov.u32 s10;
	s11 =	rddreg [dreg:$0xc];
	[sflag:s17] =	ssyncset.done $0x0  }
0xe8: {  	s9 =	rddreg [dreg:$0xd]  }
0xe9: {  	s10 =	rddreg [dreg:$0xb];
	[sflag:s17] =	ssyncadd.s32 $0xFFFFF000;
	s11 =	sadd.s32 s8, s11  }
0xea: {  	[tilespmem:s9], [sflag:$0x4] =	stream.linear.gather [hbm4b:s11+s5], $0x80, $0x38;
	v63 =	vld [tilespmem:$0x0]  }
0xeb: {  	s15 =	sadd.s32 s8, s10  }
0xec: {  	[tilespmem:s29], [sflag:$0x4] =	stream.linear.gather [hbm4b:s15+s5], $0x80, $0x38;
	v63 =	vld [tilespmem:$0x0]  }
0xed: {  	_ =	swait.ge [sflag:s30], $0x80  }
0xee: {  	[sflag:s30] =	ssyncset.done $0x0  }
0xef: {  	[sflag:s30] =	ssyncadd.s32 $0xFFFFFF80  }
0xf0: {  	_ =	swait.ge [sflag:s30], $0x80  }
0xf1: {  	[sflag:s30] =	ssyncset.done $0x0  }
0xf2: {  	[sflag:s30] =	ssyncadd.s32 $0xFFFFFF80  }
0xf3: {  	[tilespmem:s31], [sflag:$0x6] =	stream.indirect.gather [spmem:s3], $0x80, s20, s26, $0xb8;
	v63 =	vld [tilespmem:$0x0]  }
0xf4: {  	_ =	swait.ge [sflag:s2], $0x1000  }
0xf5: {  	[sflag:s2] =	ssyncset.done $0x0  }
0xf6: {  	[sflag:s2] =	ssyncadd.s32 $0xFFFFF000  }
0xf7: {  	[spmem:s4] =	stream.indirect.scatter.add.f32 [tilespmem:s28], [sflag:$0x7], $0x80, s19, s26, $0xb8;
	v63 =	vld [tilespmem:$0x0]  }
0xf8: {  	_ =	swait.ge [sflag:s17], $0x1000  }
0xf9: {  	s9 =	rddreg [dreg:$0xa]  }
0xfa: {  	p0 =	seq.s32 s8, $0x27C0;
	[sflag:s17] =	ssyncset.done $0x0;
	s10 =	rddreg [dreg:$0x9]  }
0xfb: {  	[sflag:s17] =	ssyncadd.s32 $0xFFFFF000;
	s11 =	sadd.s32 @!p0 s8, s9;
	s9 =	simm.s32 @!p0 $0x0  }
0xfc: {  	[tilespmem:s9], [sflag:$0x1] =	stream.linear.gather @!p0 [hbm4b:s11+s9], $0x80, $0x38;
	v63 =	vld [tilespmem:$0x0]  }
0xfd: {  	s10 =	sadd.s32 @!p0 s8, s10;
	s11 =	simm.s32 @!p0 $0x200  }
0xfe: {  	[tilespmem:s11], [sflag:$0x1] =	stream.linear.gather @!p0 [hbm4b:s10+s9], $0x80, $0x38;
	v63 =	vld [tilespmem:$0x0]  }
0xff: {  	_ =	swait.ge [sflag:s0], $0x80  }
0x100: {  	[sflag:s0] =	ssyncset.done $0x0  }
0x101: {  	[sflag:s0] =	ssyncadd.s32 $0xFFFFFF80  }
0x102: {  	_ =	swait.ge [sflag:s0], $0x80  }
0x103: {  	[sflag:s0] =	ssyncset.done $0x0  }
0x104: {  	[sflag:s0] =	ssyncadd.s32 $0xFFFFFF80  }
0x105: {  	[tilespmem:s28], [sflag:$0x5] =	stream.indirect.gather [spmem:s3], $0x80, s22, s26, $0xb8;
	v63 =	vld [tilespmem:$0x0]  }
0x106: {  	_ =	swait.ge [sflag:s1], $0x1000  }
0x107: {  	[sflag:s1] =	ssyncset.done $0x0  }
0x108: {  	[sflag:s1] =	ssyncadd.s32 $0xFFFFF000  }
0x109: {  	[spmem:s4] =	stream.indirect.scatter.add.f32 [tilespmem:s31], [sflag:$0x7], $0x80, s21, s26, $0xb8;
	v63 =	vld [tilespmem:$0x0]  }
0x10a: {  	_ =	swait.ge [sflag:s17], $0x1000  }
0x10b: {  	s12 =	simm.s32 @p0 $0x20;
	s13 =	simm.s32 @p0 $0x180;
	[sflag:s17] =	ssyncset.done $0x0  }
0x10c: {  	s10 =	simm.s32 @p0 $0x1400;
	s11 =	simm.s32 @p0 $0x5;
	[sflag:s17] =	ssyncadd.s32 $0xFFFFF000  }
0x10d: {  	[tilespmem:s10], [sflag:$0x6] =	stream.indirect.gather @p0 [spmem:s3], $0x80, s13, s12, $0xb8;
	v63 =	vld [tilespmem:$0x0]  }
0x10e: {  	_ =	swait.ge @p0 [sflag:s11], $0x1000  }
0x10f: {  	s10 =	simm.s32 @p0 $0x7;
	[sflag:s11] =	ssyncset.done @p0 $0x0  }
0x110: {  	s13 =	simm.s32 @p0 $0x400;
	[sflag:s11] =	ssyncadd.s32 @p0 $0xFFFFF000;
	s11 =	simm.s32 @p0 $0x300  }
0x111: {  	[spmem:s4] =	stream.indirect.scatter.add.f32 @p0 [tilespmem:s13], [sflag:$0x7], $0x80, s11, s12, $0xb8;
	v63 =	vld [tilespmem:$0x0]  }
0x112: {  	_ =	swait.ge @p0 [sflag:s10], $0x1000  }
0x113: {  	s11 =	rddreg [dreg:$0x8]  }
0x114: {  	[sflag:s10] =	ssyncset.done @p0 $0x0;
	s12 =	rddreg [dreg:$0x7]  }
0x115: {  	[sflag:s10] =	ssyncadd.s32 @p0 $0xFFFFF000;
	s10 =	sadd.s32 @!p0 s8, s11;
	s11 =	simm.s32 @!p0 $0x80  }
0x116: {  	[tilespmem:s11], [sflag:$0x2] =	stream.linear.gather @!p0 [hbm4b:s10+s9], $0x80, $0x38;
	v63 =	vld [tilespmem:$0x0]  }
0x117: {  	s10 =	sadd.s32 @!p0 s8, s12;
	s11 =	simm.s32 @!p0 $0x280;
	s12 =	simm.s32 @!p0 $0x1  }
0x118: {  	[tilespmem:s11], [sflag:$0x2] =	stream.linear.gather @!p0 [hbm4b:s10+s9], $0x80, $0x38;
	v63 =	vld [tilespmem:$0x0]  }
0x119: {  	_ =	swait.ge @!p0 [sflag:s12], $0x80  }
0x11a: {  	[sflag:s12] =	ssyncset.done @!p0 $0x0  }
0x11b: {  	[sflag:s12] =	ssyncadd.s32 @!p0 $0xFFFFFF80  }
0x11c: {  	_ =	swait.ge @!p0 [sflag:s12], $0x80  }
0x11d: {  	s13 =	simm.s32 @!p0 $0x180;
	s10 =	simm.s32 @!p0 $0x1400;
	[sflag:s12] =	ssyncset.done @!p0 $0x0  }
0x11e: {  	s11 =	simm.s32 @!p0 $0x5;
	[sflag:s12] =	ssyncadd.s32 @!p0 $0xFFFFFF80;
	s12 =	simm.s32 @!p0 $0x20  }
0x11f: {  	[tilespmem:s10], [sflag:$0x6] =	stream.indirect.gather @!p0 [spmem:s3], $0x80, s13, s12, $0xb8;
	v63 =	vld [tilespmem:$0x0]  }
0x120: {  	_ =	swait.ge @!p0 [sflag:s11], $0x1000  }
0x121: {  	s10 =	simm.s32 @!p0 $0x7;
	[sflag:s11] =	ssyncset.done @!p0 $0x0  }
0x122: {  	s13 =	simm.s32 @!p0 $0x400;
	[sflag:s11] =	ssyncadd.s32 @!p0 $0xFFFFF000;
	s11 =	simm.s32 @!p0 $0x300  }
0x123: {  	[spmem:s4] =	stream.indirect.scatter.add.f32 @!p0 [tilespmem:s13], [sflag:$0x7], $0x80, s11, s12, $0xb8;
	v63 =	vld [tilespmem:$0x0]  }
0x124: {  	_ =	swait.ge @!p0 [sflag:s10], $0x1000  }
0x125: {  	s14 =	rddreg [dreg:$0x6]  }
0x126: {  	[sflag:s10] =	ssyncset.done @!p0 $0x0;
	s15 =	rddreg [dreg:$0x5]  }
0x127: {  	[sflag:s10] =	ssyncadd.s32 @!p0 $0xFFFFF000;
	s10 =	sadd.s32 @!p0 s8, s14;
	s14 =	simm.s32 @!p0 $0x100  }
0x128: {  	[tilespmem:s14], [sflag:$0x3] =	stream.linear.gather @!p0 [hbm4b:s10+s9], $0x80, $0x38;
	v63 =	vld [tilespmem:$0x0]  }
0x129: {  	s8 =	sadd.s32 @!p0 s8, s15  }
0x12a: {  	[tilespmem:s11], [sflag:$0x3] =	stream.linear.gather @!p0 [hbm4b:s8+s9], $0x80, $0x38;
	v63 =	vld [tilespmem:$0x0]  }
0x12b: {  	s8 =	simm.s32 @!p0 $0x2  }
0x12c: {  	_ =	swait.ge @!p0 [sflag:s8], $0x80  }
0x12d: {  	[sflag:s8] =	ssyncset.done @!p0 $0x0  }
0x12e: {  	[sflag:s8] =	ssyncadd.s32 @!p0 $0xFFFFFF80  }
0x12f: {  	_ =	swait.ge @!p0 [sflag:s8], $0x80  }
0x130: {  	[sflag:s8] =	ssyncset.done @!p0 $0x0  }
0x131: {  	[sflag:s8] =	ssyncadd.s32 @!p0 $0xFFFFFF80  }
0x132: {  	[tilespmem:s13], [sflag:$0x5] =	stream.indirect.gather @!p0 [spmem:s3], $0x80, s9, s12, $0xb8;
	v63 =	vld [tilespmem:$0x0]  }
0x133: {  	_ =	swait.ge [sflag:s1], $0x1000  }
0x134: {  	[sflag:s1] =	ssyncset.done $0x0  }
0x135: {  	[sflag:s1] =	ssyncadd.s32 $0xFFFFF000  }
0x136: {  	[spmem:s4] =	stream.indirect.scatter.add.f32 [tilespmem:s31], [sflag:$0x7], $0x80, s29, s26, $0xb8;
	v63 =	vld [tilespmem:$0x0]  }
0x137: {  	_ =	swait.ge [sflag:s17], $0x1000  }
0x138: {  	[sflag:s17] =	ssyncset.done $0x0  }
0x139: {  	[sflag:s17] =	ssyncadd.s32 $0xFFFFF000  }
0x13a: {  	[bflag:$0x0] =	sbarrier.arrive $0xFFFF  }
0x13b: {  	s16 =	rddreg [dreg:$0x16]  }
0x13c: {  	[hbm:s16], [sflag:s7] =	dma.local [spmem:s6], $0x2780  }
0x13d: {  	_ =	swait.ge [sflag:s17], $0x2780  }
0x13e: {  	s23 =	sadd.s32 $0x1, s23;
	s18 =	rddreg [dreg:$0x17]  }
0x13f: {  	p0 =	sne.s32 s23, s18  }
.Ltmp1:
0x140: {  	_ = 	snop;
	(pc) =	sbr.rel @p0 .LBB2_1-.Ltmp1, $3  }
0x141: {  	_ =	sdelay $0x1  }
0x142: {  	[sflag:s17] =	ssyncset.done $0x0  }
0x143: {  	[sflag:s17] =	ssyncadd.s32 $0xFFFFD880  }
0x144: {  	_ =	sfence.sel $0x180000  }
0x145: {  	[bflag:$0x0] =	sbarrier.arrive $0xFFFF  }
0x146: {  	_ =	strace $0x9000004A  }
0x147: {  	s0 =	stileid.u32;
	[bflag:$0x2] =	sbarrier.arrive $0xFFFF  }
0x148: {  	p0 =	sne.s32 s0, $0x0;
	s0 =	rddreg [dreg:$0x4]  }
0x149: {  	s0 =	sadd.s32 @!p0 $0x100000, s0  }
0x14a: {  	[sflag:s0] =	ssyncadd.tile.s32 @!p0 $0x1;
	_ =	shalt  }
.Lfunc_end2:
_tile_overlayer_lowered:
.L_overlay_start_2:
0x14b: {  	(tag) =	ssettag $0x2  }
0x14c: {  	s0 =	rddreg [dreg:$0x0];
	s2 =	stileid.u32  }
0x14d: {  	s1 =	rddreg [dreg:$0x1];
	p0 =	sne.s32 s2, $0x0  }
0x14e: {  	s3 =	rddreg [dreg:$0x2];
	[bflag:$0x3] =	sbarrier.arrive $0xFFFF;
	s2 =	simm.s32 @!p0 $0x1C07  }
0x14f: {  	[timem:s3], [sflag:s2] =	dma.local @!p0 [hbm:s0], s1  }
0x150: {  	s0 =	simm.s32 @!p0 $0x7  }
0x151: {  	_ =	swait.ge @!p0 [sflag:s0], s1  }
0x152: {  	s1 =	ssub.s32 @!p0 $0x0, s1;
	[sflag:s0] =	ssyncset.done @!p0 $0x0  }
0x153: {  	[sflag:s0] =	ssyncadd.s32 @!p0 s1  }
0x154: {  	[bflag:$0x3] =	sbarrier.arrive $0xFFFF  }
0x155: {  	_ =	shalt  }

// kernel: kernel.15.cloned.1.call-start
scs
__scs_entry_jumppad:
0x0: {  	(pc) =	sbr.rel $0x88, $3  }
0x1: {  	(tag) =	ssettag $0x0;
	lr =	simm.s32 $0x1  }
0x2: {  	[smem:$0x3F9B] =	sst lr;
	_ =	strace $0xD0000000  }
0x3: {  	_ = 	snop  }
0x4: {  	_ = 	snop  }
0x5: {  	_ = 	snop  }
0x6: {  	_ = 	snop  }
0x7: {  	_ = 	snop  }
__scs_overlays_trampoline_lowered:
0x8: {  	[smem:$0x3FAA] =	sst s0  }
0x9: {  	[smem:$0x3FAB] =	sst s1  }
0xa: {  	[smem:$0x3FAC] =	sst s2  }
0xb: {  	[smem:$0x3FAD] =	sst s3  }
0xc: {  	[smem:$0x3FAE] =	sst s4  }
0xd: {  	[smem:$0x3FAF] =	sst s5  }
0xe: {  	[smem:$0x3FB0] =	sst s6  }
0xf: {  	[smem:$0x3FB1] =	sst s7  }
0x10: {  	[smem:$0x3FB2] =	sst s8  }
0x11: {  	[smem:$0x3FB3] =	sst s9;
	s0 =	simm.s32 @!p0 $0x0  }
0x12: {  	s1 =	sld [smem:$0x3F99];
	s0 =	simm.s32 @p0 $0x1  }
0x13: {  	[smem:$0x3FB4] =	sst s0;
	s0 =	simm.s32 @!p1 $0x0  }
0x14: {  	s2 =	sld [smem:$0x3F98];
	s0 =	simm.s32 @p1 $0x1  }
0x15: {  	[smem:$0x3FB5] =	sst s0;
	s0 =	simm.s32 @!p2 $0x0  }
0x16: {  	s3 =	sld [smem:$0x3FDB];
	s0 =	simm.s32 @p2 $0x1  }
0x17: {  	s4 =	simm.s32 $0x1BF5;
	[smem:$0x3FB7] =	sst s0  }
0x18: {  	s0 =	sld [smem:$0x3F9A];
	_ =	swait.ge [sflag:s4], $0x0  }
0x19: {  	s7 =	sld [smem:$0x3F9B]  }
0x1a: {  	s8 =	sadd.s32 $0xFFFFE003, lr  }
0x1b: {  	s9 =	sadd.s32 $0xFFFFFEF7, lr;
	s5 =	simm.s32 $0xFFFFFFFF;
	p2 =	slt.u32 s8, $0xFFFFF086  }
0x1c: {  	p1 =	slt.u32 s9, $0xF7A;
	s5 =	simm.s32 @!p2 $0x0  }
0x1d: {  	s5 =	simm.s32 @p1 $0x1;
	p0 =	seq.s32 s7, s2  }
0x1e: {  	s7 =	smul.u32 @!p0 $0xF7A, s2;
	p2 =	seq.s32 @!p0 s5, $0x0  }
0x1f: {  	s9 =	smul.u32 $0xF7A, s1;
	s8 =	simm.s32 @!p0 $0x1BF5;
	p2 =	por !p2, p0  }
0x20: {  	[sflag:s8] =	ssyncset.s32 @!p0 $0xFFFFF086;
	s6 =	sadd.s32 @!p0 s3, s7;
	s7 =	simm.s32 @!p0 $0x108  }
0x21: {  	s3 =	sadd.s32 s3, s9;
	s6 =	sadd.s32 @!p0 $0x88, s6;
	s7 =	simm.s32 @p2 $0x1082  }
0x22: {  	[simem:s7], [sflag:s8] =	dma.local @!p0 [hbm:s6], $0xF7A  }
0x23: {  	s9 =	sor.u32 $0xD0000000, s2;
	s6 =	simm.s32 $0x108;
	_ =	swait.ge @!p0 [sflag:s8], $0x0  }
0x24: {  	s3 =	sadd.s32 $0x88, s3;
	s6 =	simm.s32 @!p1 $0x1082;
	[sflag:s4] =	ssyncset.s32 $0xFFFFF086  }
0x25: {  	[simem:s6], [sflag:s4] =	dma.local [hbm:s3], $0xF7A  }
0x26: {  	[smem:$0x3F9B] =	sst s1;
	(tag) =	ssettag s2;
	_ =	strace s9  }
0x27: {  	s1 =	sld [smem:$0x3FAB]  }
0x28: {  	s2 =	sld [smem:$0x3FAC]  }
0x29: {  	s4 =	sld [smem:$0x3FAE]  }
0x2a: {  	p0 =	seq.s32 s5, $0x0;
	s5 =	sld [smem:$0x3FAF]  }
0x2b: {  	s6 =	sld [smem:$0x3FB0]  }
0x2c: {  	s7 =	sld [smem:$0x3FB1]  }
0x2d: {  	s3 =	simm.s32 $0x108;
	s8 =	sld [smem:$0x3FB2]  }
0x2e: {  	s3 =	simm.s32 @!p0 $0x1082;
	s9 =	sld [smem:$0x3FB3]  }
0x2f: {  	lr =	sadd.s32 s0, s3;
	s0 =	sld [smem:$0x3FAA]  }
0x30: {  	s3 =	sld [smem:$0x3FAD]  }
0x31: {  	[smem:$0x3FB6] =	sst s10  }
0x32: {  	s10 =	sld [smem:$0x3FB4];
	_ =	sdelay $0x3  }
0x33: {  	p0 =	seq.s32 s10, $0x1;
	s10 =	sld [smem:$0x3FB6];
	_ =	sdelay $0x3  }
0x34: {  	[smem:$0x3FB6] =	sst s10  }
0x35: {  	s10 =	sld [smem:$0x3FB5];
	_ =	sdelay $0x3  }
0x36: {  	p1 =	seq.s32 s10, $0x1;
	s10 =	sld [smem:$0x3FB6];
	_ =	sdelay $0x3  }
0x37: {  	[smem:$0x3FB6] =	sst s10  }
0x38: {  	s10 =	sld [smem:$0x3FB7]  }
0x39: {  	_ = 	snop;
	(pc) =	sbr.ind lr, $3  }
0x3a: {  	_ = 	snop  }
0x3b: {  	_ = 	snop  }
0x3c: {  	p2 =	seq.s32 s10, $0x1;
	s10 =	sld [smem:$0x3FB6]  }
0x3d: {  	_ =	shalt  }
0x3e: {  	_ =	shalt  }
0x3f: {  	_ =	shalt  }
0x40: {  	_ =	shalt  }
0x41: {  	_ =	shalt  }
0x42: {  	_ =	shalt  }
0x43: {  	_ =	shalt  }
0x44: {  	_ =	shalt  }
0x45: {  	_ =	shalt  }
0x46: {  	_ =	shalt  }
0x47: {  	_ =	shalt  }
0x48: {  	_ =	shalt  }
0x49: {  	_ =	shalt  }
0x4a: {  	_ =	shalt  }
0x4b: {  	_ =	shalt  }
0x4c: {  	_ =	shalt  }
0x4d: {  	_ =	shalt  }
0x4e: {  	_ =	shalt  }
0x4f: {  	_ =	shalt  }
0x50: {  	_ =	shalt  }
0x51: {  	_ =	shalt  }
0x52: {  	_ =	shalt  }
0x53: {  	_ =	shalt  }
0x54: {  	_ =	shalt  }
0x55: {  	_ =	shalt  }
0x56: {  	_ =	shalt  }
0x57: {  	_ =	shalt  }
0x58: {  	_ =	shalt  }
0x59: {  	_ =	shalt  }
0x5a: {  	_ =	shalt  }
0x5b: {  	_ =	shalt  }
0x5c: {  	_ =	shalt  }
0x5d: {  	_ =	shalt  }
0x5e: {  	_ =	shalt  }
0x5f: {  	_ =	shalt  }
0x60: {  	_ =	shalt  }
0x61: {  	_ =	shalt  }
0x62: {  	_ =	shalt  }
0x63: {  	_ =	shalt  }
0x64: {  	_ =	shalt  }
0x65: {  	_ =	shalt  }
0x66: {  	_ =	shalt  }
0x67: {  	_ =	shalt  }
0x68: {  	_ =	shalt  }
0x69: {  	_ =	shalt  }
0x6a: {  	_ =	shalt  }
0x6b: {  	_ =	shalt  }
0x6c: {  	_ =	shalt  }
0x6d: {  	_ =	shalt  }
0x6e: {  	_ =	shalt  }
0x6f: {  	_ =	shalt  }
0x70: {  	_ =	shalt  }
0x71: {  	_ =	shalt  }
0x72: {  	_ =	shalt  }
0x73: {  	_ =	shalt  }
0x74: {  	_ =	shalt  }
0x75: {  	_ =	shalt  }
0x76: {  	_ =	shalt  }
0x77: {  	_ =	shalt  }
0x78: {  	_ =	shalt  }
0x79: {  	_ =	shalt  }
0x7a: {  	_ =	shalt  }
0x7b: {  	_ =	shalt  }
0x7c: {  	_ =	shalt  }
0x7d: {  	_ =	shalt  }
0x7e: {  	_ =	shalt  }
0x7f: {  	_ =	shalt  }
0x80: {  	_ =	shalt  }
0x81: {  	_ =	shalt  }
0x82: {  	_ =	shalt  }
0x83: {  	_ =	shalt  }
0x84: {  	_ =	shalt  }
0x85: {  	_ =	shalt  }
0x86: {  	_ =	shalt  }
0x87: {  	_ =	shalt  }
.Lfunc_end0:
.L_simem_size_0:
called_computation.2_lowered:
.L_overlay_start_0:
0x88: {  	s2 =	sld [smem:$0x3FD9]  }
0x89: {  	s3 =	sld [smem:$0x3FFE];
	_ =	sdelay $0x1  }
0x8a: {  	s1 =	srdreg.scid  }
0x8b: {  	s0 =	sand.u32 $0x1, s1  }
0x8c: {  	s17 =	sshll.u32 s0, $0xA;
	s2 =	sadd.s32 s3, s2  }
0x8d: {  	s2 =	sadd.s32 s2, s17  }
0x8e: {  	[smem:$0x3FC2] =	sst s2  }
0x8f: {  	_ = 	snop  }
0x90: {  	s2 =	sld [smem:$0x3FD0];
	(tm) =	ssettm $0x1  }
0x91: {  	s18 =	sld [smem:$0x3FFB];
	_ =	sdelay $0x3  }
0x92: {  	_ =	strace s18  }
0x93: {  	s3 =	sld [smem:$0x3FFC];
	_ =	sdelay $0x3  }
0x94: {  	_ =	strace s3  }
0x95: {  	s3 =	sld [smem:$0x3FFD];
	_ =	sdelay $0x3  }
0x96: {  	_ =	strace s3  }
0x97: {  	_ =	strace $0x8FFFFFFF  }
0x98: {  	s19 =	sld [smem:$0x3FDB];
	_ =	sdelay $0x1  }
0x99: {  	s4 =	simm.s32 $_scs_section_size  }
0x9a: {  	s5 =	simm.s32 $_size__tile_overlayer_lowered;
	s6 =	simm.s32 $_tile_overlayer_lowered  }
0x9b: {  	s22 =	simm.s32 $0x1BFF;
	s21 =	sshll.u32 s6, $0x1;
	s3 =	sadd.s32 s4, s19  }
0x9c: {  	s7 =	simm.s32 $0x0;
	s20 =	sshll.u32 s5, $0x1;
	s5 =	sadd.s32 s21, s3  }
0x9d: {  	[timem:s7], [sflag:s22] =	dma.local [hbm:s5], s20  }
0x9e: {  	_ =	swait.ge [sflag:s22], s20  }
0x9f: {  	s4 =	ssub.s32 $0x0, s20;
	[sflag:s22] =	ssyncset.done $0x0  }
0xa0: {  	[sflag:s22] =	ssyncadd.s32 s4;
	_ =	sdelay $0x1  }
0xa1: {  	s23 =	simm.s32 $0x1B8B  }
0xa2: {  	_ =	swait.ge [sflag:s23], $0x1  }
0xa3: {  	[sflag:s23] =	ssyncset.done $0x0  }
0xa4: {  	s25 =	simm.s32 $0x1B8E;
	s24 =	sld [smem:$0x3FFE];
	[sflag:s23] =	ssyncadd.s32 $0xFFFFFFFF  }
0xa5: {  	s26 =	simm.s32 $execute0_lowered;
	[smem:$0x3FD2] =	sst s25  }
0xa6: {  	s5 =	sshll.u32 s26, $0x1;
	_ =	strace $0x8000004C;
	[dreg:$0x1] =	wrdreg $0xFFFFFFFF  }
0xa7: {  	s28 =	simm.s32 $_size_execute0_lowered;
	s3 =	sadd.s32 s3, s5;
	[dreg:$0x0] =	wrdreg $0x0  }
0xa8: {  	s5 =	sshll.u32 s28, $0x1;
	[dreg:$0x2] =	wrdreg s3  }
0xa9: {  	[dreg:$0x3] =	wrdreg s5  }
0xaa: {  	[dreg:$0x4] =	wrdreg $0xC0  }
0xab: {  	_ =	task [dreg:s7], $0x5FFFF  }
0xac: {  	[dreg:$0x1] =	wrdreg $0xFFFFFFFF  }
0xad: {  	[dreg:$0x0] =	wrdreg $0x60  }
0xae: {  	[dreg:$0x2] =	wrdreg s24  }
0xaf: {  	[dreg:$0x3] =	wrdreg s2  }
0xb0: {  	[dreg:$0x4] =	wrdreg $0x24000  }
0xb1: {  	[dreg:$0x5] =	wrdreg $0xC4000  }
0xb2: {  	[dreg:$0x6] =	wrdreg $0x9  }
0xb3: {  	_ =	task.clear_ibuf [dreg:s7], $0x7FFFF;
	_ =	strace $0x9000004C  }
0xb4: {  	s29 =	simm.s32 $0x9;
	_ =	strace $0x8000004E  }
0xb5: {  	_ =	swait.ge [sflag:s29], $0x1  }
0xb6: {  	[sflag:s29] =	ssyncadd.s32 $0xFFFFFFFF  }
0xb7: {  	_ =	strace $0x9000004E  }
0xb8: {  	_ =	sfence  }
0xb9: {  	s30 =	sld [smem:$0x0];
	_ =	sdelay $0x2  }
0xba: {  	s31 =	sshll.u32 s1, $0xD;
	s1 =	sshrl.u32 s1, $0x2  }
0xbb: {  	s3 =	sand.u32 $0x4000, s31;
	s1 =	sadd.s32 s1, s30  }
0xbc: {  	s0 =	sor.u32 s3, s0;
	s1 =	sshll.u32 s1, $0x11  }
0xbd: {  	s0 =	sor.u32 s1, s0  }
0xbe: {  	s0 =	sadd.s32 $0x8F2B, s0  }
0xbf: {  	[sflag:s0] =	ssyncadd.remote.s32 $0x1  }
0xc0: {  	_ =	sfence.sel $0xFFFF  }
0xc1: {  	[dreg:$0x0] =	wrdreg $0xFFFFFFFF;
	(pc) =	sbr.abs _section_cstart, $3  }
0xc2: {  	[dreg:$0x1] =	wrdreg $0xFFFFFFFF  }
0xc3: {  	_ =	task.clear_ibuf [dreg:s7], $0x2FFFF;
	_ =	strace $0x9FFFFFFF  }
0xc4: {  	(tm) =	ssettm $0x7FFFFFFF  }
0xc5: {  	_ =	shalt  }
tec
execute0_lowered:
.L_overlay_start_1:
0x0: {  	(tag) =	ssettag $0x1  }
0x1: {  	s0 =	rddreg [dreg:$0x0]  }
0x2: {  	s1 =	srdreg.scid;
	s13 =	stileid.u32  }
0x3: {  	s3 =	rddreg [dreg:$0x2];
	s6 =	smul.u32 $0x1400, s13  }
0x4: {  	s4 =	rddreg [dreg:$0x3];
	s17 =	smul.u32 $0x13C00, s13  }
0x5: {  	s5 =	simm.s32 $0x0;
	s28 =	simm.s32 $0x400;
	s18 =	smul.u32 $0x4F000, s13  }
0x6: {  	s29 =	simm.s32 $0x380;
	s30 =	simm.s32 $0x3;
	s10 =	smul.u32 $0x28000, s13  }
0x7: {  	s31 =	simm.s32 $0x1400;
	s1 =	sand.u32 $0x1, s1;
	s12 =	smul.u32 $0x14000, s13  }
0x8: {  	[smem:$0x7FF] =	sst s5;
	s8 =	sadd.s32 $0x15E00, s0;
	s2 =	smul.u32 $0x14000, s1  }
0x9: {  	s9 =	sadd.s32 $0x65E00, s0;
	s20 =	sshll.u32 s13, $0x6;
	s7 =	smul.u32 $0x13C000, s1  }
0xa: {  	_ =	strace $0x8000004D;
	s19 =	ssub.s32 $0x2, s1;
	s1 =	smul.u32 $0x140000, s1  }
0xb: {  	s11 =	sshrl.u32 s19, $0x1;
	s10 =	sshrl.u32 s10, $0x2;
	s2 =	sadd.s32 s6, s2  }
0xc: {  	s6 =	sadd.s32 s17, s7;
	s7 =	sshrl.u32 s18, $0x2;
	s1 =	sadd.s32 s12, s1  }
0xd: {  	s10 =	sadd.s32 s10, s3;
	s2 =	sadd.s32 s2, s0;
	s6 =	sshrl.u32 s6, $0x3  }
0xe: {  	s7 =	sadd.s32 s7, s4;
	s21 =	sshrl.u32 s1, $0x3;
	s14 =	sor.u32 $0x300, s1  }
0xf: {  	s15 =	sor.u32 $0x280, s1;
	[dreg:$0xe] =	wrdreg s7;
	s2 =	sadd.s32 $0xB5E00, s2  }
0x10: {  	s0 =	sadd.s32 s6, s0;
	s22 =	sadd.s32 s8, s21;
	[dreg:$0xf] =	wrdreg s2  }
0x11: {  	s23 =	sadd.s32 s9, s21;
	s24 =	sor.u32 $0x10, s21;
	[dreg:$0x10] =	wrdreg s22  }
0x12: {  	s6 =	ssub.s32 s19, s11;
	[dreg:$0x11] =	wrdreg s23;
	s25 =	sadd.s32 s8, s24  }
0x13: {  	s12 =	sshrl.u32 s14, $0x3;
	s11 =	sadd.s32 s9, s24;
	[dreg:$0x12] =	wrdreg s25  }
0x14: {  	s17 =	sor.u32 $0x200, s1;
	s13 =	sadd.s32 s12, s9;
	[dreg:$0x13] =	wrdreg s11  }
0x15: {  	s15 =	sshrl.u32 s15, $0x3;
	s14 =	sadd.s32 s12, s8;
	[dreg:$0x5] =	wrdreg s13  }
0x16: {  	s1 =	sor.u32 $0x180, s1;
	s16 =	sadd.s32 s15, s9;
	[dreg:$0x6] =	wrdreg s14  }
0x17: {  	s19 =	sshrl.u32 s17, $0x3;
	s18 =	sadd.s32 s15, s8;
	[dreg:$0x7] =	wrdreg s16  }
0x18: {  	s7 =	sor.u32 $0x1C07, s20;
	s20 =	sadd.s32 s19, s9;
	[dreg:$0x8] =	wrdreg s18  }
0x19: {  	s1 =	sshrl.u32 s1, $0x3;
	s0 =	sadd.s32 $0xDDE00, s0;
	[dreg:$0x9] =	wrdreg s20  }
0x1a: {  	s2 =	sor.u32 $0x20, s21;
	s21 =	sadd.s32 s19, s8;
	[dreg:$0x16] =	wrdreg s0  }
0x1b: {  	s17 =	simm.s32 $0x7;
	s23 =	smax.u32 s6, $0x1;
	[dreg:$0xa] =	wrdreg s21  }
0x1c: {  	s22 =	sadd.s32 s1, s9;
	s24 =	sadd.s32 s1, s8;
	[dreg:$0x17] =	wrdreg s23  }
0x1d: {  	s19 =	simm.s32 $0x200;
	s1 =	simm.s32 $0x6;
	[dreg:$0xb] =	wrdreg s22  }
0x1e: {  	s26 =	sadd.s32 s8, s2;
	s2 =	sadd.s32 s9, s2;
	[dreg:$0xc] =	wrdreg s24  }
0x1f: {  	s25 =	sshrl.u32 s10, $0x3;
	s20 =	simm.s32 $0x80;
	s21 =	simm.s32 $0x280  }
0x20: {  	s22 =	simm.s32 $0x100;
	s24 =	simm.s32 $0x1;
	[dreg:$0x14] =	wrdreg s26  }
0x21: {  	s0 =	simm.s32 $0x4;
	s23 =	simm.s32 $0x0;
	[dreg:$0x15] =	wrdreg s2  }
0x22: {  	[dreg:$0x18] =	wrdreg s25;
	s26 =	simm.s32 $0x180;
	s25 =	simm.s32 $0x2  }
0x23: {  	s2 =	simm.s32 $0x5;
	[dreg:$0xd] =	wrdreg s26;
	s26 =	simm.s32 $0x20  }
.LBB2_1:
0x24: {  	s6 =	rddreg [dreg:$0xe]  }
0x25: {  	s8 =	rddreg [dreg:$0x1];
	s6 =	sshrl.u32 s6, $0x3  }
0x26: {  	[spmem:s6], [sflag:s7] =	dma.local [hbm:s8], $0x2780  }
0x27: {  	_ =	swait.ge [sflag:s17], $0x2780  }
0x28: {  	[sflag:s17] =	ssyncset.done $0x0;
	s16 =	rddreg [dreg:$0xf]  }
0x29: {  	s9 =	rddreg [dreg:$0x18];
	[sflag:s17] =	ssyncadd.s32 $0xFFFFD880  }
0x2a: {  	[spmem:s9], [sflag:s7] =	dma.local [hbm:s16], $0x1400  }
0x2b: {  	_ =	swait.ge [sflag:s17], $0x1400  }
0x2c: {  	[sflag:s17] =	ssyncset.done $0x0  }
0x2d: {  	[sflag:s17] =	ssyncadd.s32 $0xFFFFEC00  }
0x2e: {  	[bflag:$0x0] =	sbarrier.arrive $0xFFFF  }
0x2f: {  	s18 =	rddreg [dreg:$0x10]  }
0x30: {  	[tilespmem:s5], [sflag:$0x1] =	stream.linear.gather [hbm4b:s18+s5], $0x80, $0x38;
	v63 =	vld [tilespmem:$0x0]  }
0x31: {  	s9 =	rddreg [dreg:$0x11]  }
0x32: {  	[tilespmem:s19], [sflag:$0x1] =	stream.linear.gather [hbm4b:s9+s5], $0x80, $0x38;
	v63 =	vld [tilespmem:$0x0]  }
0x33: {  	s10 =	rddreg [dreg:$0x12]  }
0x34: {  	[tilespmem:s20], [sflag:$0x2] =	stream.linear.gather [hbm4b:s10+s5], $0x80, $0x38;
	v63 =	vld [tilespmem:$0x0]  }
0x35: {  	s11 =	rddreg [dreg:$0x13]  }
0x36: {  	[tilespmem:s21], [sflag:$0x2] =	stream.linear.gather [hbm4b:s11+s5], $0x80, $0x38;
	v63 =	vld [tilespmem:$0x0]  }
0x37: {  	s12 =	rddreg [dreg:$0x14]  }
0x38: {  	[tilespmem:s22], [sflag:$0x3] =	stream.linear.gather [hbm4b:s12+s5], $0x80, $0x38;
	v63 =	vld [tilespmem:$0x0]  }
0x39: {  	s14 =	simm.s32 $0x300;
	s13 =	rddreg [dreg:$0x15]  }
0x3a: {  	[tilespmem:s14], [sflag:$0x3] =	stream.linear.gather [hbm4b:s13+s5], $0x80, $0x38;
	v63 =	vld [tilespmem:$0x0]  }
0x3b: {  	_ =	swait.ge [sflag:s24], $0x80  }
0x3c: {  	[sflag:s24] =	ssyncset.done $0x0  }
0x3d: {  	[sflag:s24] =	ssyncadd.s32 $0xFFFFFF80  }
0x3e: {  	_ =	swait.ge [sflag:s24], $0x80  }
0x3f: {  	[sflag:s24] =	ssyncset.done $0x0  }
0x40: {  	[sflag:s24] =	ssyncadd.s32 $0xFFFFFF80  }
0x41: {  	_ =	swait.ge [sflag:s25], $0x80  }
0x42: {  	[sflag:s25] =	ssyncset.done $0x0  }
0x43: {  	[sflag:s25] =	ssyncadd.s32 $0xFFFFFF80  }
0x44: {  	_ =	swait.ge [sflag:s25], $0x80  }
0x45: {  	[sflag:s25] =	ssyncset.done $0x0;
	s15 =	rddreg [dreg:$0xc]  }
0x46: {  	s16 =	rddreg [dreg:$0xd];
	[sflag:s25] =	ssyncadd.s32 $0xFFFFFF80  }
0x47: {  	[tilespmem:s28], [sflag:$0x5] =	stream.indirect.gather [spmem:s3], $0x80, s5, s26, $0xb8;
	v63 =	vld [tilespmem:$0x0]  }
0x48: {  	s10 =	rddreg [dreg:$0xb];
	s8 =	sadd.s32 $0x0, s15  }
0x49: {  	[tilespmem:s16], [sflag:$0x4] =	stream.linear.gather [hbm4b:s8+s5], $0x80, $0x38;
	v63 =	vld [tilespmem:$0x0]  }
0x4a: {  	s18 =	sadd.s32 $0x0, s10  }
0x4b: {  	[tilespmem:s29], [sflag:$0x4] =	stream.linear.gather [hbm4b:s18+s5], $0x80, $0x38;
	v63 =	vld [tilespmem:$0x0]  }
0x4c: {  	_ =	swait.ge [sflag:s30], $0x80  }
0x4d: {  	[sflag:s30] =	ssyncset.done $0x0  }
0x4e: {  	[sflag:s30] =	ssyncadd.s32 $0xFFFFFF80  }
0x4f: {  	_ =	swait.ge [sflag:s30], $0x80  }
0x50: {  	[sflag:s30] =	ssyncset.done $0x0  }
0x51: {  	[sflag:s30] =	ssyncadd.s32 $0xFFFFFF80  }
0x52: {  	[tilespmem:s31], [sflag:$0x6] =	stream.indirect.gather [spmem:s3], $0x80, s20, s26, $0xb8;
	v63 =	vld [tilespmem:$0x0]  }
0x53: {  	_ =	swait.ge [sflag:s2], $0x1000  }
0x54: {  	[sflag:s2] =	ssyncset.done $0x0  }
0x55: {  	[sflag:s2] =	ssyncadd.s32 $0xFFFFF000  }
0x56: {  	[spmem:s4] =	stream.indirect.scatter.add.f32 [tilespmem:s28], [sflag:$0x7], $0x80, s19, s26, $0xb8;
	v63 =	vld [tilespmem:$0x0]  }
0x57: {  	_ =	swait.ge [sflag:s17], $0x1000  }
0x58: {  	s8 =	rddreg [dreg:$0xa]  }
0x59: {  	p0 =	por $0x0, $0x0;
	[sflag:s17] =	ssyncset.done $0x0;
	s9 =	rddreg [dreg:$0x9]  }
0x5a: {  	[sflag:s17] =	ssyncadd.s32 $0xFFFFF000;
	s10 =	sadd.s32 @!p0 $0x0, s8;
	s8 =	simm.s32 @!p0 $0x0  }
0x5b: {  	[tilespmem:s8], [sflag:$0x1] =	stream.linear.gather @!p0 [hbm4b:s10+s8], $0x80, $0x38;
	v63 =	vld [tilespmem:$0x0]  }
0x5c: {  	s9 =	sadd.s32 @!p0 $0x0, s9;
	s10 =	simm.s32 @!p0 $0x200  }
0x5d: {  	[tilespmem:s10], [sflag:$0x1] =	stream.linear.gather @!p0 [hbm4b:s9+s8], $0x80, $0x38;
	v63 =	vld [tilespmem:$0x0]  }
0x5e: {  	_ =	swait.ge [sflag:s0], $0x80  }
0x5f: {  	[sflag:s0] =	ssyncset.done $0x0  }
0x60: {  	[sflag:s0] =	ssyncadd.s32 $0xFFFFFF80  }
0x61: {  	_ =	swait.ge [sflag:s0], $0x80  }
0x62: {  	[sflag:s0] =	ssyncset.done $0x0  }
0x63: {  	[sflag:s0] =	ssyncadd.s32 $0xFFFFFF80  }
0x64: {  	[tilespmem:s28], [sflag:$0x5] =	stream.indirect.gather [spmem:s3], $0x80, s22, s26, $0xb8;
	v63 =	vld [tilespmem:$0x0]  }
0x65: {  	_ =	swait.ge [sflag:s1], $0x1000  }
0x66: {  	[sflag:s1] =	ssyncset.done $0x0  }
0x67: {  	[sflag:s1] =	ssyncadd.s32 $0xFFFFF000  }
0x68: {  	[spmem:s4] =	stream.indirect.scatter.add.f32 [tilespmem:s31], [sflag:$0x7], $0x80, s21, s26, $0xb8;
	v63 =	vld [tilespmem:$0x0]  }
0x69: {  	_ =	swait.ge [sflag:s17], $0x1000  }
0x6a: {  	s11 =	simm.s32 @p0 $0x20;
	s12 =	simm.s32 @p0 $0x180;
	[sflag:s17] =	ssyncset.done $0x0  }
0x6b: {  	s9 =	simm.s32 @p0 $0x1400;
	s10 =	simm.s32 @p0 $0x5;
	[sflag:s17] =	ssyncadd.s32 $0xFFFFF000  }
0x6c: {  	[tilespmem:s9], [sflag:$0x6] =	stream.indirect.gather @p0 [spmem:s3], $0x80, s12, s11, $0xb8;
	v63 =	vld [tilespmem:$0x0]  }
0x6d: {  	_ =	swait.ge @p0 [sflag:s10], $0x1000  }
0x6e: {  	s9 =	simm.s32 @p0 $0x7;
	[sflag:s10] =	ssyncset.done @p0 $0x0  }
0x6f: {  	s12 =	simm.s32 @p0 $0x400;
	[sflag:s10] =	ssyncadd.s32 @p0 $0xFFFFF000;
	s10 =	simm.s32 @p0 $0x300  }
0x70: {  	[spmem:s4] =	stream.indirect.scatter.add.f32 @p0 [tilespmem:s12], [sflag:$0x7], $0x80, s10, s11, $0xb8;
	v63 =	vld [tilespmem:$0x0]  }
0x71: {  	_ =	swait.ge @p0 [sflag:s9], $0x1000  }
0x72: {  	s10 =	rddreg [dreg:$0x8]  }
0x73: {  	[sflag:s9] =	ssyncset.done @p0 $0x0;
	s11 =	rddreg [dreg:$0x7]  }
0x74: {  	[sflag:s9] =	ssyncadd.s32 @p0 $0xFFFFF000;
	s9 =	sadd.s32 @!p0 $0x0, s10;
	s10 =	simm.s32 @!p0 $0x80  }
0x75: {  	[tilespmem:s10], [sflag:$0x2] =	stream.linear.gather @!p0 [hbm4b:s9+s8], $0x80, $0x38;
	v63 =	vld [tilespmem:$0x0]  }
0x76: {  	s9 =	sadd.s32 @!p0 $0x0, s11;
	s10 =	simm.s32 @!p0 $0x280;
	s11 =	simm.s32 @!p0 $0x1  }
0x77: {  	[tilespmem:s10], [sflag:$0x2] =	stream.linear.gather @!p0 [hbm4b:s9+s8], $0x80, $0x38;
	v63 =	vld [tilespmem:$0x0]  }
0x78: {  	_ =	swait.ge @!p0 [sflag:s11], $0x80  }
0x79: {  	[sflag:s11] =	ssyncset.done @!p0 $0x0  }
0x7a: {  	[sflag:s11] =	ssyncadd.s32 @!p0 $0xFFFFFF80  }
0x7b: {  	_ =	swait.ge @!p0 [sflag:s11], $0x80  }
0x7c: {  	s12 =	simm.s32 @!p0 $0x180;
	s9 =	simm.s32 @!p0 $0x1400;
	[sflag:s11] =	ssyncset.done @!p0 $0x0  }
0x7d: {  	s10 =	simm.s32 @!p0 $0x5;
	[sflag:s11] =	ssyncadd.s32 @!p0 $0xFFFFFF80;
	s11 =	simm.s32 @!p0 $0x20  }
0x7e: {  	[tilespmem:s9], [sflag:$0x6] =	stream.indirect.gather @!p0 [spmem:s3], $0x80, s12, s11, $0xb8;
	v63 =	vld [tilespmem:$0x0]  }
0x7f: {  	_ =	swait.ge @!p0 [sflag:s10], $0x1000  }
0x80: {  	s9 =	simm.s32 @!p0 $0x7;
	[sflag:s10] =	ssyncset.done @!p0 $0x0  }
0x81: {  	s12 =	simm.s32 @!p0 $0x400;
	[sflag:s10] =	ssyncadd.s32 @!p0 $0xFFFFF000;
	s10 =	simm.s32 @!p0 $0x300  }
0x82: {  	[spmem:s4] =	stream.indirect.scatter.add.f32 @!p0 [tilespmem:s12], [sflag:$0x7], $0x80, s10, s11, $0xb8;
	v63 =	vld [tilespmem:$0x0]  }
0x83: {  	_ =	swait.ge @!p0 [sflag:s9], $0x1000  }
0x84: {  	s13 =	rddreg [dreg:$0x6]  }
0x85: {  	[sflag:s9] =	ssyncset.done @!p0 $0x0;
	s14 =	rddreg [dreg:$0x5]  }
0x86: {  	[sflag:s9] =	ssyncadd.s32 @!p0 $0xFFFFF000;
	s9 =	sadd.s32 @!p0 $0x0, s13;
	s13 =	simm.s32 @!p0 $0x100  }
0x87: {  	[tilespmem:s13], [sflag:$0x3] =	stream.linear.gather @!p0 [hbm4b:s9+s8], $0x80, $0x38;
	v63 =	vld [tilespmem:$0x0]  }
0x88: {  	s9 =	sadd.s32 @!p0 $0x0, s14  }
0x89: {  	[tilespmem:s10], [sflag:$0x3] =	stream.linear.gather @!p0 [hbm4b:s9+s8], $0x80, $0x38;
	v63 =	vld [tilespmem:$0x0]  }
0x8a: {  	s9 =	simm.s32 @!p0 $0x2  }
0x8b: {  	_ =	swait.ge @!p0 [sflag:s9], $0x80  }
0x8c: {  	[sflag:s9] =	ssyncset.done @!p0 $0x0  }
0x8d: {  	[sflag:s9] =	ssyncadd.s32 @!p0 $0xFFFFFF80  }
0x8e: {  	_ =	swait.ge @!p0 [sflag:s9], $0x80  }
0x8f: {  	[sflag:s9] =	ssyncset.done @!p0 $0x0  }
0x90: {  	[sflag:s9] =	ssyncadd.s32 @!p0 $0xFFFFFF80  }
0x91: {  	[tilespmem:s12], [sflag:$0x5] =	stream.indirect.gather @!p0 [spmem:s3], $0x80, s8, s11, $0xb8;
	v63 =	vld [tilespmem:$0x0]  }
0x92: {  	_ =	swait.ge [sflag:s1], $0x1000  }
0x93: {  	[sflag:s1] =	ssyncset.done $0x0  }
0x94: {  	[sflag:s1] =	ssyncadd.s32 $0xFFFFF000  }
0x95: {  	[spmem:s4] =	stream.indirect.scatter.add.f32 [tilespmem:s31], [sflag:$0x7], $0x80, s29, s26, $0xb8;
	v63 =	vld [tilespmem:$0x0]  }
0x96: {  	s9 =	simm.s32 $0x80;
	_ =	swait.ge [sflag:s17], $0x1000  }
0x97: {  	s8 =	simm.s32 $0x40;
	s11 =	rddreg [dreg:$0xc];
	[sflag:s17] =	ssyncset.done $0x0  }
.LBB2_2:
0x98: {  	s12 =	rddreg [dreg:$0xd]  }
0x99: {  	[sflag:s17] =	ssyncadd.s32 $0xFFFFF000;
	s13 =	rddreg [dreg:$0xb];
	s11 =	sadd.s32 s8, s11  }
0x9a: {  	[tilespmem:s12], [sflag:$0x4] =	stream.linear.gather [hbm4b:s11+s5], $0x80, $0x38;
	v63 =	vld [tilespmem:$0x0]  }
0x9b: {  	s18 =	sadd.s32 s8, s13  }
0x9c: {  	[tilespmem:s29], [sflag:$0x4] =	stream.linear.gather [hbm4b:s18+s5], $0x80, $0x38;
	v63 =	vld [tilespmem:$0x0]  }
0x9d: {  	_ =	swait.ge [sflag:s30], $0x80  }
0x9e: {  	[sflag:s30] =	ssyncset.done $0x0  }
0x9f: {  	[sflag:s30] =	ssyncadd.s32 $0xFFFFFF80  }
0xa0: {  	_ =	swait.ge [sflag:s30], $0x80  }
0xa1: {  	[sflag:s30] =	ssyncset.done $0x0  }
0xa2: {  	[sflag:s30] =	ssyncadd.s32 $0xFFFFFF80  }
0xa3: {  	[tilespmem:s31], [sflag:$0x6] =	stream.indirect.gather [spmem:s3], $0x80, s20, s26, $0xb8;
	v63 =	vld [tilespmem:$0x0]  }
0xa4: {  	_ =	swait.ge [sflag:s2], $0x1000  }
0xa5: {  	[sflag:s2] =	ssyncset.done $0x0  }
0xa6: {  	[sflag:s2] =	ssyncadd.s32 $0xFFFFF000  }
0xa7: {  	[spmem:s4] =	stream.indirect.scatter.add.f32 [tilespmem:s28], [sflag:$0x7], $0x80, s19, s26, $0xb8;
	v63 =	vld [tilespmem:$0x0]  }
0xa8: {  	_ =	swait.ge [sflag:s17], $0x1000  }
0xa9: {  	s11 =	rddreg [dreg:$0xa]  }
0xaa: {  	p1 =	seq.s32 s8, $0x27C0;
	[sflag:s17] =	ssyncset.done $0x0;
	s12 =	rddreg [dreg:$0x9]  }
0xab: {  	[sflag:s17] =	ssyncadd.s32 $0xFFFFF000;
	s13 =	sadd.s32 @!p1 s8, s11;
	s11 =	simm.s32 @!p1 $0x0  }
0xac: {  	[tilespmem:s11], [sflag:$0x1] =	stream.linear.gather @!p1 [hbm4b:s13+s11], $0x80, $0x38;
	v63 =	vld [tilespmem:$0x0]  }
0xad: {  	s12 =	sadd.s32 @!p1 s8, s12;
	s13 =	simm.s32 @!p1 $0x200  }
0xae: {  	[tilespmem:s13], [sflag:$0x1] =	stream.linear.gather @!p1 [hbm4b:s12+s11], $0x80, $0x38;
	v63 =	vld [tilespmem:$0x0]  }
0xaf: {  	_ =	swait.ge [sflag:s0], $0x80  }
0xb0: {  	[sflag:s0] =	ssyncset.done $0x0  }
0xb1: {  	[sflag:s0] =	ssyncadd.s32 $0xFFFFFF80  }
0xb2: {  	_ =	swait.ge [sflag:s0], $0x80  }
0xb3: {  	[sflag:s0] =	ssyncset.done $0x0  }
0xb4: {  	[sflag:s0] =	ssyncadd.s32 $0xFFFFFF80  }
0xb5: {  	[tilespmem:s28], [sflag:$0x5] =	stream.indirect.gather [spmem:s3], $0x80, s22, s26, $0xb8;
	v63 =	vld [tilespmem:$0x0]  }
0xb6: {  	_ =	swait.ge [sflag:s1], $0x1000  }
0xb7: {  	[sflag:s1] =	ssyncset.done $0x0  }
0xb8: {  	[sflag:s1] =	ssyncadd.s32 $0xFFFFF000  }
0xb9: {  	[spmem:s4] =	stream.indirect.scatter.add.f32 [tilespmem:s31], [sflag:$0x7], $0x80, s21, s26, $0xb8;
	v63 =	vld [tilespmem:$0x0]  }
0xba: {  	_ =	swait.ge [sflag:s17], $0x1000  }
0xbb: {  	s14 =	simm.s32 @p1 $0x20;
	s15 =	simm.s32 @p1 $0x180;
	[sflag:s17] =	ssyncset.done $0x0  }
0xbc: {  	s12 =	simm.s32 @p1 $0x1400;
	s13 =	simm.s32 @p1 $0x5;
	[sflag:s17] =	ssyncadd.s32 $0xFFFFF000  }
0xbd: {  	[tilespmem:s12], [sflag:$0x6] =	stream.indirect.gather @p1 [spmem:s3], $0x80, s15, s14, $0xb8;
	v63 =	vld [tilespmem:$0x0]  }
0xbe: {  	_ =	swait.ge @p1 [sflag:s13], $0x1000  }
0xbf: {  	s12 =	simm.s32 @p1 $0x7;
	[sflag:s13] =	ssyncset.done @p1 $0x0  }
0xc0: {  	s15 =	simm.s32 @p1 $0x400;
	[sflag:s13] =	ssyncadd.s32 @p1 $0xFFFFF000;
	s13 =	simm.s32 @p1 $0x300  }
0xc1: {  	[spmem:s4] =	stream.indirect.scatter.add.f32 @p1 [tilespmem:s15], [sflag:$0x7], $0x80, s13, s14, $0xb8;
	v63 =	vld [tilespmem:$0x0]  }
0xc2: {  	_ =	swait.ge @p1 [sflag:s12], $0x1000  }
0xc3: {  	s13 =	rddreg [dreg:$0x8]  }
0xc4: {  	[sflag:s12] =	ssyncset.done @p1 $0x0;
	s14 =	rddreg [dreg:$0x7]  }
0xc5: {  	[sflag:s12] =	ssyncadd.s32 @p1 $0xFFFFF000;
	s12 =	sadd.s32 @!p1 s8, s13;
	s13 =	simm.s32 @!p1 $0x80  }
0xc6: {  	[tilespmem:s13], [sflag:$0x2] =	stream.linear.gather @!p1 [hbm4b:s12+s11], $0x80, $0x38;
	v63 =	vld [tilespmem:$0x0]  }
0xc7: {  	s12 =	sadd.s32 @!p1 s8, s14;
	s13 =	simm.s32 @!p1 $0x280;
	s14 =	simm.s32 @!p1 $0x1  }
0xc8: {  	[tilespmem:s13], [sflag:$0x2] =	stream.linear.gather @!p1 [hbm4b:s12+s11], $0x80, $0x38;
	v63 =	vld [tilespmem:$0x0]  }
0xc9: {  	_ =	swait.ge @!p1 [sflag:s14], $0x80  }
0xca: {  	[sflag:s14] =	ssyncset.done @!p1 $0x0  }
0xcb: {  	[sflag:s14] =	ssyncadd.s32 @!p1 $0xFFFFFF80  }
0xcc: {  	_ =	swait.ge @!p1 [sflag:s14], $0x80  }
0xcd: {  	s15 =	simm.s32 @!p1 $0x180;
	s12 =	simm.s32 @!p1 $0x1400;
	[sflag:s14] =	ssyncset.done @!p1 $0x0  }
0xce: {  	s13 =	simm.s32 @!p1 $0x5;
	[sflag:s14] =	ssyncadd.s32 @!p1 $0xFFFFFF80;
	s14 =	simm.s32 @!p1 $0x20  }
0xcf: {  	[tilespmem:s12], [sflag:$0x6] =	stream.indirect.gather @!p1 [spmem:s3], $0x80, s15, s14, $0xb8;
	v63 =	vld [tilespmem:$0x0]  }
0xd0: {  	_ =	swait.ge @!p1 [sflag:s13], $0x1000  }
0xd1: {  	s12 =	simm.s32 @!p1 $0x7;
	[sflag:s13] =	ssyncset.done @!p1 $0x0  }
0xd2: {  	s15 =	simm.s32 @!p1 $0x400;
	[sflag:s13] =	ssyncadd.s32 @!p1 $0xFFFFF000;
	s13 =	simm.s32 @!p1 $0x300  }
0xd3: {  	[spmem:s4] =	stream.indirect.scatter.add.f32 @!p1 [tilespmem:s15], [sflag:$0x7], $0x80, s13, s14, $0xb8;
	v63 =	vld [tilespmem:$0x0]  }
0xd4: {  	_ =	swait.ge @!p1 [sflag:s12], $0x1000  }
0xd5: {  	s16 =	rddreg [dreg:$0x6]  }
0xd6: {  	[sflag:s12] =	ssyncset.done @!p1 $0x0;
	s18 =	rddreg [dreg:$0x5]  }
0xd7: {  	[sflag:s12] =	ssyncadd.s32 @!p1 $0xFFFFF000;
	s12 =	sadd.s32 @!p1 s8, s16;
	s16 =	simm.s32 @!p1 $0x100  }
0xd8: {  	[tilespmem:s16], [sflag:$0x3] =	stream.linear.gather @!p1 [hbm4b:s12+s11], $0x80, $0x38;
	v63 =	vld [tilespmem:$0x0]  }
0xd9: {  	s12 =	sadd.s32 @!p1 s8, s18;
	s16 =	simm.s32 @!p1 $0x2  }
0xda: {  	[tilespmem:s13], [sflag:$0x3] =	stream.linear.gather @!p1 [hbm4b:s12+s11], $0x80, $0x38;
	v63 =	vld [tilespmem:$0x0]  }
0xdb: {  	_ =	swait.ge @!p1 [sflag:s16], $0x80  }
0xdc: {  	[sflag:s16] =	ssyncset.done @!p1 $0x0  }
0xdd: {  	[sflag:s16] =	ssyncadd.s32 @!p1 $0xFFFFFF80  }
0xde: {  	_ =	swait.ge @!p1 [sflag:s16], $0x80  }
0xdf: {  	[sflag:s16] =	ssyncset.done @!p1 $0x0  }
0xe0: {  	s10 =	smov.u32 s9;
	s9 =	sadd.s32 $0x40, s9;
	[sflag:s16] =	ssyncadd.s32 @!p1 $0xFFFFFF80  }
0xe1: {  	[tilespmem:s15], [sflag:$0x5] =	stream.indirect.gather @!p1 [spmem:s3], $0x80, s11, s14, $0xb8;
	v63 =	vld [tilespmem:$0x0]  }
0xe2: {  	p0 =	sne.s32 s9, $0x2800;
	_ =	swait.ge [sflag:s1], $0x1000  }
.Ltmp0:
0xe3: {  	[sflag:s1] =	ssyncset.done $0x0;
	(pc) =	sbr.rel @p0 .LBB2_2-.Ltmp0, $4  }
0xe4: {  	[sflag:s1] =	ssyncadd.s32 $0xFFFFF000  }
0xe5: {  	[spmem:s4] =	stream.indirect.scatter.add.f32 [tilespmem:s31], [sflag:$0x7], $0x80, s29, s26, $0xb8;
	v63 =	vld [tilespmem:$0x0]  }
0xe6: {  	_ =	swait.ge [sflag:s17], $0x1000  }
0xe7: {  	s8 =	smov.u32 s10;
	s11 =	rddreg [dreg:$0xc];
	[sflag:s17] =	ssyncset.done $0x0  }
0xe8: {  	s9 =	rddreg [dreg:$0xd]  }
0xe9: {  	s10 =	rddreg [dreg:$0xb];
	[sflag:s17] =	ssyncadd.s32 $0xFFFFF000;
	s11 =	sadd.s32 s8, s11  }
0xea: {  	[tilespmem:s9], [sflag:$0x4] =	stream.linear.gather [hbm4b:s11+s5], $0x80, $0x38;
	v63 =	vld [tilespmem:$0x0]  }
0xeb: {  	s15 =	sadd.s32 s8, s10  }
0xec: {  	[tilespmem:s29], [sflag:$0x4] =	stream.linear.gather [hbm4b:s15+s5], $0x80, $0x38;
	v63 =	vld [tilespmem:$0x0]  }
0xed: {  	_ =	swait.ge [sflag:s30], $0x80  }
0xee: {  	[sflag:s30] =	ssyncset.done $0x0  }
0xef: {  	[sflag:s30] =	ssyncadd.s32 $0xFFFFFF80  }
0xf0: {  	_ =	swait.ge [sflag:s30], $0x80  }
0xf1: {  	[sflag:s30] =	ssyncset.done $0x0  }
0xf2: {  	[sflag:s30] =	ssyncadd.s32 $0xFFFFFF80  }
0xf3: {  	[tilespmem:s31], [sflag:$0x6] =	stream.indirect.gather [spmem:s3], $0x80, s20, s26, $0xb8;
	v63 =	vld [tilespmem:$0x0]  }
0xf4: {  	_ =	swait.ge [sflag:s2], $0x1000  }
0xf5: {  	[sflag:s2] =	ssyncset.done $0x0  }
0xf6: {  	[sflag:s2] =	ssyncadd.s32 $0xFFFFF000  }
0xf7: {  	[spmem:s4] =	stream.indirect.scatter.add.f32 [tilespmem:s28], [sflag:$0x7], $0x80, s19, s26, $0xb8;
	v63 =	vld [tilespmem:$0x0]  }
0xf8: {  	_ =	swait.ge [sflag:s17], $0x1000  }
0xf9: {  	s9 =	rddreg [dreg:$0xa]  }
0xfa: {  	p0 =	seq.s32 s8, $0x27C0;
	[sflag:s17] =	ssyncset.done $0x0;
	s10 =	rddreg [dreg:$0x9]  }
0xfb: {  	[sflag:s17] =	ssyncadd.s32 $0xFFFFF000;
	s11 =	sadd.s32 @!p0 s8, s9;
	s9 =	simm.s32 @!p0 $0x0  }
0xfc: {  	[tilespmem:s9], [sflag:$0x1] =	stream.linear.gather @!p0 [hbm4b:s11+s9], $0x80, $0x38;
	v63 =	vld [tilespmem:$0x0]  }
0xfd: {  	s10 =	sadd.s32 @!p0 s8, s10;
	s11 =	simm.s32 @!p0 $0x200  }
0xfe: {  	[tilespmem:s11], [sflag:$0x1] =	stream.linear.gather @!p0 [hbm4b:s10+s9], $0x80, $0x38;
	v63 =	vld [tilespmem:$0x0]  }
0xff: {  	_ =	swait.ge [sflag:s0], $0x80  }
0x100: {  	[sflag:s0] =	ssyncset.done $0x0  }
0x101: {  	[sflag:s0] =	ssyncadd.s32 $0xFFFFFF80  }
0x102: {  	_ =	swait.ge [sflag:s0], $0x80  }
0x103: {  	[sflag:s0] =	ssyncset.done $0x0  }
0x104: {  	[sflag:s0] =	ssyncadd.s32 $0xFFFFFF80  }
0x105: {  	[tilespmem:s28], [sflag:$0x5] =	stream.indirect.gather [spmem:s3], $0x80, s22, s26, $0xb8;
	v63 =	vld [tilespmem:$0x0]  }
0x106: {  	_ =	swait.ge [sflag:s1], $0x1000  }
0x107: {  	[sflag:s1] =	ssyncset.done $0x0  }
0x108: {  	[sflag:s1] =	ssyncadd.s32 $0xFFFFF000  }
0x109: {  	[spmem:s4] =	stream.indirect.scatter.add.f32 [tilespmem:s31], [sflag:$0x7], $0x80, s21, s26, $0xb8;
	v63 =	vld [tilespmem:$0x0]  }
0x10a: {  	_ =	swait.ge [sflag:s17], $0x1000  }
0x10b: {  	s12 =	simm.s32 @p0 $0x20;
	s13 =	simm.s32 @p0 $0x180;
	[sflag:s17] =	ssyncset.done $0x0  }
0x10c: {  	s10 =	simm.s32 @p0 $0x1400;
	s11 =	simm.s32 @p0 $0x5;
	[sflag:s17] =	ssyncadd.s32 $0xFFFFF000  }
0x10d: {  	[tilespmem:s10], [sflag:$0x6] =	stream.indirect.gather @p0 [spmem:s3], $0x80, s13, s12, $0xb8;
	v63 =	vld [tilespmem:$0x0]  }
0x10e: {  	_ =	swait.ge @p0 [sflag:s11], $0x1000  }
0x10f: {  	s10 =	simm.s32 @p0 $0x7;
	[sflag:s11] =	ssyncset.done @p0 $0x0  }
0x110: {  	s13 =	simm.s32 @p0 $0x400;
	[sflag:s11] =	ssyncadd.s32 @p0 $0xFFFFF000;
	s11 =	simm.s32 @p0 $0x300  }
0x111: {  	[spmem:s4] =	stream.indirect.scatter.add.f32 @p0 [tilespmem:s13], [sflag:$0x7], $0x80, s11, s12, $0xb8;
	v63 =	vld [tilespmem:$0x0]  }
0x112: {  	_ =	swait.ge @p0 [sflag:s10], $0x1000  }
0x113: {  	s11 =	rddreg [dreg:$0x8]  }
0x114: {  	[sflag:s10] =	ssyncset.done @p0 $0x0;
	s12 =	rddreg [dreg:$0x7]  }
0x115: {  	[sflag:s10] =	ssyncadd.s32 @p0 $0xFFFFF000;
	s10 =	sadd.s32 @!p0 s8, s11;
	s11 =	simm.s32 @!p0 $0x80  }
0x116: {  	[tilespmem:s11], [sflag:$0x2] =	stream.linear.gather @!p0 [hbm4b:s10+s9], $0x80, $0x38;
	v63 =	vld [tilespmem:$0x0]  }
0x117: {  	s10 =	sadd.s32 @!p0 s8, s12;
	s11 =	simm.s32 @!p0 $0x280;
	s12 =	simm.s32 @!p0 $0x1  }
0x118: {  	[tilespmem:s11], [sflag:$0x2] =	stream.linear.gather @!p0 [hbm4b:s10+s9], $0x80, $0x38;
	v63 =	vld [tilespmem:$0x0]  }
0x119: {  	_ =	swait.ge @!p0 [sflag:s12], $0x80  }
0x11a: {  	[sflag:s12] =	ssyncset.done @!p0 $0x0  }
0x11b: {  	[sflag:s12] =	ssyncadd.s32 @!p0 $0xFFFFFF80  }
0x11c: {  	_ =	swait.ge @!p0 [sflag:s12], $0x80  }
0x11d: {  	s13 =	simm.s32 @!p0 $0x180;
	s10 =	simm.s32 @!p0 $0x1400;
	[sflag:s12] =	ssyncset.done @!p0 $0x0  }
0x11e: {  	s11 =	simm.s32 @!p0 $0x5;
	[sflag:s12] =	ssyncadd.s32 @!p0 $0xFFFFFF80;
	s12 =	simm.s32 @!p0 $0x20  }
0x11f: {  	[tilespmem:s10], [sflag:$0x6] =	stream.indirect.gather @!p0 [spmem:s3], $0x80, s13, s12, $0xb8;
	v63 =	vld [tilespmem:$0x0]  }
0x120: {  	_ =	swait.ge @!p0 [sflag:s11], $0x1000  }
0x121: {  	s10 =	simm.s32 @!p0 $0x7;
	[sflag:s11] =	ssyncset.done @!p0 $0x0  }
0x122: {  	s13 =	simm.s32 @!p0 $0x400;
	[sflag:s11] =	ssyncadd.s32 @!p0 $0xFFFFF000;
	s11 =	simm.s32 @!p0 $0x300  }
0x123: {  	[spmem:s4] =	stream.indirect.scatter.add.f32 @!p0 [tilespmem:s13], [sflag:$0x7], $0x80, s11, s12, $0xb8;
	v63 =	vld [tilespmem:$0x0]  }
0x124: {  	_ =	swait.ge @!p0 [sflag:s10], $0x1000  }
0x125: {  	s14 =	rddreg [dreg:$0x6]  }
0x126: {  	[sflag:s10] =	ssyncset.done @!p0 $0x0;
	s15 =	rddreg [dreg:$0x5]  }
0x127: {  	[sflag:s10] =	ssyncadd.s32 @!p0 $0xFFFFF000;
	s10 =	sadd.s32 @!p0 s8, s14;
	s14 =	simm.s32 @!p0 $0x100  }
0x128: {  	[tilespmem:s14], [sflag:$0x3] =	stream.linear.gather @!p0 [hbm4b:s10+s9], $0x80, $0x38;
	v63 =	vld [tilespmem:$0x0]  }
0x129: {  	s8 =	sadd.s32 @!p0 s8, s15  }
0x12a: {  	[tilespmem:s11], [sflag:$0x3] =	stream.linear.gather @!p0 [hbm4b:s8+s9], $0x80, $0x38;
	v63 =	vld [tilespmem:$0x0]  }
0x12b: {  	s8 =	simm.s32 @!p0 $0x2  }
0x12c: {  	_ =	swait.ge @!p0 [sflag:s8], $0x80  }
0x12d: {  	[sflag:s8] =	ssyncset.done @!p0 $0x0  }
0x12e: {  	[sflag:s8] =	ssyncadd.s32 @!p0 $0xFFFFFF80  }
0x12f: {  	_ =	swait.ge @!p0 [sflag:s8], $0x80  }
0x130: {  	[sflag:s8] =	ssyncset.done @!p0 $0x0  }
0x131: {  	[sflag:s8] =	ssyncadd.s32 @!p0 $0xFFFFFF80  }
0x132: {  	[tilespmem:s13], [sflag:$0x5] =	stream.indirect.gather @!p0 [spmem:s3], $0x80, s9, s12, $0xb8;
	v63 =	vld [tilespmem:$0x0]  }
0x133: {  	_ =	swait.ge [sflag:s1], $0x1000  }
0x134: {  	[sflag:s1] =	ssyncset.done $0x0  }
0x135: {  	[sflag:s1] =	ssyncadd.s32 $0xFFFFF000  }
0x136: {  	[spmem:s4] =	stream.indirect.scatter.add.f32 [tilespmem:s31], [sflag:$0x7], $0x80, s29, s26, $0xb8;
	v63 =	vld [tilespmem:$0x0]  }
0x137: {  	_ =	swait.ge [sflag:s17], $0x1000  }
0x138: {  	[sflag:s17] =	ssyncset.done $0x0  }
0x139: {  	[sflag:s17] =	ssyncadd.s32 $0xFFFFF000  }
0x13a: {  	[bflag:$0x0] =	sbarrier.arrive $0xFFFF  }
0x13b: {  	s16 =	rddreg [dreg:$0x16]  }
0x13c: {  	[hbm:s16], [sflag:s7] =	dma.local [spmem:s6], $0x2780  }
0x13d: {  	_ =	swait.ge [sflag:s17], $0x2780  }
0x13e: {  	s23 =	sadd.s32 $0x1, s23;
	s18 =	rddreg [dreg:$0x17]  }
0x13f: {  	p0 =	sne.s32 s23, s18  }
.Ltmp1:
0x140: {  	_ = 	snop;
	(pc) =	sbr.rel @p0 .LBB2_1-.Ltmp1, $3  }
0x141: {  	_ =	sdelay $0x1  }
0x142: {  	[sflag:s17] =	ssyncset.done $0x0  }
0x143: {  	[sflag:s17] =	ssyncadd.s32 $0xFFFFD880  }
0x144: {  	_ =	sfence.sel $0x180000  }
0x145: {  	[bflag:$0x0] =	sbarrier.arrive $0xFFFF  }
0x146: {  	_ =	strace $0x9000004D  }
0x147: {  	s0 =	stileid.u32;
	[bflag:$0x2] =	sbarrier.arrive $0xFFFF  }
0x148: {  	p0 =	sne.s32 s0, $0x0;
	s0 =	rddreg [dreg:$0x4]  }
0x149: {  	s0 =	sadd.s32 @!p0 $0x100000, s0  }
0x14a: {  	[sflag:s0] =	ssyncadd.tile.s32 @!p0 $0x1;
	_ =	shalt  }
.Lfunc_end2:
_tile_overlayer_lowered:
.L_overlay_start_2:
0x14b: {  	(tag) =	ssettag $0x2  }
0x14c: {  	s0 =	rddreg [dreg:$0x0];
	s2 =	stileid.u32  }
0x14d: {  	s1 =	rddreg [dreg:$0x1];
	p0 =	sne.s32 s2, $0x0  }
0x14e: {  	s3 =	rddreg [dreg:$0x2];
	[bflag:$0x3] =	sbarrier.arrive $0xFFFF;
	s2 =	simm.s32 @!p0 $0x1C07  }
0x14f: {  	[timem:s3], [sflag:s2] =	dma.local @!p0 [hbm:s0], s1  }
0x150: {  	s0 =	simm.s32 @!p0 $0x7  }
0x151: {  	_ =	swait.ge @!p0 [sflag:s0], s1  }
0x152: {  	s1 =	ssub.s32 @!p0 $0x0, s1;
	[sflag:s0] =	ssyncset.done @!p0 $0x0  }
0x153: {  	[sflag:s0] =	ssyncadd.s32 @!p0 s1  }
0x154: {  	[bflag:$0x3] =	sbarrier.arrive $0xFFFF  }
0x155: {  	_ =	shalt  }

// kernel: kernel.9.cloned.1.call-start
scs
__scs_entry_jumppad:
0x0: {  	(pc) =	sbr.rel $0x88, $3  }
0x1: {  	(tag) =	ssettag $0x0;
	lr =	simm.s32 $0x1  }
0x2: {  	[smem:$0x3F9B] =	sst lr;
	_ =	strace $0xD0000000  }
0x3: {  	_ = 	snop  }
0x4: {  	_ = 	snop  }
0x5: {  	_ = 	snop  }
0x6: {  	_ = 	snop  }
0x7: {  	_ = 	snop  }
__scs_overlays_trampoline_lowered:
0x8: {  	[smem:$0x3FAA] =	sst s0  }
0x9: {  	[smem:$0x3FAB] =	sst s1  }
0xa: {  	[smem:$0x3FAC] =	sst s2  }
0xb: {  	[smem:$0x3FAD] =	sst s3  }
0xc: {  	[smem:$0x3FAE] =	sst s4  }
0xd: {  	[smem:$0x3FAF] =	sst s5  }
0xe: {  	[smem:$0x3FB0] =	sst s6  }
0xf: {  	[smem:$0x3FB1] =	sst s7  }
0x10: {  	[smem:$0x3FB2] =	sst s8  }
0x11: {  	[smem:$0x3FB3] =	sst s9;
	s0 =	simm.s32 @!p0 $0x0  }
0x12: {  	s1 =	sld [smem:$0x3F99];
	s0 =	simm.s32 @p0 $0x1  }
0x13: {  	[smem:$0x3FB4] =	sst s0;
	s0 =	simm.s32 @!p1 $0x0  }
0x14: {  	s2 =	sld [smem:$0x3F98];
	s0 =	simm.s32 @p1 $0x1  }
0x15: {  	[smem:$0x3FB5] =	sst s0;
	s0 =	simm.s32 @!p2 $0x0  }
0x16: {  	s3 =	sld [smem:$0x3FDB];
	s0 =	simm.s32 @p2 $0x1  }
0x17: {  	s4 =	simm.s32 $0x1BF5;
	[smem:$0x3FB7] =	sst s0  }
0x18: {  	s0 =	sld [smem:$0x3F9A];
	_ =	swait.ge [sflag:s4], $0x0  }
0x19: {  	s7 =	sld [smem:$0x3F9B]  }
0x1a: {  	s8 =	sadd.s32 $0xFFFFE003, lr  }
0x1b: {  	s9 =	sadd.s32 $0xFFFFFEF7, lr;
	s5 =	simm.s32 $0xFFFFFFFF;
	p2 =	slt.u32 s8, $0xFFFFF086  }
0x1c: {  	p1 =	slt.u32 s9, $0xF7A;
	s5 =	simm.s32 @!p2 $0x0  }
0x1d: {  	s5 =	simm.s32 @p1 $0x1;
	p0 =	seq.s32 s7, s2  }
0x1e: {  	s7 =	smul.u32 @!p0 $0xF7A, s2;
	p2 =	seq.s32 @!p0 s5, $0x0  }
0x1f: {  	s9 =	smul.u32 $0xF7A, s1;
	s8 =	simm.s32 @!p0 $0x1BF5;
	p2 =	por !p2, p0  }
0x20: {  	[sflag:s8] =	ssyncset.s32 @!p0 $0xFFFFF086;
	s6 =	sadd.s32 @!p0 s3, s7;
	s7 =	simm.s32 @!p0 $0x108  }
0x21: {  	s3 =	sadd.s32 s3, s9;
	s6 =	sadd.s32 @!p0 $0x88, s6;
	s7 =	simm.s32 @p2 $0x1082  }
0x22: {  	[simem:s7], [sflag:s8] =	dma.local @!p0 [hbm:s6], $0xF7A  }
0x23: {  	s9 =	sor.u32 $0xD0000000, s2;
	s6 =	simm.s32 $0x108;
	_ =	swait.ge @!p0 [sflag:s8], $0x0  }
0x24: {  	s3 =	sadd.s32 $0x88, s3;
	s6 =	simm.s32 @!p1 $0x1082;
	[sflag:s4] =	ssyncset.s32 $0xFFFFF086  }
0x25: {  	[simem:s6], [sflag:s4] =	dma.local [hbm:s3], $0xF7A  }
0x26: {  	[smem:$0x3F9B] =	sst s1;
	(tag) =	ssettag s2;
	_ =	strace s9  }
0x27: {  	s1 =	sld [smem:$0x3FAB]  }
0x28: {  	s2 =	sld [smem:$0x3FAC]  }
0x29: {  	s4 =	sld [smem:$0x3FAE]  }
0x2a: {  	p0 =	seq.s32 s5, $0x0;
	s5 =	sld [smem:$0x3FAF]  }
0x2b: {  	s6 =	sld [smem:$0x3FB0]  }
0x2c: {  	s7 =	sld [smem:$0x3FB1]  }
0x2d: {  	s3 =	simm.s32 $0x108;
	s8 =	sld [smem:$0x3FB2]  }
0x2e: {  	s3 =	simm.s32 @!p0 $0x1082;
	s9 =	sld [smem:$0x3FB3]  }
0x2f: {  	lr =	sadd.s32 s0, s3;
	s0 =	sld [smem:$0x3FAA]  }
0x30: {  	s3 =	sld [smem:$0x3FAD]  }
0x31: {  	[smem:$0x3FB6] =	sst s10  }
0x32: {  	s10 =	sld [smem:$0x3FB4];
	_ =	sdelay $0x3  }
0x33: {  	p0 =	seq.s32 s10, $0x1;
	s10 =	sld [smem:$0x3FB6];
	_ =	sdelay $0x3  }
0x34: {  	[smem:$0x3FB6] =	sst s10  }
0x35: {  	s10 =	sld [smem:$0x3FB5];
	_ =	sdelay $0x3  }
0x36: {  	p1 =	seq.s32 s10, $0x1;
	s10 =	sld [smem:$0x3FB6];
	_ =	sdelay $0x3  }
0x37: {  	[smem:$0x3FB6] =	sst s10  }
0x38: {  	s10 =	sld [smem:$0x3FB7]  }
0x39: {  	_ = 	snop;
	(pc) =	sbr.ind lr, $3  }
0x3a: {  	_ = 	snop  }
0x3b: {  	_ = 	snop  }
0x3c: {  	p2 =	seq.s32 s10, $0x1;
	s10 =	sld [smem:$0x3FB6]  }
0x3d: {  	_ =	shalt  }
0x3e: {  	_ =	shalt  }
0x3f: {  	_ =	shalt  }
0x40: {  	_ =	shalt  }
0x41: {  	_ =	shalt  }
0x42: {  	_ =	shalt  }
0x43: {  	_ =	shalt  }
0x44: {  	_ =	shalt  }
0x45: {  	_ =	shalt  }
0x46: {  	_ =	shalt  }
0x47: {  	_ =	shalt  }
0x48: {  	_ =	shalt  }
0x49: {  	_ =	shalt  }
0x4a: {  	_ =	shalt  }
0x4b: {  	_ =	shalt  }
0x4c: {  	_ =	shalt  }
0x4d: {  	_ =	shalt  }
0x4e: {  	_ =	shalt  }
0x4f: {  	_ =	shalt  }
0x50: {  	_ =	shalt  }
0x51: {  	_ =	shalt  }
0x52: {  	_ =	shalt  }
0x53: {  	_ =	shalt  }
0x54: {  	_ =	shalt  }
0x55: {  	_ =	shalt  }
0x56: {  	_ =	shalt  }
0x57: {  	_ =	shalt  }
0x58: {  	_ =	shalt  }
0x59: {  	_ =	shalt  }
0x5a: {  	_ =	shalt  }
0x5b: {  	_ =	shalt  }
0x5c: {  	_ =	shalt  }
0x5d: {  	_ =	shalt  }
0x5e: {  	_ =	shalt  }
0x5f: {  	_ =	shalt  }
0x60: {  	_ =	shalt  }
0x61: {  	_ =	shalt  }
0x62: {  	_ =	shalt  }
0x63: {  	_ =	shalt  }
0x64: {  	_ =	shalt  }
0x65: {  	_ =	shalt  }
0x66: {  	_ =	shalt  }
0x67: {  	_ =	shalt  }
0x68: {  	_ =	shalt  }
0x69: {  	_ =	shalt  }
0x6a: {  	_ =	shalt  }
0x6b: {  	_ =	shalt  }
0x6c: {  	_ =	shalt  }
0x6d: {  	_ =	shalt  }
0x6e: {  	_ =	shalt  }
0x6f: {  	_ =	shalt  }
0x70: {  	_ =	shalt  }
0x71: {  	_ =	shalt  }
0x72: {  	_ =	shalt  }
0x73: {  	_ =	shalt  }
0x74: {  	_ =	shalt  }
0x75: {  	_ =	shalt  }
0x76: {  	_ =	shalt  }
0x77: {  	_ =	shalt  }
0x78: {  	_ =	shalt  }
0x79: {  	_ =	shalt  }
0x7a: {  	_ =	shalt  }
0x7b: {  	_ =	shalt  }
0x7c: {  	_ =	shalt  }
0x7d: {  	_ =	shalt  }
0x7e: {  	_ =	shalt  }
0x7f: {  	_ =	shalt  }
0x80: {  	_ =	shalt  }
0x81: {  	_ =	shalt  }
0x82: {  	_ =	shalt  }
0x83: {  	_ =	shalt  }
0x84: {  	_ =	shalt  }
0x85: {  	_ =	shalt  }
0x86: {  	_ =	shalt  }
0x87: {  	_ =	shalt  }
.Lfunc_end0:
.L_simem_size_0:
called_computation_lowered:
.L_overlay_start_0:
0x88: {  	s2 =	sld [smem:$0x3FD9]  }
0x89: {  	s3 =	sld [smem:$0x3FFE];
	_ =	sdelay $0x1  }
0x8a: {  	s1 =	srdreg.scid  }
0x8b: {  	s0 =	sand.u32 $0x1, s1  }
0x8c: {  	s17 =	sshll.u32 s0, $0xA;
	s2 =	sadd.s32 s3, s2  }
0x8d: {  	s2 =	sadd.s32 s2, s17  }
0x8e: {  	[smem:$0x3FC2] =	sst s2  }
0x8f: {  	_ = 	snop  }
0x90: {  	s2 =	sld [smem:$0x3FD0];
	(tm) =	ssettm $0x1  }
0x91: {  	s18 =	sld [smem:$0x3FFB];
	_ =	sdelay $0x3  }
0x92: {  	_ =	strace s18  }
0x93: {  	s3 =	sld [smem:$0x3FFC];
	_ =	sdelay $0x3  }
0x94: {  	_ =	strace s3  }
0x95: {  	s3 =	sld [smem:$0x3FFD];
	_ =	sdelay $0x3  }
0x96: {  	_ =	strace s3  }
0x97: {  	_ =	strace $0x8FFFFFFF  }
0x98: {  	s19 =	sld [smem:$0x3FDB];
	_ =	sdelay $0x1  }
0x99: {  	s4 =	simm.s32 $_scs_section_size  }
0x9a: {  	s5 =	simm.s32 $_size__tile_overlayer_lowered;
	s6 =	simm.s32 $_tile_overlayer_lowered  }
0x9b: {  	s22 =	simm.s32 $0x1BFF;
	s21 =	sshll.u32 s6, $0x1;
	s3 =	sadd.s32 s4, s19  }
0x9c: {  	s7 =	simm.s32 $0x0;
	s20 =	sshll.u32 s5, $0x1;
	s5 =	sadd.s32 s21, s3  }
0x9d: {  	[timem:s7], [sflag:s22] =	dma.local [hbm:s5], s20  }
0x9e: {  	_ =	swait.ge [sflag:s22], s20  }
0x9f: {  	s4 =	ssub.s32 $0x0, s20;
	[sflag:s22] =	ssyncset.done $0x0  }
0xa0: {  	[sflag:s22] =	ssyncadd.s32 s4;
	_ =	sdelay $0x1  }
0xa1: {  	s23 =	simm.s32 $0x1B8B  }
0xa2: {  	_ =	swait.ge [sflag:s23], $0x1  }
0xa3: {  	[sflag:s23] =	ssyncset.done $0x0  }
0xa4: {  	s25 =	simm.s32 $0x1B8E;
	s24 =	sld [smem:$0x3FFE];
	[sflag:s23] =	ssyncadd.s32 $0xFFFFFFFF  }
0xa5: {  	s26 =	simm.s32 $execute0_lowered;
	[smem:$0x3FD2] =	sst s25  }
0xa6: {  	s5 =	sshll.u32 s26, $0x1;
	_ =	strace $0x80000046;
	[dreg:$0x1] =	wrdreg $0xFFFFFFFF  }
0xa7: {  	s28 =	simm.s32 $_size_execute0_lowered;
	s3 =	sadd.s32 s3, s5;
	[dreg:$0x0] =	wrdreg $0x0  }
0xa8: {  	s5 =	sshll.u32 s28, $0x1;
	[dreg:$0x2] =	wrdreg s3  }
0xa9: {  	[dreg:$0x3] =	wrdreg s5  }
0xaa: {  	[dreg:$0x4] =	wrdreg $0xC0  }
0xab: {  	_ =	task [dreg:s7], $0x5FFFF  }
0xac: {  	[dreg:$0x1] =	wrdreg $0xFFFFFFFF  }
0xad: {  	[dreg:$0x0] =	wrdreg $0x60  }
0xae: {  	[dreg:$0x2] =	wrdreg s24  }
0xaf: {  	[dreg:$0x3] =	wrdreg s2  }
0xb0: {  	[dreg:$0x4] =	wrdreg $0x50800  }
0xb1: {  	[dreg:$0x5] =	wrdreg $0x53000  }
0xb2: {  	[dreg:$0x6] =	wrdreg $0x9  }
0xb3: {  	_ =	task.clear_ibuf [dreg:s7], $0x7FFFF;
	_ =	strace $0x90000046  }
0xb4: {  	s29 =	simm.s32 $0x9;
	_ =	strace $0x80000048  }
0xb5: {  	_ =	swait.ge [sflag:s29], $0x1  }
0xb6: {  	[sflag:s29] =	ssyncadd.s32 $0xFFFFFFFF  }
0xb7: {  	_ =	strace $0x90000048  }
0xb8: {  	_ =	sfence  }
0xb9: {  	s30 =	sld [smem:$0x0];
	_ =	sdelay $0x2  }
0xba: {  	s31 =	sshll.u32 s1, $0xD;
	s1 =	sshrl.u32 s1, $0x2  }
0xbb: {  	s3 =	sand.u32 $0x4000, s31;
	s1 =	sadd.s32 s1, s30  }
0xbc: {  	s0 =	sor.u32 s3, s0;
	s1 =	sshll.u32 s1, $0x11  }
0xbd: {  	s0 =	sor.u32 s1, s0  }
0xbe: {  	s0 =	sadd.s32 $0x8F2B, s0  }
0xbf: {  	[sflag:s0] =	ssyncadd.remote.s32 $0x1  }
0xc0: {  	_ =	sfence.sel $0xFFFF  }
0xc1: {  	[dreg:$0x0] =	wrdreg $0xFFFFFFFF;
	(pc) =	sbr.abs _section_cstart, $3  }
0xc2: {  	[dreg:$0x1] =	wrdreg $0xFFFFFFFF  }
0xc3: {  	_ =	task.clear_ibuf [dreg:s7], $0x2FFFF;
	_ =	strace $0x9FFFFFFF  }
0xc4: {  	(tm) =	ssettm $0x7FFFFFFF  }
0xc5: {  	_ =	shalt  }
tec
execute0_lowered:
.L_overlay_start_1:
0x0: {  	(tag) =	ssettag $0x1  }
0x1: {  	s5 =	rddreg [dreg:$0x0]  }
0x2: {  	s7 =	rddreg [dreg:$0x1]  }
0x3: {  	s0 =	srdreg.scid;
	s2 =	rddreg [dreg:$0x2]  }
0x4: {  	s3 =	rddreg [dreg:$0x3];
	s4 =	simm.s32 $0x0;
	s14 =	simm.s32 $0x40  }
0x5: {  	s15 =	simm.s32 $0x5000;
	s16 =	simm.s32 $0x20;
	s6 =	sand.u32 $0x1, s0  }
0x6: {  	s17 =	simm.s32 $0x10;
	s0 =	stileid.u32;
	s9 =	smul.u32 $0x5000, s6  }
0x7: {  	s18 =	simm.s32 $0x0;
	[smem:$0x7FF] =	sst s4;
	s10 =	smul.u32 $0x500, s0  }
0x8: {  	s1 =	sshll.u32 s6, $0x4;
	s6 =	ssub.s32 $0x2, s6;
	s12 =	smul.u32 $0x280, s0  }
0x9: {  	s30 =	sshll.u32 s0, $0x6;
	s8 =	sor.u32 s0, s1;
	s1 =	rddreg [dreg:$0x4]  }
0xa: {  	_ =	strace $0x80000047;
	s11 =	sshrl.u32 s6, $0x1;
	s8 =	smul.u32 $0xA00, s8  }
0xb: {  	s9 =	sadd.s32 s10, s9;
	s29 =	ssub.s32 s6, s11;
	s31 =	sadd.s32 s12, s2  }
0xc: {  	s6 =	sor.u32 $0x1C01, s30;
	s13 =	sadd.s32 s12, s3;
	s12 =	simm.s32 $0x1  }
0xd: {  	s9 =	sshrl.u32 s9, $0x3;
	s10 =	smax.u32 s29, $0x1;
	s11 =	sshrl.u32 s31, $0x3  }
0xe: {  	s13 =	sshrl.u32 s13, $0x3;
	s8 =	sadd.s32 s8, s5;
	s7 =	sadd.s32 s7, s9  }
0xf: {  	v0 =	vimm.f32 $1.000000000e+00;
	s5 =	sadd.s32 $0x15C00, s5;
	s8 =	sadd.s32 $0x1C00, s8;
	s9 =	sadd.s32 $0x10, s7  }
.LBB2_1:
0x10: {  	[spmem:s11], [sflag:s6] =	dma.local [hbm:s5], $0x50  }
0x11: {  	_ =	swait.ge [sflag:s12], $0x50  }
0x12: {  	[sflag:s12] =	ssyncset.done $0x0  }
0x13: {  	[sflag:s12] =	ssyncadd.s32 $0xFFFFFFB0  }
0x14: {  	[spmem:s13], [sflag:s6] =	dma.local [hbm:s5], $0x50  }
0x15: {  	_ =	swait.ge [sflag:s12], $0x50  }
0x16: {  	[sflag:s12] =	ssyncset.done $0x0  }
0x17: {  	[sflag:s12] =	ssyncadd.s32 $0xFFFFFFB0  }
0x18: {  	[tilespmem:s4], [sflag:$0x1] =	stream.linear.gather [hbm4b:s8+s4], $0x5000, $0x38;
	[tilespmem:$0x5580] =	vst v63  }
0x19: {  	_ =	swait.ge [sflag:s12], $0x5000  }
0x1a: {  	[sflag:s12] =	ssyncset.done $0x0  }
0x1b: {  	[sflag:s12] =	ssyncadd.s32 $0xFFFFB000  }
0x1c: {  	[tilespmem:$0x5000] =	vst v0  }
0x1d: {  	[tilespmem:$0x5010] =	vst v0  }
0x1e: {  	[tilespmem:$0x5020] =	vst v0  }
0x1f: {  	[tilespmem:$0x5030] =	vst v0  }
0x20: {  	s19 =	simm.s32 $0x0;
	[bflag:$0x0] =	sbarrier.arrive $0xFFFF  }
0x21: {  	[spmem:s2] =	stream.indirect.scatter.add.f32 [tilespmem:s15], [sflag:$0x1], $0x1, s19, s14, $0xb8;
	[tilespmem:$0x5580] =	vst v63  }
0x22: {  	_ =	swait.ge [sflag:s12], $0x40  }
0x23: {  	[sflag:s12] =	ssyncset.done $0x0  }
0x24: {  	s31 =	simm.s32 $0x40;
	[sflag:s12] =	ssyncadd.s32 $0xFFFFFFC0  }
0x25: {  	[spmem:s3] =	stream.indirect.scatter.add.f32 [tilespmem:s15], [sflag:$0x1], $0x1, s31, s14, $0xb8;
	[tilespmem:$0x5580] =	vst v63  }
0x26: {  	_ =	swait.ge [sflag:s12], $0x40  }
0x27: {  	s20 =	simm.s32 $0x400;
	s19 =	simm.s32 $0x200;
	[sflag:s12] =	ssyncset.done $0x0  }
.LBB2_2:
0x28: {  	s21 =	sshra.s32 s19, $0x2  }
0x29: {  	[sflag:s12] =	ssyncadd.s32 $0xFFFFFFC0;
	s19 =	smov.u32 s20;
	s22 =	sadd.s32 $0x200, s20  }
0x2a: {  	[spmem:s2] =	stream.indirect.scatter.add.f32 [tilespmem:s15], [sflag:$0x1], $0x1, s21, s14, $0xb8;
	[tilespmem:$0x5580] =	vst v63  }
0x2b: {  	p0 =	sne.s32 s20, $0x13E00;
	_ =	swait.ge [sflag:s12], $0x40  }
.Ltmp0:
0x2c: {  	[sflag:s12] =	ssyncset.done $0x0;
	(pc) =	sbr.rel @p0 .LBB2_2-.Ltmp0, $4  }
0x2d: {  	s20 =	sadd.s32 $0x40, s21;
	[sflag:s12] =	ssyncadd.s32 $0xFFFFFFC0  }
0x2e: {  	[spmem:s3] =	stream.indirect.scatter.add.f32 [tilespmem:s15], [sflag:$0x1], $0x1, s20, s14, $0xb8;
	[tilespmem:$0x5580] =	vst v63  }
0x2f: {  	_ =	swait.ge [sflag:s12], $0x40  }
0x30: {  	s20 =	smov.u32 s22;
	[sflag:s12] =	ssyncset.done $0x0  }
0x31: {  	s19 =	sshra.s32 s19, $0x2;
	[sflag:s12] =	ssyncadd.s32 $0xFFFFFFC0  }
0x32: {  	[spmem:s2] =	stream.indirect.scatter.add.f32 [tilespmem:s15], [sflag:$0x1], $0x1, s19, s14, $0xb8;
	[tilespmem:$0x5580] =	vst v63  }
0x33: {  	_ =	swait.ge [sflag:s12], $0x40  }
0x34: {  	[sflag:s12] =	ssyncset.done $0x0  }
0x35: {  	s19 =	sadd.s32 $0x40, s19;
	[sflag:s12] =	ssyncadd.s32 $0xFFFFFFC0  }
0x36: {  	[spmem:s3] =	stream.indirect.scatter.add.f32 [tilespmem:s15], [sflag:$0x1], $0x1, s19, s14, $0xb8;
	[tilespmem:$0x5580] =	vst v63  }
0x37: {  	_ =	swait.ge [sflag:s12], $0x40  }
0x38: {  	[sflag:s12] =	ssyncset.done $0x0  }
0x39: {  	[sflag:s12] =	ssyncadd.s32 $0xFFFFFFC0  }
0x3a: {  	[bflag:$0x0] =	sbarrier.arrive $0xFFFF  }
0x3b: {  	[hbm:s7@s16], [sflag:s6] =	dma.strided [spmem:s11@s17], $0x50, s12, $0x10   }
0x3c: {  	s18 =	sadd.s32 $0x1, s18;
	_ =	swait.ge [sflag:s12], $0x50  }
0x3d: {  	p0 =	sne.s32 s18, s10;
	[sflag:s12] =	ssyncset.done $0x0  }
.Ltmp1:
0x3e: {  	[sflag:s12] =	ssyncadd.s32 $0xFFFFFFB0;
	(pc) =	sbr.rel @p0 .LBB2_1-.Ltmp1, $4  }
0x3f: {  	[hbm:s9@s16], [sflag:s6] =	dma.strided [spmem:s13@s17], $0x50, s12, $0x10   }
0x40: {  	_ =	swait.ge [sflag:s12], $0x50  }
0x41: {  	[sflag:s12] =	ssyncset.done $0x0  }
0x42: {  	[sflag:s12] =	ssyncadd.s32 $0xFFFFFFB0  }
0x43: {  	_ =	sfence.sel $0x180000  }
0x44: {  	[bflag:$0x0] =	sbarrier.arrive $0xFFFF  }
0x45: {  	p0 =	sne.s32 s0, $0x0;
	_ =	strace $0x90000047  }
0x46: {  	s0 =	sadd.s32 @!p0 $0x100000, s1;
	[bflag:$0x2] =	sbarrier.arrive $0xFFFF  }
0x47: {  	[sflag:s0] =	ssyncadd.tile.s32 @!p0 $0x1;
	_ =	shalt  }
.Lfunc_end2:
_tile_overlayer_lowered:
.L_overlay_start_2:
0x48: {  	(tag) =	ssettag $0x2  }
0x49: {  	s0 =	rddreg [dreg:$0x0];
	s2 =	stileid.u32  }
0x4a: {  	s1 =	rddreg [dreg:$0x1];
	p0 =	sne.s32 s2, $0x0  }
0x4b: {  	s3 =	rddreg [dreg:$0x2];
	[bflag:$0x3] =	sbarrier.arrive $0xFFFF;
	s2 =	simm.s32 @!p0 $0x1C01  }
0x4c: {  	[timem:s3], [sflag:s2] =	dma.local @!p0 [hbm:s0], s1  }
0x4d: {  	s0 =	simm.s32 @!p0 $0x1  }
0x4e: {  	_ =	swait.ge @!p0 [sflag:s0], s1  }
0x4f: {  	s1 =	ssub.s32 @!p0 $0x0, s1;
	[sflag:s0] =	ssyncset.done @!p0 $0x0  }
0x50: {  	[sflag:s0] =	ssyncadd.s32 @!p0 s1  }
0x51: {  	[bflag:$0x3] =	sbarrier.arrive $0xFFFF  }
0x52: {  	_ =	shalt  }

</sc_bundles>
